<compile_context>
chip_gen: v7x
topology: tpu7x:2x2x1
jax: 0.10.2.dev20260603
libtpu: 0.0.44.dev20260713+nightly
codegen_flags: <defaults>
</compile_context>

<pallas_src>
import functools

import jax
import jax.numpy as jnp
from jax import lax
from jax.experimental import pallas as pl
from jax.experimental.pallas import tpu as pltpu
from jax.experimental.pallas import tpu_sc as plsc

_NC = 2
_NS = 16
_CHUNK = 128
_GCH = 512
_HW = 16


def _sc_mesh():
    return plsc.VectorSubcoreMesh(core_axis_name="c", subcore_axis_name="s")


def _hist_sc(d3, n_pad, ept):
    nch = ept // _CHUNK
    nrt = n_pad // _NS

    @functools.partial(
        pl.kernel,
        out_type=jax.ShapeDtypeStruct((_NC, n_pad, _HW), jnp.float32),
        mesh=_sc_mesh(),
        compiler_params=pltpu.CompilerParams(use_tc_tiling_on_sc=False),
        scratch_types=[
            pltpu.VMEM((nch, _CHUNK), jnp.int32),
            pltpu.VMEM((_CHUNK, _HW), jnp.float32),
            pltpu.VMEM((nrt, _HW), jnp.float32),
            pltpu.VMEM_SHARED((n_pad, _HW), jnp.float32),
        ],
    )
    def k(d_hbm, out_hbm, idx_v, ones_v, buf_v, deg_sh):
        cid = lax.axis_index("c")
        sid = lax.axis_index("s")
        wid = cid * _NS + sid

        pltpu.sync_copy(d_hbm.at[wid], idx_v)

        @pl.loop(0, _CHUNK)
        def _(i):
            ones_v[pl.ds(i, 1), pl.ds(0, _HW)] = jnp.ones((1, _HW), jnp.float32)

        @pl.loop(0, nrt)
        def _(i):
            buf_v[pl.ds(i, 1), pl.ds(0, _HW)] = jnp.zeros((1, _HW), jnp.float32)

        pltpu.sync_copy(buf_v, deg_sh.at[pl.ds(sid * nrt, nrt)])
        plsc.subcore_barrier()

        @pl.loop(0, nch)
        def _(j):
            pltpu.sync_copy(ones_v, deg_sh.at[idx_v.at[j]], add=True)

        plsc.subcore_barrier()
        pltpu.sync_copy(deg_sh.at[pl.ds(sid * nrt, nrt)], buf_v)
        pltpu.sync_copy(buf_v, out_hbm.at[cid].at[pl.ds(sid * nrt, nrt)])

    return k(d3)


def _scatter_sc(y2, sd4, n_pad, ept):
    dh = y2.shape[2]
    nch = ept // _CHUNK
    nrt = n_pad // _NS

    @functools.partial(
        pl.kernel,
        out_type=jax.ShapeDtypeStruct((_NC, n_pad, dh), jnp.float32),
        mesh=_sc_mesh(),
        compiler_params=pltpu.CompilerParams(use_tc_tiling_on_sc=False),
        scratch_types=[
            pltpu.VMEM((4, 2, _CHUNK), jnp.int32),
            pltpu.VMEM((4 * _CHUNK, dh), jnp.float32),
            pltpu.VMEM_SHARED((n_pad, dh), jnp.float32),
            pltpu.VMEM_SHARED((n_pad, dh), jnp.float32),
        ] + [pltpu.SemaphoreType.DMA] * 8,
    )
    def k(y_hbm, e_hbm, out_hbm, idxr, rows, z_sh, y_sp, *sems):
        sems_i = sems[:4]
        sems_g = sems[4:]
        cid = lax.axis_index("c")
        sid = lax.axis_index("s")

        def idx_cp(c, slot):
            return pltpu.make_async_copy(e_hbm.at[sid].at[c], idxr.at[slot],
                                         sems_i[slot])

        def g_cp(g, slot):
            return pltpu.make_async_copy(
                y_sp.at[idxr.at[slot, 0]],
                rows.at[pl.ds(slot * _CHUNK, _CHUNK)], sems_g[slot])

        @pl.loop(0, _CHUNK)
        def _(i):
            @pl.loop(0, dh, step=16)
            def _(c):
                rows[pl.ds(i, 1), pl.ds(c, 16)] = jnp.zeros((1, 16),
                                                            jnp.float32)

        @pl.loop(0, nrt, step=_CHUNK)
        def _(r):
            pltpu.sync_copy(rows.at[pl.ds(0, _CHUNK)],
                            z_sh.at[pl.ds(sid * nrt + r, _CHUNK)])
            pltpu.sync_copy(y_hbm.at[cid].at[pl.ds(sid * nrt + r, _CHUNK)],
                            rows.at[pl.ds(_CHUNK, _CHUNK)])
            pltpu.sync_copy(rows.at[pl.ds(_CHUNK, _CHUNK)],
                            y_sp.at[pl.ds(sid * nrt + r, _CHUNK)])

        plsc.subcore_barrier()

        for j in range(4):
            idx_cp(j, j).start()
        idx_cp(0, 0).wait()
        g_cp(0, 0).start()

        @pl.loop(0, nch, step=4)
        def _(c0):
            for j in range(4):
                c = c0 + j
                jn = (j + 1) % 4
                g_cp(c, j).wait()
                cn = c + 1

                @pl.when(cn < nch)
                def _():
                    idx_cp(cn, jn).wait()
                    g_cp(cn, jn).start()

                pltpu.sync_copy(rows.at[pl.ds(j * _CHUNK, _CHUNK)],
                                z_sh.at[idxr.at[j, 1]], add=True)

                @pl.when(c + 4 < nch)
                def _():
                    idx_cp(c + 4, j).start()

        plsc.subcore_barrier()
        for kk in range(nrt // _CHUNK):
            off = sid * nrt + kk * _CHUNK
            pltpu.sync_copy(z_sh.at[pl.ds(off, _CHUNK)], rows.at[pl.ds(0, _CHUNK)])
            pltpu.sync_copy(rows.at[pl.ds(0, _CHUNK)],
                            out_hbm.at[cid].at[pl.ds(off, _CHUNK)])

    return k(y2, sd4)


def _dense_in_tc(x, W_in, b_in, ln1_w, ln1_b, conv_W, n, n_pad):
    d = x.shape[1]
    dh = W_in.shape[1]
    blk = 1024
    grid = n_pad // blk

    def body(x_ref, w1_ref, b1_ref, lw_ref, lb_ref, w2_ref, h_ref, xw_ref):
        i = pl.program_id(0)
        t = jnp.dot(x_ref[...], w1_ref[...], preferred_element_type=jnp.float32)
        t = t + b1_ref[...]
        mu = jnp.mean(t, axis=1, keepdims=True)
        var = jnp.mean((t - mu) ** 2, axis=1, keepdims=True)
        t = (t - mu) * lax.rsqrt(var + 1e-5) * lw_ref[...] + lb_ref[...]
        h = jnp.maximum(t, 0.0)
        rowid = i * blk + lax.broadcasted_iota(jnp.int32, (blk, 1), 0)
        h = jnp.where(rowid < n, h, 0.0)
        h_ref[...] = h
        xw_ref[...] = jnp.dot(h, w2_ref[...], preferred_element_type=jnp.float32)

    return pl.pallas_call(
        body,
        grid=(grid,),
        in_specs=[
            pl.BlockSpec((blk, d), lambda i: (i, 0)),
            pl.BlockSpec((d, dh), lambda i: (0, 0)),
            pl.BlockSpec((1, dh), lambda i: (0, 0)),
            pl.BlockSpec((1, dh), lambda i: (0, 0)),
            pl.BlockSpec((1, dh), lambda i: (0, 0)),
            pl.BlockSpec((dh, dh), lambda i: (0, 0)),
        ],
        out_specs=[pl.BlockSpec((blk, dh), lambda i: (i, 0))] * 2,
        out_shape=[jax.ShapeDtypeStruct((n_pad, dh), jnp.float32)] * 2,
    )(x, W_in.astype(jnp.float32), b_in.reshape(1, dh), ln1_w.reshape(1, dh),
      ln1_b.reshape(1, dh), conv_W.astype(jnp.float32))


def _y_tc(cnt, xw_pad, n_pad):
    d = xw_pad.shape[1]
    dh = d // 2
    blk = 1024
    grid = n_pad // blk

    def body(cnt_ref, xw_ref, y_ref, dv_ref):
        c = cnt_ref[...]
        deg = c[0] + c[1] + 1.0
        dinv = lax.rsqrt(deg)
        dv_ref[...] = dinv
        y = xw_ref[...] * dinv
        y_ref[...] = jnp.stack([y[:, :dh], y[:, dh:]], axis=0)

    return pl.pallas_call(
        body,
        grid=(grid,),
        in_specs=[
            pl.BlockSpec((2, blk, 1), lambda i: (0, i, 0)),
            pl.BlockSpec((blk, d), lambda i: (i, 0)),
        ],
        out_specs=[
            pl.BlockSpec((2, blk, dh), lambda i: (0, i, 0)),
            pl.BlockSpec((blk, 1), lambda i: (i, 0)),
        ],
        out_shape=[
            jax.ShapeDtypeStruct((2, n_pad, dh), jnp.float32),
            jax.ShapeDtypeStruct((n_pad, 1), jnp.float32),
        ],
    )(cnt, xw_pad)


def _b1_tc(zp, xw_pad, dinv, conv_b, n, n_pad):
    d = xw_pad.shape[1]
    dh = d // 2
    blk = 1000
    grid = n // blk

    def body(z_ref, xw_ref, dv_ref, cb_ref, agg_ref, s_ref):
        i = pl.program_id(0)
        zs = z_ref[...]
        z = jnp.concatenate([zs[0], zs[1]], axis=1)
        dv = dv_ref[...]
        agg = dv * z + dv * dv * xw_ref[...] + cb_ref[...]
        agg_ref[...] = agg
        s1 = jnp.sum(agg, axis=0, keepdims=True)
        s2 = jnp.sum(agg * agg, axis=0, keepdims=True)
        s = jnp.concatenate([s1, s2], axis=0)

        @pl.when(i == 0)
        def _():
            s_ref[...] = s

        @pl.when(i > 0)
        def _():
            s_ref[...] += s

    return pl.pallas_call(
        body,
        grid=(grid,),
        in_specs=[
            pl.BlockSpec((2, blk, dh), lambda i: (0, i, 0)),
            pl.BlockSpec((blk, d), lambda i: (i, 0)),
            pl.BlockSpec((blk, 1), lambda i: (i, 0)),
            pl.BlockSpec((1, d), lambda i: (0, 0)),
        ],
        out_specs=[
            pl.BlockSpec((blk, d), lambda i: (i, 0)),
            pl.BlockSpec((2, d), lambda i: (0, 0)),
        ],
        out_shape=[
            jax.ShapeDtypeStruct((n, d), jnp.float32),
            jax.ShapeDtypeStruct((2, d), jnp.float32),
        ],
    )(zp, xw_pad, dinv, conv_b.reshape(1, d))


def _b2_tc(agg, s, h_pad, gn_w, gn_b, gn_ms, proj_W, proj_b, ln2_w, ln2_b, n):
    d = agg.shape[1]
    do = proj_W.shape[1]
    blk = 1000
    grid = n // blk

    def body(agg_ref, s_ref, h_ref, gw_ref, gb_ref, gms_ref, pw_ref, pb_ref,
             l2w_ref, l2b_ref, out_ref):
        s_val = s_ref[...]
        mean = s_val[0:1] / n
        m = gms_ref[...] * mean
        var = s_val[1:2] / n - 2.0 * m * mean + m * m
        c = (agg_ref[...] - m) * lax.rsqrt(var + 1e-5) * gw_ref[...] + gb_ref[...]
        c = jnp.maximum(c, 0.0)
        hr = c + h_ref[...]
        p = jnp.dot(hr, pw_ref[...], preferred_element_type=jnp.float32)
        p = p + pb_ref[...]
        mu = jnp.mean(p, axis=1, keepdims=True)
        v2 = jnp.mean((p - mu) ** 2, axis=1, keepdims=True)
        p = (p - mu) * lax.rsqrt(v2 + 1e-5) * l2w_ref[...] + l2b_ref[...]
        nrm = jnp.sqrt(jnp.sum(p * p, axis=1, keepdims=True))
        out_ref[...] = p / jnp.maximum(nrm, 1e-12)

    return pl.pallas_call(
        body,
        grid=(grid,),
        in_specs=[
            pl.BlockSpec((blk, d), lambda i: (i, 0)),
            pl.BlockSpec((2, d), lambda i: (0, 0)),
            pl.BlockSpec((blk, d), lambda i: (i, 0)),
            pl.BlockSpec((1, d), lambda i: (0, 0)),
            pl.BlockSpec((1, d), lambda i: (0, 0)),
            pl.BlockSpec((1, d), lambda i: (0, 0)),
            pl.BlockSpec((d, do), lambda i: (0, 0)),
            pl.BlockSpec((1, do), lambda i: (0, 0)),
            pl.BlockSpec((1, do), lambda i: (0, 0)),
            pl.BlockSpec((1, do), lambda i: (0, 0)),
        ],
        out_specs=pl.BlockSpec((blk, do), lambda i: (i, 0)),
        out_shape=jax.ShapeDtypeStruct((n, do), jnp.float32),
    )(agg, s, h_pad[:n], gn_w.reshape(1, d), gn_b.reshape(1, d),
      gn_ms.reshape(1, d), proj_W, proj_b.reshape(1, do),
      ln2_w.reshape(1, do), ln2_b.reshape(1, do))


def kernel(x, edge_index, W_in, b_in, ln1_w, ln1_b, conv_W, conv_b,
           gn_w, gn_b, gn_ms, proj_W, proj_b, ln2_w, ln2_b):
    n = x.shape[0]
    e = edge_index.shape[1]
    n_pad = ((n + 1023) // 1024) * 1024
    ept = ((e + _NS * _GCH - 1) // (_NS * _GCH)) * _GCH
    e_pad = ept * _NS
    nch = ept // _CHUNK

    s = edge_index[0]
    dst = edge_index[1]
    pad = e_pad - e
    s_pad = jnp.concatenate([s, jnp.full((pad,), n, jnp.int32)])
    d_pad = jnp.concatenate([dst, jnp.full((pad,), n, jnp.int32)])
    sd4 = jnp.stack([s_pad.reshape(_NS, nch, _CHUNK),
                     d_pad.reshape(_NS, nch, _CHUNK)], axis=2)

    epth = e_pad // (_NC * _NS)
    d3h = d_pad.reshape(_NC * _NS, epth // _CHUNK, _CHUNK)

    cnt_w = _hist_sc(d3h, n_pad, epth)
    cnt = cnt_w[:, :, :1]

    h_pad, xw_pad = _dense_in_tc(x, W_in, b_in, ln1_w, ln1_b, conv_W, n, n_pad)
    y2, dinv = _y_tc(cnt, xw_pad, n_pad)
    zp = _scatter_sc(y2, sd4, n_pad, ept)
    agg, s_mom = _b1_tc(zp, xw_pad, dinv, conv_b, n, n_pad)
    return _b2_tc(agg, s_mom, h_pad, gn_w, gn_b, gn_ms, proj_W, proj_b,
                  ln2_w, ln2_b, n)

# --- scband reference (transcript-rebuilt; emitter-appended) ---
"""Pipeline reference for scband-gcn-38603166057036 (READ-ONLY COPY).

The authoritative reference and input builder live on the scoring server;
editing this copy changes nothing except your own understanding.
"""

import jax, jax.numpy as jnp
import numpy as np

N = 10000
E = 320000
D_IN = 128
D_H = 128
D_OUT = 256


def layer_norm(x, w, b, eps=1e-5):
    mu = jnp.mean(x, axis=-1, keepdims=True)
    var = jnp.mean((x - mu) ** 2, axis=-1, keepdims=True)
    return (x - mu) / jnp.sqrt(var + eps) * w + b


def graph_norm(x, w, b, mean_scale, eps=1e-5):
    # PyG GraphNorm over a single graph: mean/var over nodes per channel
    mean = jnp.mean(x, axis=0, keepdims=True)
    out = x - mean_scale * mean
    var = jnp.mean(out ** 2, axis=0, keepdims=True)
    return w * out / jnp.sqrt(var + eps) + b


def gcn_conv(x, edge_index, W, b):
    n = x.shape[0]
    src = edge_index[0]
    dst = edge_index[1]
    loop = jnp.arange(n, dtype=src.dtype)
    s = jnp.concatenate([src, loop])
    d = jnp.concatenate([dst, loop])
    deg = jax.ops.segment_sum(jnp.ones(s.shape[0], dtype=x.dtype), d, num_segments=n)
    dinv = jnp.where(deg > 0, jax.lax.rsqrt(jnp.maximum(deg, 1e-12)), 0.0)
    norm = dinv[s] * dinv[d]
    xw = x @ W + b * 0.0  # bias added after aggregation below
    msg = jnp.take(xw, s, axis=0) * norm[:, None]
    agg = jax.ops.segment_sum(msg, d, num_segments=n)
    return agg + b


def setup_inputs(seed: int = 0):
    key = jax.random.key(seed)
    ks = jax.random.split(key, 16)
    inp = {}
    inp["x"] = jax.random.normal(ks[0], (N, D_IN), dtype=jnp.float32)
    inp["edge_index"] = jax.random.randint(ks[1], (2, E), 0, N, dtype=jnp.int32)
    inp["W_in"] = jax.random.normal(ks[2], (D_IN, D_H), dtype=jnp.float32) / np.sqrt(D_IN)
    inp["b_in"] = jnp.zeros((D_H,), dtype=jnp.float32)
    inp["ln1_w"] = jnp.ones((D_H,), dtype=jnp.float32)
    inp["ln1_b"] = jnp.zeros((D_H,), dtype=jnp.float32)
    inp["conv_W"] = jax.random.normal(ks[3], (D_H, D_H), dtype=jnp.float32) / np.sqrt(D_H)
    inp["conv_b"] = jnp.zeros((D_H,), dtype=jnp.float32)
    inp["gn_w"] = jnp.ones((D_H,), dtype=jnp.float32)
    inp["gn_b"] = jnp.zeros((D_H,), dtype=jnp.float32)
    inp["gn_ms"] = jnp.ones((D_H,), dtype=jnp.float32)
    inp["proj_W"] = jax.random.normal(ks[4], (D_H, D_OUT), dtype=jnp.float32) / np.sqrt(D_H)
    inp["proj_b"] = jnp.zeros((D_OUT,), dtype=jnp.float32)
    inp["ln2_w"] = jnp.ones((D_OUT,), dtype=jnp.float32)
    inp["ln2_b"] = jnp.zeros((D_OUT,), dtype=jnp.float32)
    return inp


def reference(x, edge_index, W_in, b_in, ln1_w, ln1_b, conv_W, conv_b, gn_w, gn_b, gn_ms, proj_W, proj_b, ln2_w, ln2_b):
    # input_transform: Linear -> LayerNorm -> ReLU (dropout is identity in eval)
    h = layer_norm(x @ W_in + b_in, ln1_w, ln1_b)
    h = jax.nn.relu(h)
    # ResGCNBlock: identity (in==out -> nn.Identity)
    identity = h
    c = gcn_conv(h, edge_index, conv_W, conv_b)
    c = graph_norm(c, gn_w, gn_b, gn_ms)
    c = jax.nn.relu(c)
    h = c + identity
    # projection: Linear -> LayerNorm (dropout identity)
    p = layer_norm(h @ proj_W + proj_b, ln2_w, ln2_b)
    # F.normalize(p=2, dim=-1)
    nrm = jnp.sqrt(jnp.sum(p ** 2, axis=-1, keepdims=True))
    out = p / jnp.maximum(nrm, 1e-12)
    return out


if False:  # reference __main__ guard neutralized (emitter)
    o = reference(**setup_inputs())
    print(o.shape, o.dtype)

if __name__ == "__main__":
    import jax
    _d = setup_inputs()
    print(jax.jit(kernel)(*tuple(_d.values())))

</pallas_src>

<mosaic_0001>
#map = affine_map<(d0, d1) -> (0, 0, 0)>
module attributes {stable_mosaic.version = 14 : i64} {
  func.func @k(%arg0: i32, %arg1: i32, %arg2: memref<32x80x128xi32, #tpu.memory_space<hbm>>, %arg3: memref<2x10240x16xf32, #tpu.memory_space<hbm>>, %arg4: memref<80x128xi32, #tpu.memory_space<vmem>>, %arg5: memref<128x16xf32, #tpu.memory_space<vmem>>, %arg6: memref<640x16xf32, #tpu.memory_space<vmem>>, %arg7: memref<10240x16xf32, #tpu.memory_space<vmem_shared>>) attributes {dimension_semantics = [#tpu.dimension_semantics<core_parallel>, #tpu.dimension_semantics<subcore_parallel>], iteration_bounds = array<i64: 2, 16>, scalar_prefetch = 0 : i64, scratch_operands = 4 : i64, tpu.core_type = #tpu.core_type<sc_vector_subcore>, window_params = [{transform_indices = #map}, {transform_indices = #map}]} {
    %mul3A = arith.constant 16 : i32
    %mul3A_0 = arith.muli %arg0, %mul3A : i32
    %add3A = arith.addi %mul3A_0, %arg1 : i32
    "tpu.region"() ({
      %run_scoped3A = tpu.sem_alloc : memref<!tpu.dma_semaphore, #tpu.memory_space<semaphore_mem>>
      %dma_start3A = arith.constant 0 : i32
      %dma_start3A_22 = arith.constant 0 : i32
      %dma_start3A_23 = tpu.memref_slice %arg2[%add3A, %dma_start3A, %dma_start3A_22] : memref<32x80x128xi32, #tpu.memory_space<hbm>> -> memref<1x80x128xi32, #tpu.memory_space<hbm>>
      %dma_start3A_24 = tpu.memref_squeeze %dma_start3A_23 : memref<1x80x128xi32, #tpu.memory_space<hbm>> -> memref<80x128xi32, #tpu.memory_space<hbm>>
      %dma_start3A_25 = arith.constant 0 : i32
      %dma_start3A_26 = arith.constant 0 : i32
      %dma_start3A_27 = tpu.memref_slice %arg2[%add3A, %dma_start3A_25, %dma_start3A_26] : memref<32x80x128xi32, #tpu.memory_space<hbm>> -> memref<1x80x128xi32, #tpu.memory_space<hbm>>
      %dma_start3A_28 = tpu.memref_squeeze %dma_start3A_27 : memref<1x80x128xi32, #tpu.memory_space<hbm>> -> memref<80x128xi32, #tpu.memory_space<hbm>>
      tpu.enqueue_dma source(%dma_start3A_28 : memref<80x128xi32, #tpu.memory_space<hbm>>) target(%arg4 : memref<80x128xi32, #tpu.memory_space<vmem>>) target_semaphore(%run_scoped3A : memref<!tpu.dma_semaphore, #tpu.memory_space<semaphore_mem>>)
      %dma_wait3A = arith.constant 0 : i32
      %dma_wait3A_29 = arith.constant 0 : i32
      %dma_wait3A_30 = tpu.memref_slice %arg2[%add3A, %dma_wait3A, %dma_wait3A_29] : memref<32x80x128xi32, #tpu.memory_space<hbm>> -> memref<1x80x128xi32, #tpu.memory_space<hbm>>
      %dma_wait3A_31 = tpu.memref_squeeze %dma_wait3A_30 : memref<1x80x128xi32, #tpu.memory_space<hbm>> -> memref<80x128xi32, #tpu.memory_space<hbm>>
      %dma_wait3A_32 = arith.constant 0 : i32
      %dma_wait3A_33 = arith.constant 0 : i32
      %dma_wait3A_34 = tpu.memref_slice %arg2[%add3A, %dma_wait3A_32, %dma_wait3A_33] : memref<32x80x128xi32, #tpu.memory_space<hbm>> -> memref<1x80x128xi32, #tpu.memory_space<hbm>>
      %dma_wait3A_35 = tpu.memref_squeeze %dma_wait3A_34 : memref<1x80x128xi32, #tpu.memory_space<hbm>> -> memref<80x128xi32, #tpu.memory_space<hbm>>
      tpu.wait_dma2 semaphore(%run_scoped3A : memref<!tpu.dma_semaphore, #tpu.memory_space<semaphore_mem>>) src(%dma_wait3A_35 : memref<80x128xi32, #tpu.memory_space<hbm>>) dst(%arg4 : memref<80x128xi32, #tpu.memory_space<vmem>>)
      tpu.yield
    }) : () -> ()
    %scan3A = arith.constant 0 : i32
    %scan3A_1 = arith.constant 128 : i32
    %scan3A_2 = arith.addi %scan3A, %scan3A_1 : i32
    %scan3A_3 = arith.constant 1 : i32
    scf.for %scan3A_22 = %scan3A to %scan3A_2 step %scan3A_3  : i32 {
      %mul3A_23 = arith.constant 1 : i32
      %mul3A_24 = arith.muli %scan3A_22, %mul3A_23 : i32
      %add3A_25 = arith.constant 0 : i32
      %add3A_26 = arith.addi %add3A_25, %mul3A_24 : i32
      %broadcast_in_dim3A = arith.constant 1.000000e+00 : f32
      %broadcast_in_dim3A_27 = vector.broadcast %broadcast_in_dim3A : f32 to vector<1x16xf32>
      %swap3A = arith.index_cast %add3A_26 : i32 to index
      %swap3A_28 = arith.constant 0 : index
      %swap3A_29 = tpu.vector_load %arg5[%swap3A, %swap3A_28] {strides = array<i32>} : memref<128x16xf32, #tpu.memory_space<vmem>>, vector<1x16xf32>,
      %swap3A_30 = vector.shape_cast %swap3A_29 : vector<1x16xf32> to vector<1x16xf32>
      %swap3A_31 = vector.shape_cast %broadcast_in_dim3A_27 : vector<1x16xf32> to vector<1x16xf32>
      tpu.vector_store %arg5[%swap3A, %swap3A_28], %swap3A_31 {strides = array<i32>} : memref<128x16xf32, #tpu.memory_space<vmem>>, vector<1x16xf32>,
    }
    %scan3A_4 = arith.constant 128 : i32
    %scan3A_5 = arith.constant 0 : i32
    %scan3A_6 = arith.constant 640 : i32
    %scan3A_7 = arith.addi %scan3A_5, %scan3A_6 : i32
    %scan3A_8 = arith.constant 1 : i32
    scf.for %scan3A_22 = %scan3A_5 to %scan3A_7 step %scan3A_8  : i32 {
      %mul3A_23 = arith.constant 1 : i32
      %mul3A_24 = arith.muli %scan3A_22, %mul3A_23 : i32
      %add3A_25 = arith.constant 0 : i32
      %add3A_26 = arith.addi %add3A_25, %mul3A_24 : i32
      %broadcast_in_dim3A = arith.constant 0.000000e+00 : f32
      %broadcast_in_dim3A_27 = vector.broadcast %broadcast_in_dim3A : f32 to vector<1x16xf32>
      %swap3A = arith.index_cast %add3A_26 : i32 to index
      %swap3A_28 = arith.constant 0 : index
      %swap3A_29 = tpu.vector_load %arg6[%swap3A, %swap3A_28] {strides = array<i32>} : memref<640x16xf32, #tpu.memory_space<vmem>>, vector<1x16xf32>,
      %swap3A_30 = vector.shape_cast %swap3A_29 : vector<1x16xf32> to vector<1x16xf32>
      %swap3A_31 = vector.shape_cast %broadcast_in_dim3A_27 : vector<1x16xf32> to vector<1x16xf32>
      tpu.vector_store %arg6[%swap3A, %swap3A_28], %swap3A_31 {strides = array<i32>} : memref<640x16xf32, #tpu.memory_space<vmem>>, vector<1x16xf32>,
    }
    %scan3A_9 = arith.constant 640 : i32
    %mul3A_10 = arith.constant 640 : i32
    %mul3A_11 = arith.muli %arg1, %mul3A_10 : i32
    "tpu.region"() ({
      %run_scoped3A = tpu.sem_alloc : memref<!tpu.dma_semaphore, #tpu.memory_space<semaphore_mem>>
      %dma_start3A = arith.constant 0 : i32
      %dma_start3A_22 = tpu.memref_slice %arg7[%mul3A_11, %dma_start3A] : memref<10240x16xf32, #tpu.memory_space<vmem_shared>> -> memref<640x16xf32, #tpu.memory_space<vmem_shared>>
      %dma_start3A_23 = arith.constant 0 : i32
      %dma_start3A_24 = tpu.memref_slice %arg7[%mul3A_11, %dma_start3A_23] : memref<10240x16xf32, #tpu.memory_space<vmem_shared>> -> memref<640x16xf32, #tpu.memory_space<vmem_shared>>
      tpu.enqueue_dma source(%arg6 : memref<640x16xf32, #tpu.memory_space<vmem>>) target(%dma_start3A_24 : memref<640x16xf32, #tpu.memory_space<vmem_shared>>) target_semaphore(%run_scoped3A : memref<!tpu.dma_semaphore, #tpu.memory_space<semaphore_mem>>)
      %dma_wait3A = arith.constant 0 : i32
      %dma_wait3A_25 = tpu.memref_slice %arg7[%mul3A_11, %dma_wait3A] : memref<10240x16xf32, #tpu.memory_space<vmem_shared>> -> memref<640x16xf32, #tpu.memory_space<vmem_shared>>
      %dma_wait3A_26 = arith.constant 0 : i32
      %dma_wait3A_27 = tpu.memref_slice %arg7[%mul3A_11, %dma_wait3A_26] : memref<10240x16xf32, #tpu.memory_space<vmem_shared>> -> memref<640x16xf32, #tpu.memory_space<vmem_shared>>
      tpu.wait_dma2 semaphore(%run_scoped3A : memref<!tpu.dma_semaphore, #tpu.memory_space<semaphore_mem>>) src(%arg6 : memref<640x16xf32, #tpu.memory_space<vmem>>) dst(%dma_wait3A_27 : memref<640x16xf32, #tpu.memory_space<vmem_shared>>)
      tpu.yield
    }) : () -> ()
    %barrier3A = arith.constant 0 : index
    tpu.barrier barrier_id(%barrier3A)
    %scan3A_12 = arith.constant 0 : i32
    %scan3A_13 = arith.constant 80 : i32
    %scan3A_14 = arith.addi %scan3A_12, %scan3A_13 : i32
    %scan3A_15 = arith.constant 1 : i32
    scf.for %scan3A_22 = %scan3A_12 to %scan3A_14 step %scan3A_15  : i32 {
      %mul3A_23 = arith.constant 1 : i32
      %mul3A_24 = arith.muli %scan3A_22, %mul3A_23 : i32
      %add3A_25 = arith.constant 0 : i32
      %add3A_26 = arith.addi %add3A_25, %mul3A_24 : i32
      "tpu.region"() ({
        %run_scoped3A = tpu.sem_alloc : memref<!tpu.dma_semaphore, #tpu.memory_space<semaphore_mem>>
        %dma_start3A = arith.constant 0 : i32
        %dma_start3A_27 = tpu.memref_slice %arg4[%add3A_26, %dma_start3A] : memref<80x128xi32, #tpu.memory_space<vmem>> -> memref<1x128xi32, #tpu.memory_space<vmem>>
        %dma_start3A_28 = tpu.memref_squeeze %dma_start3A_27 : memref<1x128xi32, #tpu.memory_space<vmem>> -> memref<128xi32, #tpu.memory_space<vmem>>
        %dma_start3A_29 = arith.constant 0 : i32
        %dma_start3A_30 = arith.constant 0 : i32
        %dma_start3A_31 = tpu.memref_slice %arg7[%dma_start3A_29, %dma_start3A_30] : memref<10240x16xf32, #tpu.memory_space<vmem_shared>> -> memref<10240x16xf32, #tpu.memory_space<vmem_shared>>
        tpu.enqueue_indirect_dma source(%arg5 : memref<128x16xf32, #tpu.memory_space<vmem>>) target(%dma_start3A_31 : memref<10240x16xf32, #tpu.memory_space<vmem_shared>>) offsets(%dma_start3A_28 : memref<128xi32, #tpu.memory_space<vmem>>) semaphore(%run_scoped3A : memref<!tpu.dma_semaphore, #tpu.memory_space<semaphore_mem>>) {add = true}
        %dma_wait3A = arith.constant 0 : i32
        %dma_wait3A_32 = tpu.memref_slice %arg4[%add3A_26, %dma_wait3A] : memref<80x128xi32, #tpu.memory_space<vmem>> -> memref<1x128xi32, #tpu.memory_space<vmem>>
        %dma_wait3A_33 = tpu.memref_squeeze %dma_wait3A_32 : memref<1x128xi32, #tpu.memory_space<vmem>> -> memref<128xi32, #tpu.memory_space<vmem>>
        %dma_wait3A_34 = arith.constant 0 : i32
        %dma_wait3A_35 = arith.constant 0 : i32
        %dma_wait3A_36 = tpu.memref_slice %arg7[%dma_wait3A_34, %dma_wait3A_35] : memref<10240x16xf32, #tpu.memory_space<vmem_shared>> -> memref<10240x16xf32, #tpu.memory_space<vmem_shared>>
        tpu.wait_indirect_dma semaphore(%run_scoped3A : memref<!tpu.dma_semaphore, #tpu.memory_space<semaphore_mem>>) src(%arg5 : memref<128x16xf32, #tpu.memory_space<vmem>>) dst(%dma_wait3A_36 : memref<10240x16xf32, #tpu.memory_space<vmem_shared>>)
        tpu.yield
      }) : () -> ()
    }
    %scan3A_16 = arith.constant 80 : i32
    %barrier3A_17 = arith.constant 0 : index
    tpu.barrier barrier_id(%barrier3A_17)
    %mul3A_18 = arith.constant 640 : i32
    %mul3A_19 = arith.muli %arg1, %mul3A_18 : i32
    "tpu.region"() ({
      %run_scoped3A = tpu.sem_alloc : memref<!tpu.dma_semaphore, #tpu.memory_space<semaphore_mem>>
      %dma_start3A = arith.constant 0 : i32
      %dma_start3A_22 = tpu.memref_slice %arg7[%mul3A_19, %dma_start3A] : memref<10240x16xf32, #tpu.memory_space<vmem_shared>> -> memref<640x16xf32, #tpu.memory_space<vmem_shared>>
      %dma_start3A_23 = arith.constant 0 : i32
      %dma_start3A_24 = tpu.memref_slice %arg7[%mul3A_19, %dma_start3A_23] : memref<10240x16xf32, #tpu.memory_space<vmem_shared>> -> memref<640x16xf32, #tpu.memory_space<vmem_shared>>
      tpu.enqueue_dma source(%dma_start3A_24 : memref<640x16xf32, #tpu.memory_space<vmem_shared>>) target(%arg6 : memref<640x16xf32, #tpu.memory_space<vmem>>) target_semaphore(%run_scoped3A : memref<!tpu.dma_semaphore, #tpu.memory_space<semaphore_mem>>)
      %dma_wait3A = arith.constant 0 : i32
      %dma_wait3A_25 = tpu.memref_slice %arg7[%mul3A_19, %dma_wait3A] : memref<10240x16xf32, #tpu.memory_space<vmem_shared>> -> memref<640x16xf32, #tpu.memory_space<vmem_shared>>
      %dma_wait3A_26 = arith.constant 0 : i32
      %dma_wait3A_27 = tpu.memref_slice %arg7[%mul3A_19, %dma_wait3A_26] : memref<10240x16xf32, #tpu.memory_space<vmem_shared>> -> memref<640x16xf32, #tpu.memory_space<vmem_shared>>
      tpu.wait_dma2 semaphore(%run_scoped3A : memref<!tpu.dma_semaphore, #tpu.memory_space<semaphore_mem>>) src(%dma_wait3A_27 : memref<640x16xf32, #tpu.memory_space<vmem_shared>>) dst(%arg6 : memref<640x16xf32, #tpu.memory_space<vmem>>)
      tpu.yield
    }) : () -> ()
    %mul3A_20 = arith.constant 640 : i32
    %mul3A_21 = arith.muli %arg1, %mul3A_20 : i32
    "tpu.region"() ({
      %run_scoped3A = tpu.sem_alloc : memref<!tpu.dma_semaphore, #tpu.memory_space<semaphore_mem>>
      %dma_start3A = arith.constant 0 : i32
      %dma_start3A_22 = arith.constant 0 : i32
      %dma_start3A_23 = tpu.memref_slice %arg3[%arg0, %dma_start3A, %dma_start3A_22] : memref<2x10240x16xf32, #tpu.memory_space<hbm>> -> memref<1x10240x16xf32, #tpu.memory_space<hbm>>
      %dma_start3A_24 = tpu.memref_squeeze %dma_start3A_23 : memref<1x10240x16xf32, #tpu.memory_space<hbm>> -> memref<10240x16xf32, #tpu.memory_space<hbm>>
      %dma_start3A_25 = arith.constant 0 : i32
      %dma_start3A_26 = tpu.memref_slice %dma_start3A_24[%mul3A_21, %dma_start3A_25] : memref<10240x16xf32, #tpu.memory_space<hbm>> -> memref<640x16xf32, #tpu.memory_space<hbm>>
      %dma_start3A_27 = arith.constant 0 : i32
      %dma_start3A_28 = arith.constant 0 : i32
      %dma_start3A_29 = tpu.memref_slice %arg3[%arg0, %dma_start3A_27, %dma_start3A_28] : memref<2x10240x16xf32, #tpu.memory_space<hbm>> -> memref<1x10240x16xf32, #tpu.memory_space<hbm>>
      %dma_start3A_30 = tpu.memref_squeeze %dma_start3A_29 : memref<1x10240x16xf32, #tpu.memory_space<hbm>> -> memref<10240x16xf32, #tpu.memory_space<hbm>>
      %dma_start3A_31 = arith.constant 0 : i32
      %dma_start3A_32 = tpu.memref_slice %dma_start3A_30[%mul3A_21, %dma_start3A_31] : memref<10240x16xf32, #tpu.memory_space<hbm>> -> memref<640x16xf32, #tpu.memory_space<hbm>>
      tpu.enqueue_dma source(%arg6 : memref<640x16xf32, #tpu.memory_space<vmem>>) target(%dma_start3A_32 : memref<640x16xf32, #tpu.memory_space<hbm>>) target_semaphore(%run_scoped3A : memref<!tpu.dma_semaphore, #tpu.memory_space<semaphore_mem>>)
      %dma_wait3A = arith.constant 0 : i32
      %dma_wait3A_33 = arith.constant 0 : i32
      %dma_wait3A_34 = tpu.memref_slice %arg3[%arg0, %dma_wait3A, %dma_wait3A_33] : memref<2x10240x16xf32, #tpu.memory_space<hbm>> -> memref<1x10240x16xf32, #tpu.memory_space<hbm>>
      %dma_wait3A_35 = tpu.memref_squeeze %dma_wait3A_34 : memref<1x10240x16xf32, #tpu.memory_space<hbm>> -> memref<10240x16xf32, #tpu.memory_space<hbm>>
      %dma_wait3A_36 = arith.constant 0 : i32
      %dma_wait3A_37 = tpu.memref_slice %dma_wait3A_35[%mul3A_21, %dma_wait3A_36] : memref<10240x16xf32, #tpu.memory_space<hbm>> -> memref<640x16xf32, #tpu.memory_space<hbm>>
      %dma_wait3A_38 = arith.constant 0 : i32
      %dma_wait3A_39 = arith.constant 0 : i32
      %dma_wait3A_40 = tpu.memref_slice %arg3[%arg0, %dma_wait3A_38, %dma_wait3A_39] : memref<2x10240x16xf32, #tpu.memory_space<hbm>> -> memref<1x10240x16xf32, #tpu.memory_space<hbm>>
      %dma_wait3A_41 = tpu.memref_squeeze %dma_wait3A_40 : memref<1x10240x16xf32, #tpu.memory_space<hbm>> -> memref<10240x16xf32, #tpu.memory_space<hbm>>
      %dma_wait3A_42 = arith.constant 0 : i32
      %dma_wait3A_43 = tpu.memref_slice %dma_wait3A_41[%mul3A_21, %dma_wait3A_42] : memref<10240x16xf32, #tpu.memory_space<hbm>> -> memref<640x16xf32, #tpu.memory_space<hbm>>
      tpu.wait_dma2 semaphore(%run_scoped3A : memref<!tpu.dma_semaphore, #tpu.memory_space<semaphore_mem>>) src(%arg6 : memref<640x16xf32, #tpu.memory_space<vmem>>) dst(%dma_wait3A_43 : memref<640x16xf32, #tpu.memory_space<hbm>>)
      tpu.yield
    }) : () -> ()
    return
  }
}

#map = affine_map<(d0, d1) -> (0, 0, 0)>
#map1 = affine_map<(d0, d1) -> (0, 0, 0, 0)>
module attributes {stable_mosaic.version = 14 : i64} {
  func.func @k(%arg0: i32, %arg1: i32, %arg2: memref<2x10240x64xf32, #tpu.memory_space<hbm>>, %arg3: memref<16x160x2x128xi32, #tpu.memory_space<hbm>>, %arg4: memref<2x10240x64xf32, #tpu.memory_space<hbm>>, %arg5: memref<4x2x128xi32, #tpu.memory_space<vmem>>, %arg6: memref<512x64xf32, #tpu.memory_space<vmem>>, %arg7: memref<10240x64xf32, #tpu.memory_space<vmem_shared>>, %arg8: memref<10240x64xf32, #tpu.memory_space<vmem_shared>>, %arg9: memref<!tpu.dma_semaphore, #tpu.memory_space<semaphore_mem>>, %arg10: memref<!tpu.dma_semaphore, #tpu.memory_space<semaphore_mem>>, %arg11: memref<!tpu.dma_semaphore, #tpu.memory_space<semaphore_mem>>, %arg12: memref<!tpu.dma_semaphore, #tpu.memory_space<semaphore_mem>>, %arg13: memref<!tpu.dma_semaphore, #tpu.memory_space<semaphore_mem>>, %arg14: memref<!tpu.dma_semaphore, #tpu.memory_space<semaphore_mem>>, %arg15: memref<!tpu.dma_semaphore, #tpu.memory_space<semaphore_mem>>, %arg16: memref<!tpu.dma_semaphore, #tpu.memory_space<semaphore_mem>>) attributes {dimension_semantics = [#tpu.dimension_semantics<core_parallel>, #tpu.dimension_semantics<subcore_parallel>], iteration_bounds = array<i64: 2, 16>, scalar_prefetch = 0 : i64, scratch_operands = 12 : i64, tpu.core_type = #tpu.core_type<sc_vector_subcore>, window_params = [{transform_indices = #map}, {transform_indices = #map1}, {transform_indices = #map}]} {
    %scan3A = arith.constant 0 : i32
    %scan3A_0 = arith.constant 128 : i32
    %scan3A_1 = arith.addi %scan3A, %scan3A_0 : i32
    %scan3A_2 = arith.constant 1 : i32
    scf.for %scan3A_182 = %scan3A to %scan3A_1 step %scan3A_2  : i32 {
      %mul3A_183 = arith.constant 1 : i32
      %mul3A_184 = arith.muli %scan3A_182, %mul3A_183 : i32
      %add3A_185 = arith.constant 0 : i32
      %add3A_186 = arith.addi %add3A_185, %mul3A_184 : i32
      %scan3A_187 = arith.constant 0 : i32
      %scan3A_188 = arith.constant 4 : i32
      %scan3A_189 = arith.addi %scan3A_187, %scan3A_188 : i32
      %scan3A_190 = arith.constant 1 : i32
      scf.for %scan3A_192 = %scan3A_187 to %scan3A_189 step %scan3A_190  : i32 {
        %mul3A_193 = arith.constant 16 : i32
        %mul3A_194 = arith.muli %scan3A_192, %mul3A_193 : i32
        %add3A_195 = arith.constant 0 : i32
        %add3A_196 = arith.addi %add3A_195, %mul3A_194 : i32
        %broadcast_in_dim3A = arith.constant 0.000000e+00 : f32
        %broadcast_in_dim3A_197 = vector.broadcast %broadcast_in_dim3A : f32 to vector<1x16xf32>
        %swap3A = arith.index_cast %add3A_186 : i32 to index
        %swap3A_198 = arith.index_cast %add3A_196 : i32 to index
        %swap3A_199 = tpu.vector_load %arg6[%swap3A, %swap3A_198] {strides = array<i32>} : memref<512x64xf32, #tpu.memory_space<vmem>>, vector<1x16xf32>,
        %swap3A_200 = vector.shape_cast %swap3A_199 : vector<1x16xf32> to vector<1x16xf32>
        %swap3A_201 = vector.shape_cast %broadcast_in_dim3A_197 : vector<1x16xf32> to vector<1x16xf32>
        tpu.vector_store %arg6[%swap3A, %swap3A_198], %swap3A_201 {strides = array<i32>} : memref<512x64xf32, #tpu.memory_space<vmem>>, vector<1x16xf32>,
      }
      %scan3A_191 = arith.constant 4 : i32
    }
    %scan3A_3 = arith.constant 128 : i32
    %scan3A_4 = arith.constant 0 : i32
    %scan3A_5 = arith.constant 5 : i32
    %scan3A_6 = arith.addi %scan3A_4, %scan3A_5 : i32
    %scan3A_7 = arith.constant 1 : i32
    scf.for %scan3A_182 = %scan3A_4 to %scan3A_6 step %scan3A_7  : i32 {
      %mul3A_183 = arith.constant 128 : i32
      %mul3A_184 = arith.muli %scan3A_182, %mul3A_183 : i32
      %add3A_185 = arith.constant 0 : i32
      %add3A_186 = arith.addi %add3A_185, %mul3A_184 : i32
      %mul3A_187 = arith.constant 640 : i32
      %mul3A_188 = arith.muli %arg1, %mul3A_187 : i32
      %add3A_189 = arith.addi %mul3A_188, %add3A_186 : i32
      "tpu.region"() ({
        %run_scoped3A = tpu.sem_alloc : memref<!tpu.dma_semaphore, #tpu.memory_space<semaphore_mem>>
        %dma_start3A_196 = arith.constant 0 : i32
        %dma_start3A_197 = arith.constant 0 : i32
        %dma_start3A_198 = tpu.memref_slice %arg6[%dma_start3A_196, %dma_start3A_197] : memref<512x64xf32, #tpu.memory_space<vmem>> -> memref<128x64xf32, #tpu.memory_space<vmem>>
        %dma_start3A_199 = arith.constant 0 : i32
        %dma_start3A_200 = tpu.memref_slice %arg7[%add3A_189, %dma_start3A_199] : memref<10240x64xf32, #tpu.memory_space<vmem_shared>> -> memref<128x64xf32, #tpu.memory_space<vmem_shared>>
        %dma_start3A_201 = arith.constant 0 : i32
        %dma_start3A_202 = tpu.memref_slice %arg7[%add3A_189, %dma_start3A_201] : memref<10240x64xf32, #tpu.memory_space<vmem_shared>> -> memref<128x64xf32, #tpu.memory_space<vmem_shared>>
        %dma_start3A_203 = arith.constant 0 : i32
        %dma_start3A_204 = arith.constant 0 : i32
        %dma_start3A_205 = tpu.memref_slice %arg6[%dma_start3A_203, %dma_start3A_204] : memref<512x64xf32, #tpu.memory_space<vmem>> -> memref<128x64xf32, #tpu.memory_space<vmem>>
        tpu.enqueue_dma source(%dma_start3A_205 : memref<128x64xf32, #tpu.memory_space<vmem>>) target(%dma_start3A_202 : memref<128x64xf32, #tpu.memory_space<vmem_shared>>) target_semaphore(%run_scoped3A : memref<!tpu.dma_semaphore, #tpu.memory_space<semaphore_mem>>)
        %dma_wait3A_206 = arith.constant 0 : i32
        %dma_wait3A_207 = arith.constant 0 : i32
        %dma_wait3A_208 = tpu.memref_slice %arg6[%dma_wait3A_206, %dma_wait3A_207] : memref<512x64xf32, #tpu.memory_space<vmem>> -> memref<128x64xf32, #tpu.memory_space<vmem>>
        %dma_wait3A_209 = arith.constant 0 : i32
        %dma_wait3A_210 = tpu.memref_slice %arg7[%add3A_189, %dma_wait3A_209] : memref<10240x64xf32, #tpu.memory_space<vmem_shared>> -> memref<128x64xf32, #tpu.memory_space<vmem_shared>>
        %dma_wait3A_211 = arith.constant 0 : i32
        %dma_wait3A_212 = tpu.memref_slice %arg7[%add3A_189, %dma_wait3A_211] : memref<10240x64xf32, #tpu.memory_space<vmem_shared>> -> memref<128x64xf32, #tpu.memory_space<vmem_shared>>
        %dma_wait3A_213 = arith.constant 0 : i32
        %dma_wait3A_214 = arith.constant 0 : i32
        %dma_wait3A_215 = tpu.memref_slice %arg6[%dma_wait3A_213, %dma_wait3A_214] : memref<512x64xf32, #tpu.memory_space<vmem>> -> memref<128x64xf32, #tpu.memory_space<vmem>>
        tpu.wait_dma2 semaphore(%run_scoped3A : memref<!tpu.dma_semaphore, #tpu.memory_space<semaphore_mem>>) src(%dma_wait3A_215 : memref<128x64xf32, #tpu.memory_space<vmem>>) dst(%dma_wait3A_212 : memref<128x64xf32, #tpu.memory_space<vmem_shared>>)
        tpu.yield
      }) : () -> ()
      %mul3A_190 = arith.constant 640 : i32
      %mul3A_191 = arith.muli %arg1, %mul3A_190 : i32
      %add3A_192 = arith.addi %mul3A_191, %add3A_186 : i32
      "tpu.region"() ({
        %run_scoped3A = tpu.sem_alloc : memref<!tpu.dma_semaphore, #tpu.memory_space<semaphore_mem>>
        %dma_start3A_196 = arith.constant 128 : i32
        %dma_start3A_197 = arith.constant 0 : i32
        %dma_start3A_198 = tpu.memref_slice %arg6[%dma_start3A_196, %dma_start3A_197] : memref<512x64xf32, #tpu.memory_space<vmem>> -> memref<128x64xf32, #tpu.memory_space<vmem>>
        %dma_start3A_199 = arith.constant 0 : i32
        %dma_start3A_200 = arith.constant 0 : i32
        %dma_start3A_201 = tpu.memref_slice %arg2[%arg0, %dma_start3A_199, %dma_start3A_200] : memref<2x10240x64xf32, #tpu.memory_space<hbm>> -> memref<1x10240x64xf32, #tpu.memory_space<hbm>>
        %dma_start3A_202 = tpu.memref_squeeze %dma_start3A_201 : memref<1x10240x64xf32, #tpu.memory_space<hbm>> -> memref<10240x64xf32, #tpu.memory_space<hbm>>
        %dma_start3A_203 = arith.constant 0 : i32
        %dma_start3A_204 = tpu.memref_slice %dma_start3A_202[%add3A_192, %dma_start3A_203] : memref<10240x64xf32, #tpu.memory_space<hbm>> -> memref<128x64xf32, #tpu.memory_space<hbm>>
        %dma_start3A_205 = arith.constant 128 : i32
        %dma_start3A_206 = arith.constant 0 : i32
        %dma_start3A_207 = tpu.memref_slice %arg6[%dma_start3A_205, %dma_start3A_206] : memref<512x64xf32, #tpu.memory_space<vmem>> -> memref<128x64xf32, #tpu.memory_space<vmem>>
        %dma_start3A_208 = arith.constant 0 : i32
        %dma_start3A_209 = arith.constant 0 : i32
        %dma_start3A_210 = tpu.memref_slice %arg2[%arg0, %dma_start3A_208, %dma_start3A_209] : memref<2x10240x64xf32, #tpu.memory_space<hbm>> -> memref<1x10240x64xf32, #tpu.memory_space<hbm>>
        %dma_start3A_211 = tpu.memref_squeeze %dma_start3A_210 : memref<1x10240x64xf32, #tpu.memory_space<hbm>> -> memref<10240x64xf32, #tpu.memory_space<hbm>>
        %dma_start3A_212 = arith.constant 0 : i32
        %dma_start3A_213 = tpu.memref_slice %dma_start3A_211[%add3A_192, %dma_start3A_212] : memref<10240x64xf32, #tpu.memory_space<hbm>> -> memref<128x64xf32, #tpu.memory_space<hbm>>
        tpu.enqueue_dma source(%dma_start3A_213 : memref<128x64xf32, #tpu.memory_space<hbm>>) target(%dma_start3A_207 : memref<128x64xf32, #tpu.memory_space<vmem>>) target_semaphore(%run_scoped3A : memref<!tpu.dma_semaphore, #tpu.memory_space<semaphore_mem>>)
        %dma_wait3A_214 = arith.constant 128 : i32
        %dma_wait3A_215 = arith.constant 0 : i32
        %dma_wait3A_216 = tpu.memref_slice %arg6[%dma_wait3A_214, %dma_wait3A_215] : memref<512x64xf32, #tpu.memory_space<vmem>> -> memref<128x64xf32, #tpu.memory_space<vmem>>
        %dma_wait3A_217 = arith.constant 0 : i32
        %dma_wait3A_218 = arith.constant 0 : i32
        %dma_wait3A_219 = tpu.memref_slice %arg2[%arg0, %dma_wait3A_217, %dma_wait3A_218] : memref<2x10240x64xf32, #tpu.memory_space<hbm>> -> memref<1x10240x64xf32, #tpu.memory_space<hbm>>
        %dma_wait3A_220 = tpu.memref_squeeze %dma_wait3A_219 : memref<1x10240x64xf32, #tpu.memory_space<hbm>> -> memref<10240x64xf32, #tpu.memory_space<hbm>>
        %dma_wait3A_221 = arith.constant 0 : i32
        %dma_wait3A_222 = tpu.memref_slice %dma_wait3A_220[%add3A_192, %dma_wait3A_221] : memref<10240x64xf32, #tpu.memory_space<hbm>> -> memref<128x64xf32, #tpu.memory_space<hbm>>
        %dma_wait3A_223 = arith.constant 128 : i32
        %dma_wait3A_224 = arith.constant 0 : i32
        %dma_wait3A_225 = tpu.memref_slice %arg6[%dma_wait3A_223, %dma_wait3A_224] : memref<512x64xf32, #tpu.memory_space<vmem>> -> memref<128x64xf32, #tpu.memory_space<vmem>>
        %dma_wait3A_226 = arith.constant 0 : i32
        %dma_wait3A_227 = arith.constant 0 : i32
        %dma_wait3A_228 = tpu.memref_slice %arg2[%arg0, %dma_wait3A_226, %dma_wait3A_227] : memref<2x10240x64xf32, #tpu.memory_space<hbm>> -> memref<1x10240x64xf32, #tpu.memory_space<hbm>>
        %dma_wait3A_229 = tpu.memref_squeeze %dma_wait3A_228 : memref<1x10240x64xf32, #tpu.memory_space<hbm>> -> memref<10240x64xf32, #tpu.memory_space<hbm>>
        %dma_wait3A_230 = arith.constant 0 : i32
        %dma_wait3A_231 = tpu.memref_slice %dma_wait3A_229[%add3A_192, %dma_wait3A_230] : memref<10240x64xf32, #tpu.memory_space<hbm>> -> memref<128x64xf32, #tpu.memory_space<hbm>>
        tpu.wait_dma2 semaphore(%run_scoped3A : memref<!tpu.dma_semaphore, #tpu.memory_space<semaphore_mem>>) src(%dma_wait3A_231 : memref<128x64xf32, #tpu.memory_space<hbm>>) dst(%dma_wait3A_225 : memref<128x64xf32, #tpu.memory_space<vmem>>)
        tpu.yield
      }) : () -> ()
      %mul3A_193 = arith.constant 640 : i32
      %mul3A_194 = arith.muli %arg1, %mul3A_193 : i32
      %add3A_195 = arith.addi %mul3A_194, %add3A_186 : i32
      "tpu.region"() ({
        %run_scoped3A = tpu.sem_alloc : memref<!tpu.dma_semaphore, #tpu.memory_space<semaphore_mem>>
        %dma_start3A_196 = arith.constant 128 : i32
        %dma_start3A_197 = arith.constant 0 : i32
        %dma_start3A_198 = tpu.memref_slice %arg6[%dma_start3A_196, %dma_start3A_197] : memref<512x64xf32, #tpu.memory_space<vmem>> -> memref<128x64xf32, #tpu.memory_space<vmem>>
        %dma_start3A_199 = arith.constant 0 : i32
        %dma_start3A_200 = tpu.memref_slice %arg8[%add3A_195, %dma_start3A_199] : memref<10240x64xf32, #tpu.memory_space<vmem_shared>> -> memref<128x64xf32, #tpu.memory_space<vmem_shared>>
        %dma_start3A_201 = arith.constant 0 : i32
        %dma_start3A_202 = tpu.memref_slice %arg8[%add3A_195, %dma_start3A_201] : memref<10240x64xf32, #tpu.memory_space<vmem_shared>> -> memref<128x64xf32, #tpu.memory_space<vmem_shared>>
        %dma_start3A_203 = arith.constant 128 : i32
        %dma_start3A_204 = arith.constant 0 : i32
        %dma_start3A_205 = tpu.memref_slice %arg6[%dma_start3A_203, %dma_start3A_204] : memref<512x64xf32, #tpu.memory_space<vmem>> -> memref<128x64xf32, #tpu.memory_space<vmem>>
        tpu.enqueue_dma source(%dma_start3A_205 : memref<128x64xf32, #tpu.memory_space<vmem>>) target(%dma_start3A_202 : memref<128x64xf32, #tpu.memory_space<vmem_shared>>) target_semaphore(%run_scoped3A : memref<!tpu.dma_semaphore, #tpu.memory_space<semaphore_mem>>)
        %dma_wait3A_206 = arith.constant 128 : i32
        %dma_wait3A_207 = arith.constant 0 : i32
        %dma_wait3A_208 = tpu.memref_slice %arg6[%dma_wait3A_206, %dma_wait3A_207] : memref<512x64xf32, #tpu.memory_space<vmem>> -> memref<128x64xf32, #tpu.memory_space<vmem>>
        %dma_wait3A_209 = arith.constant 0 : i32
        %dma_wait3A_210 = tpu.memref_slice %arg8[%add3A_195, %dma_wait3A_209] : memref<10240x64xf32, #tpu.memory_space<vmem_shared>> -> memref<128x64xf32, #tpu.memory_space<vmem_shared>>
        %dma_wait3A_211 = arith.constant 0 : i32
        %dma_wait3A_212 = tpu.memref_slice %arg8[%add3A_195, %dma_wait3A_211] : memref<10240x64xf32, #tpu.memory_space<vmem_shared>> -> memref<128x64xf32, #tpu.memory_space<vmem_shared>>
        %dma_wait3A_213 = arith.constant 128 : i32
        %dma_wait3A_214 = arith.constant 0 : i32
        %dma_wait3A_215 = tpu.memref_slice %arg6[%dma_wait3A_213, %dma_wait3A_214] : memref<512x64xf32, #tpu.memory_space<vmem>> -> memref<128x64xf32, #tpu.memory_space<vmem>>
        tpu.wait_dma2 semaphore(%run_scoped3A : memref<!tpu.dma_semaphore, #tpu.memory_space<semaphore_mem>>) src(%dma_wait3A_215 : memref<128x64xf32, #tpu.memory_space<vmem>>) dst(%dma_wait3A_212 : memref<128x64xf32, #tpu.memory_space<vmem_shared>>)
        tpu.yield
      }) : () -> ()
    }
    %scan3A_8 = arith.constant 5 : i32
    %barrier3A = arith.constant 0 : index
    tpu.barrier barrier_id(%barrier3A)
    %dma_start3A = arith.constant 0 : i32
    %dma_start3A_9 = arith.constant 0 : i32
    %dma_start3A_10 = arith.constant 0 : i32
    %dma_start3A_11 = arith.constant 0 : i32
    %dma_start3A_12 = tpu.memref_slice %arg5[%dma_start3A_9, %dma_start3A_10, %dma_start3A_11] : memref<4x2x128xi32, #tpu.memory_space<vmem>> -> memref<1x2x128xi32, #tpu.memory_space<vmem>>
    %dma_start3A_13 = tpu.memref_squeeze %dma_start3A_12 : memref<1x2x128xi32, #tpu.memory_space<vmem>> -> memref<2x128xi32, #tpu.memory_space<vmem>>
    %dma_start3A_14 = arith.constant 0 : i32
    %dma_start3A_15 = arith.constant 0 : i32
    %dma_start3A_16 = arith.constant 0 : i32
    %dma_start3A_17 = tpu.memref_slice %arg3[%arg1, %dma_start3A_14, %dma_start3A_15, %dma_start3A_16] : memref<16x160x2x128xi32, #tpu.memory_space<hbm>> -> memref<1x160x2x128xi32, #tpu.memory_space<hbm>>
    %dma_start3A_18 = tpu.memref_squeeze %dma_start3A_17 : memref<1x160x2x128xi32, #tpu.memory_space<hbm>> -> memref<160x2x128xi32, #tpu.memory_space<hbm>>
    %dma_start3A_19 = arith.constant 0 : i32
    %dma_start3A_20 = arith.constant 0 : i32
    %dma_start3A_21 = tpu.memref_slice %dma_start3A_18[%dma_start3A, %dma_start3A_19, %dma_start3A_20] : memref<160x2x128xi32, #tpu.memory_space<hbm>> -> memref<1x2x128xi32, #tpu.memory_space<hbm>>
    %dma_start3A_22 = tpu.memref_squeeze %dma_start3A_21 : memref<1x2x128xi32, #tpu.memory_space<hbm>> -> memref<2x128xi32, #tpu.memory_space<hbm>>
    %dma_start3A_23 = arith.constant 0 : i32
    %dma_start3A_24 = arith.constant 0 : i32
    %dma_start3A_25 = tpu.memref_slice %arg5[%dma_start3A_9, %dma_start3A_23, %dma_start3A_24] : memref<4x2x128xi32, #tpu.memory_space<vmem>> -> memref<1x2x128xi32, #tpu.memory_space<vmem>>
    %dma_start3A_26 = tpu.memref_squeeze %dma_start3A_25 : memref<1x2x128xi32, #tpu.memory_space<vmem>> -> memref<2x128xi32, #tpu.memory_space<vmem>>
    %dma_start3A_27 = arith.constant 0 : i32
    %dma_start3A_28 = arith.constant 0 : i32
    %dma_start3A_29 = arith.constant 0 : i32
    %dma_start3A_30 = tpu.memref_slice %arg3[%arg1, %dma_start3A_27, %dma_start3A_28, %dma_start3A_29] : memref<16x160x2x128xi32, #tpu.memory_space<hbm>> -> memref<1x160x2x128xi32, #tpu.memory_space<hbm>>
    %dma_start3A_31 = tpu.memref_squeeze %dma_start3A_30 : memref<1x160x2x128xi32, #tpu.memory_space<hbm>> -> memref<160x2x128xi32, #tpu.memory_space<hbm>>
    %dma_start3A_32 = arith.constant 0 : i32
    %dma_start3A_33 = arith.constant 0 : i32
    %dma_start3A_34 = tpu.memref_slice %dma_start3A_31[%dma_start3A, %dma_start3A_32, %dma_start3A_33] : memref<160x2x128xi32, #tpu.memory_space<hbm>> -> memref<1x2x128xi32, #tpu.memory_space<hbm>>
    %dma_start3A_35 = tpu.memref_squeeze %dma_start3A_34 : memref<1x2x128xi32, #tpu.memory_space<hbm>> -> memref<2x128xi32, #tpu.memory_space<hbm>>
    tpu.enqueue_dma source(%dma_start3A_35 : memref<2x128xi32, #tpu.memory_space<hbm>>) target(%dma_start3A_26 : memref<2x128xi32, #tpu.memory_space<vmem>>) target_semaphore(%arg9 : memref<!tpu.dma_semaphore, #tpu.memory_space<semaphore_mem>>)
    %dma_start3A_36 = arith.constant 1 : i32
    %dma_start3A_37 = arith.constant 1 : i32
    %dma_start3A_38 = arith.constant 0 : i32
    %dma_start3A_39 = arith.constant 0 : i32
    %dma_start3A_40 = tpu.memref_slice %arg5[%dma_start3A_37, %dma_start3A_38, %dma_start3A_39] : memref<4x2x128xi32, #tpu.memory_space<vmem>> -> memref<1x2x128xi32, #tpu.memory_space<vmem>>
    %dma_start3A_41 = tpu.memref_squeeze %dma_start3A_40 : memref<1x2x128xi32, #tpu.memory_space<vmem>> -> memref<2x128xi32, #tpu.memory_space<vmem>>
    %dma_start3A_42 = arith.constant 0 : i32
    %dma_start3A_43 = arith.constant 0 : i32
    %dma_start3A_44 = arith.constant 0 : i32
    %dma_start3A_45 = tpu.memref_slice %arg3[%arg1, %dma_start3A_42, %dma_start3A_43, %dma_start3A_44] : memref<16x160x2x128xi32, #tpu.memory_space<hbm>> -> memref<1x160x2x128xi32, #tpu.memory_space<hbm>>
    %dma_start3A_46 = tpu.memref_squeeze %dma_start3A_45 : memref<1x160x2x128xi32, #tpu.memory_space<hbm>> -> memref<160x2x128xi32, #tpu.memory_space<hbm>>
    %dma_start3A_47 = arith.constant 0 : i32
    %dma_start3A_48 = arith.constant 0 : i32
    %dma_start3A_49 = tpu.memref_slice %dma_start3A_46[%dma_start3A_36, %dma_start3A_47, %dma_start3A_48] : memref<160x2x128xi32, #tpu.memory_space<hbm>> -> memref<1x2x128xi32, #tpu.memory_space<hbm>>
    %dma_start3A_50 = tpu.memref_squeeze %dma_start3A_49 : memref<1x2x128xi32, #tpu.memory_space<hbm>> -> memref<2x128xi32, #tpu.memory_space<hbm>>
    %dma_start3A_51 = arith.constant 0 : i32
    %dma_start3A_52 = arith.constant 0 : i32
    %dma_start3A_53 = tpu.memref_slice %arg5[%dma_start3A_37, %dma_start3A_51, %dma_start3A_52] : memref<4x2x128xi32, #tpu.memory_space<vmem>> -> memref<1x2x128xi32, #tpu.memory_space<vmem>>
    %dma_start3A_54 = tpu.memref_squeeze %dma_start3A_53 : memref<1x2x128xi32, #tpu.memory_space<vmem>> -> memref<2x128xi32, #tpu.memory_space<vmem>>
    %dma_start3A_55 = arith.constant 0 : i32
    %dma_start3A_56 = arith.constant 0 : i32
    %dma_start3A_57 = arith.constant 0 : i32
    %dma_start3A_58 = tpu.memref_slice %arg3[%arg1, %dma_start3A_55, %dma_start3A_56, %dma_start3A_57] : memref<16x160x2x128xi32, #tpu.memory_space<hbm>> -> memref<1x160x2x128xi32, #tpu.memory_space<hbm>>
    %dma_start3A_59 = tpu.memref_squeeze %dma_start3A_58 : memref<1x160x2x128xi32, #tpu.memory_space<hbm>> -> memref<160x2x128xi32, #tpu.memory_space<hbm>>
    %dma_start3A_60 = arith.constant 0 : i32
    %dma_start3A_61 = arith.constant 0 : i32
    %dma_start3A_62 = tpu.memref_slice %dma_start3A_59[%dma_start3A_36, %dma_start3A_60, %dma_start3A_61] : memref<160x2x128xi32, #tpu.memory_space<hbm>> -> memref<1x2x128xi32, #tpu.memory_space<hbm>>
    %dma_start3A_63 = tpu.memref_squeeze %dma_start3A_62 : memref<1x2x128xi32, #tpu.memory_space<hbm>> -> memref<2x128xi32, #tpu.memory_space<hbm>>
    tpu.enqueue_dma source(%dma_start3A_63 : memref<2x128xi32, #tpu.memory_space<hbm>>) target(%dma_start3A_54 : memref<2x128xi32, #tpu.memory_space<vmem>>) target_semaphore(%arg10 : memref<!tpu.dma_semaphore, #tpu.memory_space<semaphore_mem>>)
    %dma_start3A_64 = arith.constant 2 : i32
    %dma_start3A_65 = arith.constant 2 : i32
    %dma_start3A_66 = arith.constant 0 : i32
    %dma_start3A_67 = arith.constant 0 : i32
    %dma_start3A_68 = tpu.memref_slice %arg5[%dma_start3A_65, %dma_start3A_66, %dma_start3A_67] : memref<4x2x128xi32, #tpu.memory_space<vmem>> -> memref<1x2x128xi32, #tpu.memory_space<vmem>>
    %dma_start3A_69 = tpu.memref_squeeze %dma_start3A_68 : memref<1x2x128xi32, #tpu.memory_space<vmem>> -> memref<2x128xi32, #tpu.memory_space<vmem>>
    %dma_start3A_70 = arith.constant 0 : i32
    %dma_start3A_71 = arith.constant 0 : i32
    %dma_start3A_72 = arith.constant 0 : i32
    %dma_start3A_73 = tpu.memref_slice %arg3[%arg1, %dma_start3A_70, %dma_start3A_71, %dma_start3A_72] : memref<16x160x2x128xi32, #tpu.memory_space<hbm>> -> memref<1x160x2x128xi32, #tpu.memory_space<hbm>>
    %dma_start3A_74 = tpu.memref_squeeze %dma_start3A_73 : memref<1x160x2x128xi32, #tpu.memory_space<hbm>> -> memref<160x2x128xi32, #tpu.memory_space<hbm>>
    %dma_start3A_75 = arith.constant 0 : i32
    %dma_start3A_76 = arith.constant 0 : i32
    %dma_start3A_77 = tpu.memref_slice %dma_start3A_74[%dma_start3A_64, %dma_start3A_75, %dma_start3A_76] : memref<160x2x128xi32, #tpu.memory_space<hbm>> -> memref<1x2x128xi32, #tpu.memory_space<hbm>>
    %dma_start3A_78 = tpu.memref_squeeze %dma_start3A_77 : memref<1x2x128xi32, #tpu.memory_space<hbm>> -> memref<2x128xi32, #tpu.memory_space<hbm>>
    %dma_start3A_79 = arith.constant 0 : i32
    %dma_start3A_80 = arith.constant 0 : i32
    %dma_start3A_81 = tpu.memref_slice %arg5[%dma_start3A_65, %dma_start3A_79, %dma_start3A_80] : memref<4x2x128xi32, #tpu.memory_space<vmem>> -> memref<1x2x128xi32, #tpu.memory_space<vmem>>
    %dma_start3A_82 = tpu.memref_squeeze %dma_start3A_81 : memref<1x2x128xi32, #tpu.memory_space<vmem>> -> memref<2x128xi32, #tpu.memory_space<vmem>>
    %dma_start3A_83 = arith.constant 0 : i32
    %dma_start3A_84 = arith.constant 0 : i32
    %dma_start3A_85 = arith.constant 0 : i32
    %dma_start3A_86 = tpu.memref_slice %arg3[%arg1, %dma_start3A_83, %dma_start3A_84, %dma_start3A_85] : memref<16x160x2x128xi32, #tpu.memory_space<hbm>> -> memref<1x160x2x128xi32, #tpu.memory_space<hbm>>
    %dma_start3A_87 = tpu.memref_squeeze %dma_start3A_86 : memref<1x160x2x128xi32, #tpu.memory_space<hbm>> -> memref<160x2x128xi32, #tpu.memory_space<hbm>>
    %dma_start3A_88 = arith.constant 0 : i32
    %dma_start3A_89 = arith.constant 0 : i32
    %dma_start3A_90 = tpu.memref_slice %dma_start3A_87[%dma_start3A_64, %dma_start3A_88, %dma_start3A_89] : memref<160x2x128xi32, #tpu.memory_space<hbm>> -> memref<1x2x128xi32, #tpu.memory_space<hbm>>
    %dma_start3A_91 = tpu.memref_squeeze %dma_start3A_90 : memref<1x2x128xi32, #tpu.memory_space<hbm>> -> memref<2x128xi32, #tpu.memory_space<hbm>>
    tpu.enqueue_dma source(%dma_start3A_91 : memref<2x128xi32, #tpu.memory_space<hbm>>) target(%dma_start3A_82 : memref<2x128xi32, #tpu.memory_space<vmem>>) target_semaphore(%arg11 : memref<!tpu.dma_semaphore, #tpu.memory_space<semaphore_mem>>)
    %dma_start3A_92 = arith.constant 3 : i32
    %dma_start3A_93 = arith.constant 3 : i32
    %dma_start3A_94 = arith.constant 0 : i32
    %dma_start3A_95 = arith.constant 0 : i32
    %dma_start3A_96 = tpu.memref_slice %arg5[%dma_start3A_93, %dma_start3A_94, %dma_start3A_95] : memref<4x2x128xi32, #tpu.memory_space<vmem>> -> memref<1x2x128xi32, #tpu.memory_space<vmem>>
    %dma_start3A_97 = tpu.memref_squeeze %dma_start3A_96 : memref<1x2x128xi32, #tpu.memory_space<vmem>> -> memref<2x128xi32, #tpu.memory_space<vmem>>
    %dma_start3A_98 = arith.constant 0 : i32
    %dma_start3A_99 = arith.constant 0 : i32
    %dma_start3A_100 = arith.constant 0 : i32
    %dma_start3A_101 = tpu.memref_slice %arg3[%arg1, %dma_start3A_98, %dma_start3A_99, %dma_start3A_100] : memref<16x160x2x128xi32, #tpu.memory_space<hbm>> -> memref<1x160x2x128xi32, #tpu.memory_space<hbm>>
    %dma_start3A_102 = tpu.memref_squeeze %dma_start3A_101 : memref<1x160x2x128xi32, #tpu.memory_space<hbm>> -> memref<160x2x128xi32, #tpu.memory_space<hbm>>
    %dma_start3A_103 = arith.constant 0 : i32
    %dma_start3A_104 = arith.constant 0 : i32
    %dma_start3A_105 = tpu.memref_slice %dma_start3A_102[%dma_start3A_92, %dma_start3A_103, %dma_start3A_104] : memref<160x2x128xi32, #tpu.memory_space<hbm>> -> memref<1x2x128xi32, #tpu.memory_space<hbm>>
    %dma_start3A_106 = tpu.memref_squeeze %dma_start3A_105 : memref<1x2x128xi32, #tpu.memory_space<hbm>> -> memref<2x128xi32, #tpu.memory_space<hbm>>
    %dma_start3A_107 = arith.constant 0 : i32
    %dma_start3A_108 = arith.constant 0 : i32
    %dma_start3A_109 = tpu.memref_slice %arg5[%dma_start3A_93, %dma_start3A_107, %dma_start3A_108] : memref<4x2x128xi32, #tpu.memory_space<vmem>> -> memref<1x2x128xi32, #tpu.memory_space<vmem>>
    %dma_start3A_110 = tpu.memref_squeeze %dma_start3A_109 : memref<1x2x128xi32, #tpu.memory_space<vmem>> -> memref<2x128xi32, #tpu.memory_space<vmem>>
    %dma_start3A_111 = arith.constant 0 : i32
    %dma_start3A_112 = arith.constant 0 : i32
    %dma_start3A_113 = arith.constant 0 : i32
    %dma_start3A_114 = tpu.memref_slice %arg3[%arg1, %dma_start3A_111, %dma_start3A_112, %dma_start3A_113] : memref<16x160x2x128xi32, #tpu.memory_space<hbm>> -> memref<1x160x2x128xi32, #tpu.memory_space<hbm>>
    %dma_start3A_115 = tpu.memref_squeeze %dma_start3A_114 : memref<1x160x2x128xi32, #tpu.memory_space<hbm>> -> memref<160x2x128xi32, #tpu.memory_space<hbm>>
    %dma_start3A_116 = arith.constant 0 : i32
    %dma_start3A_117 = arith.constant 0 : i32
    %dma_start3A_118 = tpu.memref_slice %dma_start3A_115[%dma_start3A_92, %dma_start3A_116, %dma_start3A_117] : memref<160x2x128xi32, #tpu.memory_space<hbm>> -> memref<1x2x128xi32, #tpu.memory_space<hbm>>
    %dma_start3A_119 = tpu.memref_squeeze %dma_start3A_118 : memref<1x2x128xi32, #tpu.memory_space<hbm>> -> memref<2x128xi32, #tpu.memory_space<hbm>>
    tpu.enqueue_dma source(%dma_start3A_119 : memref<2x128xi32, #tpu.memory_space<hbm>>) target(%dma_start3A_110 : memref<2x128xi32, #tpu.memory_space<vmem>>) target_semaphore(%arg12 : memref<!tpu.dma_semaphore, #tpu.memory_space<semaphore_mem>>)
    %dma_wait3A = arith.constant 0 : i32
    %dma_wait3A_120 = arith.constant 0 : i32
    %dma_wait3A_121 = arith.constant 0 : i32
    %dma_wait3A_122 = arith.constant 0 : i32
    %dma_wait3A_123 = tpu.memref_slice %arg5[%dma_wait3A_120, %dma_wait3A_121, %dma_wait3A_122] : memref<4x2x128xi32, #tpu.memory_space<vmem>> -> memref<1x2x128xi32, #tpu.memory_space<vmem>>
    %dma_wait3A_124 = tpu.memref_squeeze %dma_wait3A_123 : memref<1x2x128xi32, #tpu.memory_space<vmem>> -> memref<2x128xi32, #tpu.memory_space<vmem>>
    %dma_wait3A_125 = arith.constant 0 : i32
    %dma_wait3A_126 = arith.constant 0 : i32
    %dma_wait3A_127 = arith.constant 0 : i32
    %dma_wait3A_128 = tpu.memref_slice %arg3[%arg1, %dma_wait3A_125, %dma_wait3A_126, %dma_wait3A_127] : memref<16x160x2x128xi32, #tpu.memory_space<hbm>> -> memref<1x160x2x128xi32, #tpu.memory_space<hbm>>
    %dma_wait3A_129 = tpu.memref_squeeze %dma_wait3A_128 : memref<1x160x2x128xi32, #tpu.memory_space<hbm>> -> memref<160x2x128xi32, #tpu.memory_space<hbm>>
    %dma_wait3A_130 = arith.constant 0 : i32
    %dma_wait3A_131 = arith.constant 0 : i32
    %dma_wait3A_132 = tpu.memref_slice %dma_wait3A_129[%dma_wait3A, %dma_wait3A_130, %dma_wait3A_131] : memref<160x2x128xi32, #tpu.memory_space<hbm>> -> memref<1x2x128xi32, #tpu.memory_space<hbm>>
    %dma_wait3A_133 = tpu.memref_squeeze %dma_wait3A_132 : memref<1x2x128xi32, #tpu.memory_space<hbm>> -> memref<2x128xi32, #tpu.memory_space<hbm>>
    %dma_wait3A_134 = arith.constant 0 : i32
    %dma_wait3A_135 = arith.constant 0 : i32
    %dma_wait3A_136 = tpu.memref_slice %arg5[%dma_wait3A_120, %dma_wait3A_134, %dma_wait3A_135] : memref<4x2x128xi32, #tpu.memory_space<vmem>> -> memref<1x2x128xi32, #tpu.memory_space<vmem>>
    %dma_wait3A_137 = tpu.memref_squeeze %dma_wait3A_136 : memref<1x2x128xi32, #tpu.memory_space<vmem>> -> memref<2x128xi32, #tpu.memory_space<vmem>>
    %dma_wait3A_138 = arith.constant 0 : i32
    %dma_wait3A_139 = arith.constant 0 : i32
    %dma_wait3A_140 = arith.constant 0 : i32
    %dma_wait3A_141 = tpu.memref_slice %arg3[%arg1, %dma_wait3A_138, %dma_wait3A_139, %dma_wait3A_140] : memref<16x160x2x128xi32, #tpu.memory_space<hbm>> -> memref<1x160x2x128xi32, #tpu.memory_space<hbm>>
    %dma_wait3A_142 = tpu.memref_squeeze %dma_wait3A_141 : memref<1x160x2x128xi32, #tpu.memory_space<hbm>> -> memref<160x2x128xi32, #tpu.memory_space<hbm>>
    %dma_wait3A_143 = arith.constant 0 : i32
    %dma_wait3A_144 = arith.constant 0 : i32
    %dma_wait3A_145 = tpu.memref_slice %dma_wait3A_142[%dma_wait3A, %dma_wait3A_143, %dma_wait3A_144] : memref<160x2x128xi32, #tpu.memory_space<hbm>> -> memref<1x2x128xi32, #tpu.memory_space<hbm>>
    %dma_wait3A_146 = tpu.memref_squeeze %dma_wait3A_145 : memref<1x2x128xi32, #tpu.memory_space<hbm>> -> memref<2x128xi32, #tpu.memory_space<hbm>>
    tpu.wait_dma2 semaphore(%arg9 : memref<!tpu.dma_semaphore, #tpu.memory_space<semaphore_mem>>) src(%dma_wait3A_146 : memref<2x128xi32, #tpu.memory_space<hbm>>) dst(%dma_wait3A_137 : memref<2x128xi32, #tpu.memory_space<vmem>>)
    %dma_start3A_147 = arith.constant 0 : i32
    %dma_start3A_148 = arith.constant 0 : i32
    %dma_start3A_149 = arith.constant 0 : i32
    %dma_start3A_150 = arith.constant 0 : i32
    %dma_start3A_151 = tpu.memref_slice %arg6[%dma_start3A_149, %dma_start3A_150] : memref<512x64xf32, #tpu.memory_space<vmem>> -> memref<128x64xf32, #tpu.memory_space<vmem>>
    %dma_start3A_152 = arith.constant 0 : i32
    %dma_start3A_153 = tpu.memref_slice %arg5[%dma_start3A_147, %dma_start3A_148, %dma_start3A_152] : memref<4x2x128xi32, #tpu.memory_space<vmem>> -> memref<1x1x128xi32, #tpu.memory_space<vmem>>
    %dma_start3A_154 = tpu.memref_squeeze %dma_start3A_153 : memref<1x1x128xi32, #tpu.memory_space<vmem>> -> memref<128xi32, #tpu.memory_space<vmem>>
    %dma_start3A_155 = arith.constant 0 : i32
    %dma_start3A_156 = arith.constant 0 : i32
    %dma_start3A_157 = tpu.memref_slice %arg8[%dma_start3A_155, %dma_start3A_156] : memref<10240x64xf32, #tpu.memory_space<vmem_shared>> -> memref<10240x64xf32, #tpu.memory_space<vmem_shared>>
    tpu.enqueue_indirect_dma source(%dma_start3A_157 : memref<10240x64xf32, #tpu.memory_space<vmem_shared>>) target(%dma_start3A_151 : memref<128x64xf32, #tpu.memory_space<vmem>>) offsets(%dma_start3A_154 : memref<128xi32, #tpu.memory_space<vmem>>) semaphore(%arg13 : memref<!tpu.dma_semaphore, #tpu.memory_space<semaphore_mem>>)
    %scan3A_158 = arith.constant 0 : i32
    %scan3A_159 = arith.constant 40 : i32
    %scan3A_160 = arith.addi %scan3A_158, %scan3A_159 : i32
    %scan3A_161 = arith.constant 1 : i32
    scf.for %scan3A_182 = %scan3A_158 to %scan3A_160 step %scan3A_161  : i32 {
      %mul3A_183 = arith.constant 4 : i32
      %mul3A_184 = arith.muli %scan3A_182, %mul3A_183 : i32
      %add3A_185 = arith.constant 0 : i32
      %add3A_186 = arith.addi %add3A_185, %mul3A_184 : i32
      %add3A_187 = arith.constant 0 : i32
      %add3A_188 = arith.addi %add3A_186, %add3A_187 : i32
      %dma_wait3A_189 = arith.constant 0 : i32
      %dma_wait3A_190 = arith.constant 0 : i32
      %dma_wait3A_191 = arith.constant 0 : i32
      %dma_wait3A_192 = arith.constant 0 : i32
      %dma_wait3A_193 = tpu.memref_slice %arg6[%dma_wait3A_191, %dma_wait3A_192] : memref<512x64xf32, #tpu.memory_space<vmem>> -> memref<128x64xf32, #tpu.memory_space<vmem>>
      %dma_wait3A_194 = arith.constant 0 : i32
      %dma_wait3A_195 = tpu.memref_slice %arg5[%dma_wait3A_189, %dma_wait3A_190, %dma_wait3A_194] : memref<4x2x128xi32, #tpu.memory_space<vmem>> -> memref<1x1x128xi32, #tpu.memory_space<vmem>>
      %dma_wait3A_196 = tpu.memref_squeeze %dma_wait3A_195 : memref<1x1x128xi32, #tpu.memory_space<vmem>> -> memref<128xi32, #tpu.memory_space<vmem>>
      %dma_wait3A_197 = arith.constant 0 : i32
      %dma_wait3A_198 = arith.constant 0 : i32
      %dma_wait3A_199 = tpu.memref_slice %arg8[%dma_wait3A_197, %dma_wait3A_198] : memref<10240x64xf32, #tpu.memory_space<vmem_shared>> -> memref<10240x64xf32, #tpu.memory_space<vmem_shared>>
      tpu.wait_indirect_dma semaphore(%arg13 : memref<!tpu.dma_semaphore, #tpu.memory_space<semaphore_mem>>) src(%dma_wait3A_199 : memref<10240x64xf32, #tpu.memory_space<vmem_shared>>) dst(%dma_wait3A_193 : memref<128x64xf32, #tpu.memory_space<vmem>>)
      %add3A_200 = arith.constant 1 : i32
      %add3A_201 = arith.addi %add3A_188, %add3A_200 : i32
      %lt3A = arith.constant 160 : i32
      %lt3A_202 = arith.cmpi slt, %add3A_201, %lt3A : i32
      %convert_element_type3A = arith.extui %lt3A_202 : i1 to i32
      %cond3A = arith.constant 0 : i32
      %cond3A_203 = arith.cmpi ne, %convert_element_type3A, %cond3A : i32
      scf.if %cond3A_203 {
        %dma_wait3A_299 = arith.constant 1 : i32
        %dma_wait3A_300 = arith.constant 0 : i32
        %dma_wait3A_301 = arith.constant 0 : i32
        %dma_wait3A_302 = tpu.memref_slice %arg5[%dma_wait3A_299, %dma_wait3A_300, %dma_wait3A_301] : memref<4x2x128xi32, #tpu.memory_space<vmem>> -> memref<1x2x128xi32, #tpu.memory_space<vmem>>
        %dma_wait3A_303 = tpu.memref_squeeze %dma_wait3A_302 : memref<1x2x128xi32, #tpu.memory_space<vmem>> -> memref<2x128xi32, #tpu.memory_space<vmem>>
        %dma_wait3A_304 = arith.constant 0 : i32
        %dma_wait3A_305 = arith.constant 0 : i32
        %dma_wait3A_306 = arith.constant 0 : i32
        %dma_wait3A_307 = tpu.memref_slice %arg3[%arg1, %dma_wait3A_304, %dma_wait3A_305, %dma_wait3A_306] : memref<16x160x2x128xi32, #tpu.memory_space<hbm>> -> memref<1x160x2x128xi32, #tpu.memory_space<hbm>>
        %dma_wait3A_308 = tpu.memref_squeeze %dma_wait3A_307 : memref<1x160x2x128xi32, #tpu.memory_space<hbm>> -> memref<160x2x128xi32, #tpu.memory_space<hbm>>
        %dma_wait3A_309 = arith.constant 0 : i32
        %dma_wait3A_310 = arith.constant 0 : i32
        %dma_wait3A_311 = tpu.memref_slice %dma_wait3A_308[%add3A_201, %dma_wait3A_309, %dma_wait3A_310] : memref<160x2x128xi32, #tpu.memory_space<hbm>> -> memref<1x2x128xi32, #tpu.memory_space<hbm>>
        %dma_wait3A_312 = tpu.memref_squeeze %dma_wait3A_311 : memref<1x2x128xi32, #tpu.memory_space<hbm>> -> memref<2x128xi32, #tpu.memory_space<hbm>>
        %dma_wait3A_313 = arith.constant 0 : i32
        %dma_wait3A_314 = arith.constant 0 : i32
        %dma_wait3A_315 = tpu.memref_slice %arg5[%dma_wait3A_299, %dma_wait3A_313, %dma_wait3A_314] : memref<4x2x128xi32, #tpu.memory_space<vmem>> -> memref<1x2x128xi32, #tpu.memory_space<vmem>>
        %dma_wait3A_316 = tpu.memref_squeeze %dma_wait3A_315 : memref<1x2x128xi32, #tpu.memory_space<vmem>> -> memref<2x128xi32, #tpu.memory_space<vmem>>
        %dma_wait3A_317 = arith.constant 0 : i32
        %dma_wait3A_318 = arith.constant 0 : i32
        %dma_wait3A_319 = arith.constant 0 : i32
        %dma_wait3A_320 = tpu.memref_slice %arg3[%arg1, %dma_wait3A_317, %dma_wait3A_318, %dma_wait3A_319] : memref<16x160x2x128xi32, #tpu.memory_space<hbm>> -> memref<1x160x2x128xi32, #tpu.memory_space<hbm>>
        %dma_wait3A_321 = tpu.memref_squeeze %dma_wait3A_320 : memref<1x160x2x128xi32, #tpu.memory_space<hbm>> -> memref<160x2x128xi32, #tpu.memory_space<hbm>>
        %dma_wait3A_322 = arith.constant 0 : i32
        %dma_wait3A_323 = arith.constant 0 : i32
        %dma_wait3A_324 = tpu.memref_slice %dma_wait3A_321[%add3A_201, %dma_wait3A_322, %dma_wait3A_323] : memref<160x2x128xi32, #tpu.memory_space<hbm>> -> memref<1x2x128xi32, #tpu.memory_space<hbm>>
        %dma_wait3A_325 = tpu.memref_squeeze %dma_wait3A_324 : memref<1x2x128xi32, #tpu.memory_space<hbm>> -> memref<2x128xi32, #tpu.memory_space<hbm>>
        tpu.wait_dma2 semaphore(%arg10 : memref<!tpu.dma_semaphore, #tpu.memory_space<semaphore_mem>>) src(%dma_wait3A_325 : memref<2x128xi32, #tpu.memory_space<hbm>>) dst(%dma_wait3A_316 : memref<2x128xi32, #tpu.memory_space<vmem>>)
        %dma_start3A_326 = arith.constant 1 : i32
        %dma_start3A_327 = arith.constant 0 : i32
        %dma_start3A_328 = arith.constant 128 : i32
        %dma_start3A_329 = arith.constant 0 : i32
        %dma_start3A_330 = tpu.memref_slice %arg6[%dma_start3A_328, %dma_start3A_329] : memref<512x64xf32, #tpu.memory_space<vmem>> -> memref<128x64xf32, #tpu.memory_space<vmem>>
        %dma_start3A_331 = arith.constant 0 : i32
        %dma_start3A_332 = tpu.memref_slice %arg5[%dma_start3A_326, %dma_start3A_327, %dma_start3A_331] : memref<4x2x128xi32, #tpu.memory_space<vmem>> -> memref<1x1x128xi32, #tpu.memory_space<vmem>>
        %dma_start3A_333 = tpu.memref_squeeze %dma_start3A_332 : memref<1x1x128xi32, #tpu.memory_space<vmem>> -> memref<128xi32, #tpu.memory_space<vmem>>
        %dma_start3A_334 = arith.constant 0 : i32
        %dma_start3A_335 = arith.constant 0 : i32
        %dma_start3A_336 = tpu.memref_slice %arg8[%dma_start3A_334, %dma_start3A_335] : memref<10240x64xf32, #tpu.memory_space<vmem_shared>> -> memref<10240x64xf32, #tpu.memory_space<vmem_shared>>
        tpu.enqueue_indirect_dma source(%dma_start3A_336 : memref<10240x64xf32, #tpu.memory_space<vmem_shared>>) target(%dma_start3A_330 : memref<128x64xf32, #tpu.memory_space<vmem>>) offsets(%dma_start3A_333 : memref<128xi32, #tpu.memory_space<vmem>>) semaphore(%arg14 : memref<!tpu.dma_semaphore, #tpu.memory_space<semaphore_mem>>)
      } else {
      }
      %run_scoped3A = arith.constant 0 : i32
      %run_scoped3A_204 = arith.constant 1 : i32
      "tpu.region"() ({
        %run_scoped3A_299 = tpu.sem_alloc : memref<!tpu.dma_semaphore, #tpu.memory_space<semaphore_mem>>
        %dma_start3A_300 = arith.constant 0 : i32
        %dma_start3A_301 = arith.constant 0 : i32
        %dma_start3A_302 = tpu.memref_slice %arg6[%dma_start3A_300, %dma_start3A_301] : memref<512x64xf32, #tpu.memory_space<vmem>> -> memref<128x64xf32, #tpu.memory_space<vmem>>
        %dma_start3A_303 = arith.constant 0 : i32
        %dma_start3A_304 = tpu.memref_slice %arg5[%run_scoped3A, %run_scoped3A_204, %dma_start3A_303] : memref<4x2x128xi32, #tpu.memory_space<vmem>> -> memref<1x1x128xi32, #tpu.memory_space<vmem>>
        %dma_start3A_305 = tpu.memref_squeeze %dma_start3A_304 : memref<1x1x128xi32, #tpu.memory_space<vmem>> -> memref<128xi32, #tpu.memory_space<vmem>>
        %dma_start3A_306 = arith.constant 0 : i32
        %dma_start3A_307 = arith.constant 0 : i32
        %dma_start3A_308 = tpu.memref_slice %arg7[%dma_start3A_306, %dma_start3A_307] : memref<10240x64xf32, #tpu.memory_space<vmem_shared>> -> memref<10240x64xf32, #tpu.memory_space<vmem_shared>>
        tpu.enqueue_indirect_dma source(%dma_start3A_302 : memref<128x64xf32, #tpu.memory_space<vmem>>) target(%dma_start3A_308 : memref<10240x64xf32, #tpu.memory_space<vmem_shared>>) offsets(%dma_start3A_305 : memref<128xi32, #tpu.memory_space<vmem>>) semaphore(%run_scoped3A_299 : memref<!tpu.dma_semaphore, #tpu.memory_space<semaphore_mem>>) {add = true}
        %dma_wait3A_309 = arith.constant 0 : i32
        %dma_wait3A_310 = arith.constant 0 : i32
        %dma_wait3A_311 = tpu.memref_slice %arg6[%dma_wait3A_309, %dma_wait3A_310] : memref<512x64xf32, #tpu.memory_space<vmem>> -> memref<128x64xf32, #tpu.memory_space<vmem>>
        %dma_wait3A_312 = arith.constant 0 : i32
        %dma_wait3A_313 = tpu.memref_slice %arg5[%run_scoped3A, %run_scoped3A_204, %dma_wait3A_312] : memref<4x2x128xi32, #tpu.memory_space<vmem>> -> memref<1x1x128xi32, #tpu.memory_space<vmem>>
        %dma_wait3A_314 = tpu.memref_squeeze %dma_wait3A_313 : memref<1x1x128xi32, #tpu.memory_space<vmem>> -> memref<128xi32, #tpu.memory_space<vmem>>
        %dma_wait3A_315 = arith.constant 0 : i32
        %dma_wait3A_316 = arith.constant 0 : i32
        %dma_wait3A_317 = tpu.memref_slice %arg7[%dma_wait3A_315, %dma_wait3A_316] : memref<10240x64xf32, #tpu.memory_space<vmem_shared>> -> memref<10240x64xf32, #tpu.memory_space<vmem_shared>>
        tpu.wait_indirect_dma semaphore(%run_scoped3A_299 : memref<!tpu.dma_semaphore, #tpu.memory_space<semaphore_mem>>) src(%dma_wait3A_311 : memref<128x64xf32, #tpu.memory_space<vmem>>) dst(%dma_wait3A_317 : memref<10240x64xf32, #tpu.memory_space<vmem_shared>>)
        tpu.yield
      }) : () -> ()
      %add3A_205 = arith.constant 4 : i32
      %add3A_206 = arith.addi %add3A_188, %add3A_205 : i32
      %lt3A_207 = arith.constant 160 : i32
      %lt3A_208 = arith.cmpi slt, %add3A_206, %lt3A_207 : i32
      %convert_element_type3A_209 = arith.extui %lt3A_208 : i1 to i32
      %cond3A_210 = arith.constant 0 : i32
      %cond3A_211 = arith.cmpi ne, %convert_element_type3A_209, %cond3A_210 : i32
      scf.if %cond3A_211 {
        %add3A_299 = arith.constant 4 : i32
        %add3A_300 = arith.addi %add3A_188, %add3A_299 : i32
        %dma_start3A_301 = arith.constant 0 : i32
        %dma_start3A_302 = arith.constant 0 : i32
        %dma_start3A_303 = arith.constant 0 : i32
        %dma_start3A_304 = tpu.memref_slice %arg5[%dma_start3A_301, %dma_start3A_302, %dma_start3A_303] : memref<4x2x128xi32, #tpu.memory_space<vmem>> -> memref<1x2x128xi32, #tpu.memory_space<vmem>>
        %dma_start3A_305 = tpu.memref_squeeze %dma_start3A_304 : memref<1x2x128xi32, #tpu.memory_space<vmem>> -> memref<2x128xi32, #tpu.memory_space<vmem>>
        %dma_start3A_306 = arith.constant 0 : i32
        %dma_start3A_307 = arith.constant 0 : i32
        %dma_start3A_308 = arith.constant 0 : i32
        %dma_start3A_309 = tpu.memref_slice %arg3[%arg1, %dma_start3A_306, %dma_start3A_307, %dma_start3A_308] : memref<16x160x2x128xi32, #tpu.memory_space<hbm>> -> memref<1x160x2x128xi32, #tpu.memory_space<hbm>>
        %dma_start3A_310 = tpu.memref_squeeze %dma_start3A_309 : memref<1x160x2x128xi32, #tpu.memory_space<hbm>> -> memref<160x2x128xi32, #tpu.memory_space<hbm>>
        %dma_start3A_311 = arith.constant 0 : i32
        %dma_start3A_312 = arith.constant 0 : i32
        %dma_start3A_313 = tpu.memref_slice %dma_start3A_310[%add3A_300, %dma_start3A_311, %dma_start3A_312] : memref<160x2x128xi32, #tpu.memory_space<hbm>> -> memref<1x2x128xi32, #tpu.memory_space<hbm>>
        %dma_start3A_314 = tpu.memref_squeeze %dma_start3A_313 : memref<1x2x128xi32, #tpu.memory_space<hbm>> -> memref<2x128xi32, #tpu.memory_space<hbm>>
        %dma_start3A_315 = arith.constant 0 : i32
        %dma_start3A_316 = arith.constant 0 : i32
        %dma_start3A_317 = tpu.memref_slice %arg5[%dma_start3A_301, %dma_start3A_315, %dma_start3A_316] : memref<4x2x128xi32, #tpu.memory_space<vmem>> -> memref<1x2x128xi32, #tpu.memory_space<vmem>>
        %dma_start3A_318 = tpu.memref_squeeze %dma_start3A_317 : memref<1x2x128xi32, #tpu.memory_space<vmem>> -> memref<2x128xi32, #tpu.memory_space<vmem>>
        %dma_start3A_319 = arith.constant 0 : i32
        %dma_start3A_320 = arith.constant 0 : i32
        %dma_start3A_321 = arith.constant 0 : i32
        %dma_start3A_322 = tpu.memref_slice %arg3[%arg1, %dma_start3A_319, %dma_start3A_320, %dma_start3A_321] : memref<16x160x2x128xi32, #tpu.memory_space<hbm>> -> memref<1x160x2x128xi32, #tpu.memory_space<hbm>>
        %dma_start3A_323 = tpu.memref_squeeze %dma_start3A_322 : memref<1x160x2x128xi32, #tpu.memory_space<hbm>> -> memref<160x2x128xi32, #tpu.memory_space<hbm>>
        %dma_start3A_324 = arith.constant 0 : i32
        %dma_start3A_325 = arith.constant 0 : i32
        %dma_start3A_326 = tpu.memref_slice %dma_start3A_323[%add3A_300, %dma_start3A_324, %dma_start3A_325] : memref<160x2x128xi32, #tpu.memory_space<hbm>> -> memref<1x2x128xi32, #tpu.memory_space<hbm>>
        %dma_start3A_327 = tpu.memref_squeeze %dma_start3A_326 : memref<1x2x128xi32, #tpu.memory_space<hbm>> -> memref<2x128xi32, #tpu.memory_space<hbm>>
        tpu.enqueue_dma source(%dma_start3A_327 : memref<2x128xi32, #tpu.memory_space<hbm>>) target(%dma_start3A_318 : memref<2x128xi32, #tpu.memory_space<vmem>>) target_semaphore(%arg9 : memref<!tpu.dma_semaphore, #tpu.memory_space<semaphore_mem>>)
      } else {
      }
      %add3A_212 = arith.constant 1 : i32
      %add3A_213 = arith.addi %add3A_186, %add3A_212 : i32
      %dma_wait3A_214 = arith.constant 1 : i32
      %dma_wait3A_215 = arith.constant 0 : i32
      %dma_wait3A_216 = arith.constant 128 : i32
      %dma_wait3A_217 = arith.constant 0 : i32
      %dma_wait3A_218 = tpu.memref_slice %arg6[%dma_wait3A_216, %dma_wait3A_217] : memref<512x64xf32, #tpu.memory_space<vmem>> -> memref<128x64xf32, #tpu.memory_space<vmem>>
      %dma_wait3A_219 = arith.constant 0 : i32
      %dma_wait3A_220 = tpu.memref_slice %arg5[%dma_wait3A_214, %dma_wait3A_215, %dma_wait3A_219] : memref<4x2x128xi32, #tpu.memory_space<vmem>> -> memref<1x1x128xi32, #tpu.memory_space<vmem>>
      %dma_wait3A_221 = tpu.memref_squeeze %dma_wait3A_220 : memref<1x1x128xi32, #tpu.memory_space<vmem>> -> memref<128xi32, #tpu.memory_space<vmem>>
      %dma_wait3A_222 = arith.constant 0 : i32
      %dma_wait3A_223 = arith.constant 0 : i32
      %dma_wait3A_224 = tpu.memref_slice %arg8[%dma_wait3A_222, %dma_wait3A_223] : memref<10240x64xf32, #tpu.memory_space<vmem_shared>> -> memref<10240x64xf32, #tpu.memory_space<vmem_shared>>
      tpu.wait_indirect_dma semaphore(%arg14 : memref<!tpu.dma_semaphore, #tpu.memory_space<semaphore_mem>>) src(%dma_wait3A_224 : memref<10240x64xf32, #tpu.memory_space<vmem_shared>>) dst(%dma_wait3A_218 : memref<128x64xf32, #tpu.memory_space<vmem>>)
      %add3A_225 = arith.constant 1 : i32
      %add3A_226 = arith.addi %add3A_213, %add3A_225 : i32
      %lt3A_227 = arith.constant 160 : i32
      %lt3A_228 = arith.cmpi slt, %add3A_226, %lt3A_227 : i32
      %convert_element_type3A_229 = arith.extui %lt3A_228 : i1 to i32
      %cond3A_230 = arith.constant 0 : i32
      %cond3A_231 = arith.cmpi ne, %convert_element_type3A_229, %cond3A_230 : i32
      scf.if %cond3A_231 {
        %dma_wait3A_299 = arith.constant 2 : i32
        %dma_wait3A_300 = arith.constant 0 : i32
        %dma_wait3A_301 = arith.constant 0 : i32
        %dma_wait3A_302 = tpu.memref_slice %arg5[%dma_wait3A_299, %dma_wait3A_300, %dma_wait3A_301] : memref<4x2x128xi32, #tpu.memory_space<vmem>> -> memref<1x2x128xi32, #tpu.memory_space<vmem>>
        %dma_wait3A_303 = tpu.memref_squeeze %dma_wait3A_302 : memref<1x2x128xi32, #tpu.memory_space<vmem>> -> memref<2x128xi32, #tpu.memory_space<vmem>>
        %dma_wait3A_304 = arith.constant 0 : i32
        %dma_wait3A_305 = arith.constant 0 : i32
        %dma_wait3A_306 = arith.constant 0 : i32
        %dma_wait3A_307 = tpu.memref_slice %arg3[%arg1, %dma_wait3A_304, %dma_wait3A_305, %dma_wait3A_306] : memref<16x160x2x128xi32, #tpu.memory_space<hbm>> -> memref<1x160x2x128xi32, #tpu.memory_space<hbm>>
        %dma_wait3A_308 = tpu.memref_squeeze %dma_wait3A_307 : memref<1x160x2x128xi32, #tpu.memory_space<hbm>> -> memref<160x2x128xi32, #tpu.memory_space<hbm>>
        %dma_wait3A_309 = arith.constant 0 : i32
        %dma_wait3A_310 = arith.constant 0 : i32
        %dma_wait3A_311 = tpu.memref_slice %dma_wait3A_308[%add3A_226, %dma_wait3A_309, %dma_wait3A_310] : memref<160x2x128xi32, #tpu.memory_space<hbm>> -> memref<1x2x128xi32, #tpu.memory_space<hbm>>
        %dma_wait3A_312 = tpu.memref_squeeze %dma_wait3A_311 : memref<1x2x128xi32, #tpu.memory_space<hbm>> -> memref<2x128xi32, #tpu.memory_space<hbm>>
        %dma_wait3A_313 = arith.constant 0 : i32
        %dma_wait3A_314 = arith.constant 0 : i32
        %dma_wait3A_315 = tpu.memref_slice %arg5[%dma_wait3A_299, %dma_wait3A_313, %dma_wait3A_314] : memref<4x2x128xi32, #tpu.memory_space<vmem>> -> memref<1x2x128xi32, #tpu.memory_space<vmem>>
        %dma_wait3A_316 = tpu.memref_squeeze %dma_wait3A_315 : memref<1x2x128xi32, #tpu.memory_space<vmem>> -> memref<2x128xi32, #tpu.memory_space<vmem>>
        %dma_wait3A_317 = arith.constant 0 : i32
        %dma_wait3A_318 = arith.constant 0 : i32
        %dma_wait3A_319 = arith.constant 0 : i32
        %dma_wait3A_320 = tpu.memref_slice %arg3[%arg1, %dma_wait3A_317, %dma_wait3A_318, %dma_wait3A_319] : memref<16x160x2x128xi32, #tpu.memory_space<hbm>> -> memref<1x160x2x128xi32, #tpu.memory_space<hbm>>
        %dma_wait3A_321 = tpu.memref_squeeze %dma_wait3A_320 : memref<1x160x2x128xi32, #tpu.memory_space<hbm>> -> memref<160x2x128xi32, #tpu.memory_space<hbm>>
        %dma_wait3A_322 = arith.constant 0 : i32
        %dma_wait3A_323 = arith.constant 0 : i32
        %dma_wait3A_324 = tpu.memref_slice %dma_wait3A_321[%add3A_226, %dma_wait3A_322, %dma_wait3A_323] : memref<160x2x128xi32, #tpu.memory_space<hbm>> -> memref<1x2x128xi32, #tpu.memory_space<hbm>>
        %dma_wait3A_325 = tpu.memref_squeeze %dma_wait3A_324 : memref<1x2x128xi32, #tpu.memory_space<hbm>> -> memref<2x128xi32, #tpu.memory_space<hbm>>
        tpu.wait_dma2 semaphore(%arg11 : memref<!tpu.dma_semaphore, #tpu.memory_space<semaphore_mem>>) src(%dma_wait3A_325 : memref<2x128xi32, #tpu.memory_space<hbm>>) dst(%dma_wait3A_316 : memref<2x128xi32, #tpu.memory_space<vmem>>)
        %dma_start3A_326 = arith.constant 2 : i32
        %dma_start3A_327 = arith.constant 0 : i32
        %dma_start3A_328 = arith.constant 256 : i32
        %dma_start3A_329 = arith.constant 0 : i32
        %dma_start3A_330 = tpu.memref_slice %arg6[%dma_start3A_328, %dma_start3A_329] : memref<512x64xf32, #tpu.memory_space<vmem>> -> memref<128x64xf32, #tpu.memory_space<vmem>>
        %dma_start3A_331 = arith.constant 0 : i32
        %dma_start3A_332 = tpu.memref_slice %arg5[%dma_start3A_326, %dma_start3A_327, %dma_start3A_331] : memref<4x2x128xi32, #tpu.memory_space<vmem>> -> memref<1x1x128xi32, #tpu.memory_space<vmem>>
        %dma_start3A_333 = tpu.memref_squeeze %dma_start3A_332 : memref<1x1x128xi32, #tpu.memory_space<vmem>> -> memref<128xi32, #tpu.memory_space<vmem>>
        %dma_start3A_334 = arith.constant 0 : i32
        %dma_start3A_335 = arith.constant 0 : i32
        %dma_start3A_336 = tpu.memref_slice %arg8[%dma_start3A_334, %dma_start3A_335] : memref<10240x64xf32, #tpu.memory_space<vmem_shared>> -> memref<10240x64xf32, #tpu.memory_space<vmem_shared>>
        tpu.enqueue_indirect_dma source(%dma_start3A_336 : memref<10240x64xf32, #tpu.memory_space<vmem_shared>>) target(%dma_start3A_330 : memref<128x64xf32, #tpu.memory_space<vmem>>) offsets(%dma_start3A_333 : memref<128xi32, #tpu.memory_space<vmem>>) semaphore(%arg15 : memref<!tpu.dma_semaphore, #tpu.memory_space<semaphore_mem>>)
      } else {
      }
      %run_scoped3A_232 = arith.constant 1 : i32
      %run_scoped3A_233 = arith.constant 1 : i32
      "tpu.region"() ({
        %run_scoped3A_299 = tpu.sem_alloc : memref<!tpu.dma_semaphore, #tpu.memory_space<semaphore_mem>>
        %dma_start3A_300 = arith.constant 128 : i32
        %dma_start3A_301 = arith.constant 0 : i32
        %dma_start3A_302 = tpu.memref_slice %arg6[%dma_start3A_300, %dma_start3A_301] : memref<512x64xf32, #tpu.memory_space<vmem>> -> memref<128x64xf32, #tpu.memory_space<vmem>>
        %dma_start3A_303 = arith.constant 0 : i32
        %dma_start3A_304 = tpu.memref_slice %arg5[%run_scoped3A_232, %run_scoped3A_233, %dma_start3A_303] : memref<4x2x128xi32, #tpu.memory_space<vmem>> -> memref<1x1x128xi32, #tpu.memory_space<vmem>>
        %dma_start3A_305 = tpu.memref_squeeze %dma_start3A_304 : memref<1x1x128xi32, #tpu.memory_space<vmem>> -> memref<128xi32, #tpu.memory_space<vmem>>
        %dma_start3A_306 = arith.constant 0 : i32
        %dma_start3A_307 = arith.constant 0 : i32
        %dma_start3A_308 = tpu.memref_slice %arg7[%dma_start3A_306, %dma_start3A_307] : memref<10240x64xf32, #tpu.memory_space<vmem_shared>> -> memref<10240x64xf32, #tpu.memory_space<vmem_shared>>
        tpu.enqueue_indirect_dma source(%dma_start3A_302 : memref<128x64xf32, #tpu.memory_space<vmem>>) target(%dma_start3A_308 : memref<10240x64xf32, #tpu.memory_space<vmem_shared>>) offsets(%dma_start3A_305 : memref<128xi32, #tpu.memory_space<vmem>>) semaphore(%run_scoped3A_299 : memref<!tpu.dma_semaphore, #tpu.memory_space<semaphore_mem>>) {add = true}
        %dma_wait3A_309 = arith.constant 128 : i32
        %dma_wait3A_310 = arith.constant 0 : i32
        %dma_wait3A_311 = tpu.memref_slice %arg6[%dma_wait3A_309, %dma_wait3A_310] : memref<512x64xf32, #tpu.memory_space<vmem>> -> memref<128x64xf32, #tpu.memory_space<vmem>>
        %dma_wait3A_312 = arith.constant 0 : i32
        %dma_wait3A_313 = tpu.memref_slice %arg5[%run_scoped3A_232, %run_scoped3A_233, %dma_wait3A_312] : memref<4x2x128xi32, #tpu.memory_space<vmem>> -> memref<1x1x128xi32, #tpu.memory_space<vmem>>
        %dma_wait3A_314 = tpu.memref_squeeze %dma_wait3A_313 : memref<1x1x128xi32, #tpu.memory_space<vmem>> -> memref<128xi32, #tpu.memory_space<vmem>>
        %dma_wait3A_315 = arith.constant 0 : i32
        %dma_wait3A_316 = arith.constant 0 : i32
        %dma_wait3A_317 = tpu.memref_slice %arg7[%dma_wait3A_315, %dma_wait3A_316] : memref<10240x64xf32, #tpu.memory_space<vmem_shared>> -> memref<10240x64xf32, #tpu.memory_space<vmem_shared>>
        tpu.wait_indirect_dma semaphore(%run_scoped3A_299 : memref<!tpu.dma_semaphore, #tpu.memory_space<semaphore_mem>>) src(%dma_wait3A_311 : memref<128x64xf32, #tpu.memory_space<vmem>>) dst(%dma_wait3A_317 : memref<10240x64xf32, #tpu.memory_space<vmem_shared>>)
        tpu.yield
      }) : () -> ()
      %add3A_234 = arith.constant 4 : i32
      %add3A_235 = arith.addi %add3A_213, %add3A_234 : i32
      %lt3A_236 = arith.constant 160 : i32
      %lt3A_237 = arith.cmpi slt, %add3A_235, %lt3A_236 : i32
      %convert_element_type3A_238 = arith.extui %lt3A_237 : i1 to i32
      %cond3A_239 = arith.constant 0 : i32
      %cond3A_240 = arith.cmpi ne, %convert_element_type3A_238, %cond3A_239 : i32
      scf.if %cond3A_240 {
        %add3A_299 = arith.constant 4 : i32
        %add3A_300 = arith.addi %add3A_213, %add3A_299 : i32
        %dma_start3A_301 = arith.constant 1 : i32
        %dma_start3A_302 = arith.constant 0 : i32
        %dma_start3A_303 = arith.constant 0 : i32
        %dma_start3A_304 = tpu.memref_slice %arg5[%dma_start3A_301, %dma_start3A_302, %dma_start3A_303] : memref<4x2x128xi32, #tpu.memory_space<vmem>> -> memref<1x2x128xi32, #tpu.memory_space<vmem>>
        %dma_start3A_305 = tpu.memref_squeeze %dma_start3A_304 : memref<1x2x128xi32, #tpu.memory_space<vmem>> -> memref<2x128xi32, #tpu.memory_space<vmem>>
        %dma_start3A_306 = arith.constant 0 : i32
        %dma_start3A_307 = arith.constant 0 : i32
        %dma_start3A_308 = arith.constant 0 : i32
        %dma_start3A_309 = tpu.memref_slice %arg3[%arg1, %dma_start3A_306, %dma_start3A_307, %dma_start3A_308] : memref<16x160x2x128xi32, #tpu.memory_space<hbm>> -> memref<1x160x2x128xi32, #tpu.memory_space<hbm>>
        %dma_start3A_310 = tpu.memref_squeeze %dma_start3A_309 : memref<1x160x2x128xi32, #tpu.memory_space<hbm>> -> memref<160x2x128xi32, #tpu.memory_space<hbm>>
        %dma_start3A_311 = arith.constant 0 : i32
        %dma_start3A_312 = arith.constant 0 : i32
        %dma_start3A_313 = tpu.memref_slice %dma_start3A_310[%add3A_300, %dma_start3A_311, %dma_start3A_312] : memref<160x2x128xi32, #tpu.memory_space<hbm>> -> memref<1x2x128xi32, #tpu.memory_space<hbm>>
        %dma_start3A_314 = tpu.memref_squeeze %dma_start3A_313 : memref<1x2x128xi32, #tpu.memory_space<hbm>> -> memref<2x128xi32, #tpu.memory_space<hbm>>
        %dma_start3A_315 = arith.constant 0 : i32
        %dma_start3A_316 = arith.constant 0 : i32
        %dma_start3A_317 = tpu.memref_slice %arg5[%dma_start3A_301, %dma_start3A_315, %dma_start3A_316] : memref<4x2x128xi32, #tpu.memory_space<vmem>> -> memref<1x2x128xi32, #tpu.memory_space<vmem>>
        %dma_start3A_318 = tpu.memref_squeeze %dma_start3A_317 : memref<1x2x128xi32, #tpu.memory_space<vmem>> -> memref<2x128xi32, #tpu.memory_space<vmem>>
        %dma_start3A_319 = arith.constant 0 : i32
        %dma_start3A_320 = arith.constant 0 : i32
        %dma_start3A_321 = arith.constant 0 : i32
        %dma_start3A_322 = tpu.memref_slice %arg3[%arg1, %dma_start3A_319, %dma_start3A_320, %dma_start3A_321] : memref<16x160x2x128xi32, #tpu.memory_space<hbm>> -> memref<1x160x2x128xi32, #tpu.memory_space<hbm>>
        %dma_start3A_323 = tpu.memref_squeeze %dma_start3A_322 : memref<1x160x2x128xi32, #tpu.memory_space<hbm>> -> memref<160x2x128xi32, #tpu.memory_space<hbm>>
        %dma_start3A_324 = arith.constant 0 : i32
        %dma_start3A_325 = arith.constant 0 : i32
        %dma_start3A_326 = tpu.memref_slice %dma_start3A_323[%add3A_300, %dma_start3A_324, %dma_start3A_325] : memref<160x2x128xi32, #tpu.memory_space<hbm>> -> memref<1x2x128xi32, #tpu.memory_space<hbm>>
        %dma_start3A_327 = tpu.memref_squeeze %dma_start3A_326 : memref<1x2x128xi32, #tpu.memory_space<hbm>> -> memref<2x128xi32, #tpu.memory_space<hbm>>
        tpu.enqueue_dma source(%dma_start3A_327 : memref<2x128xi32, #tpu.memory_space<hbm>>) target(%dma_start3A_318 : memref<2x128xi32, #tpu.memory_space<vmem>>) target_semaphore(%arg10 : memref<!tpu.dma_semaphore, #tpu.memory_space<semaphore_mem>>)
      } else {
      }
      %add3A_241 = arith.constant 2 : i32
      %add3A_242 = arith.addi %add3A_186, %add3A_241 : i32
      %dma_wait3A_243 = arith.constant 2 : i32
      %dma_wait3A_244 = arith.constant 0 : i32
      %dma_wait3A_245 = arith.constant 256 : i32
      %dma_wait3A_246 = arith.constant 0 : i32
      %dma_wait3A_247 = tpu.memref_slice %arg6[%dma_wait3A_245, %dma_wait3A_246] : memref<512x64xf32, #tpu.memory_space<vmem>> -> memref<128x64xf32, #tpu.memory_space<vmem>>
      %dma_wait3A_248 = arith.constant 0 : i32
      %dma_wait3A_249 = tpu.memref_slice %arg5[%dma_wait3A_243, %dma_wait3A_244, %dma_wait3A_248] : memref<4x2x128xi32, #tpu.memory_space<vmem>> -> memref<1x1x128xi32, #tpu.memory_space<vmem>>
      %dma_wait3A_250 = tpu.memref_squeeze %dma_wait3A_249 : memref<1x1x128xi32, #tpu.memory_space<vmem>> -> memref<128xi32, #tpu.memory_space<vmem>>
      %dma_wait3A_251 = arith.constant 0 : i32
      %dma_wait3A_252 = arith.constant 0 : i32
      %dma_wait3A_253 = tpu.memref_slice %arg8[%dma_wait3A_251, %dma_wait3A_252] : memref<10240x64xf32, #tpu.memory_space<vmem_shared>> -> memref<10240x64xf32, #tpu.memory_space<vmem_shared>>
      tpu.wait_indirect_dma semaphore(%arg15 : memref<!tpu.dma_semaphore, #tpu.memory_space<semaphore_mem>>) src(%dma_wait3A_253 : memref<10240x64xf32, #tpu.memory_space<vmem_shared>>) dst(%dma_wait3A_247 : memref<128x64xf32, #tpu.memory_space<vmem>>)
      %add3A_254 = arith.constant 1 : i32
      %add3A_255 = arith.addi %add3A_242, %add3A_254 : i32
      %lt3A_256 = arith.constant 160 : i32
      %lt3A_257 = arith.cmpi slt, %add3A_255, %lt3A_256 : i32
      %convert_element_type3A_258 = arith.extui %lt3A_257 : i1 to i32
      %cond3A_259 = arith.constant 0 : i32
      %cond3A_260 = arith.cmpi ne, %convert_element_type3A_258, %cond3A_259 : i32
      scf.if %cond3A_260 {
        %dma_wait3A_299 = arith.constant 3 : i32
        %dma_wait3A_300 = arith.constant 0 : i32
        %dma_wait3A_301 = arith.constant 0 : i32
        %dma_wait3A_302 = tpu.memref_slice %arg5[%dma_wait3A_299, %dma_wait3A_300, %dma_wait3A_301] : memref<4x2x128xi32, #tpu.memory_space<vmem>> -> memref<1x2x128xi32, #tpu.memory_space<vmem>>
        %dma_wait3A_303 = tpu.memref_squeeze %dma_wait3A_302 : memref<1x2x128xi32, #tpu.memory_space<vmem>> -> memref<2x128xi32, #tpu.memory_space<vmem>>
        %dma_wait3A_304 = arith.constant 0 : i32
        %dma_wait3A_305 = arith.constant 0 : i32
        %dma_wait3A_306 = arith.constant 0 : i32
        %dma_wait3A_307 = tpu.memref_slice %arg3[%arg1, %dma_wait3A_304, %dma_wait3A_305, %dma_wait3A_306] : memref<16x160x2x128xi32, #tpu.memory_space<hbm>> -> memref<1x160x2x128xi32, #tpu.memory_space<hbm>>
        %dma_wait3A_308 = tpu.memref_squeeze %dma_wait3A_307 : memref<1x160x2x128xi32, #tpu.memory_space<hbm>> -> memref<160x2x128xi32, #tpu.memory_space<hbm>>
        %dma_wait3A_309 = arith.constant 0 : i32
        %dma_wait3A_310 = arith.constant 0 : i32
        %dma_wait3A_311 = tpu.memref_slice %dma_wait3A_308[%add3A_255, %dma_wait3A_309, %dma_wait3A_310] : memref<160x2x128xi32, #tpu.memory_space<hbm>> -> memref<1x2x128xi32, #tpu.memory_space<hbm>>
        %dma_wait3A_312 = tpu.memref_squeeze %dma_wait3A_311 : memref<1x2x128xi32, #tpu.memory_space<hbm>> -> memref<2x128xi32, #tpu.memory_space<hbm>>
        %dma_wait3A_313 = arith.constant 0 : i32
        %dma_wait3A_314 = arith.constant 0 : i32
        %dma_wait3A_315 = tpu.memref_slice %arg5[%dma_wait3A_299, %dma_wait3A_313, %dma_wait3A_314] : memref<4x2x128xi32, #tpu.memory_space<vmem>> -> memref<1x2x128xi32, #tpu.memory_space<vmem>>
        %dma_wait3A_316 = tpu.memref_squeeze %dma_wait3A_315 : memref<1x2x128xi32, #tpu.memory_space<vmem>> -> memref<2x128xi32, #tpu.memory_space<vmem>>
        %dma_wait3A_317 = arith.constant 0 : i32
        %dma_wait3A_318 = arith.constant 0 : i32
        %dma_wait3A_319 = arith.constant 0 : i32
        %dma_wait3A_320 = tpu.memref_slice %arg3[%arg1, %dma_wait3A_317, %dma_wait3A_318, %dma_wait3A_319] : memref<16x160x2x128xi32, #tpu.memory_space<hbm>> -> memref<1x160x2x128xi32, #tpu.memory_space<hbm>>
        %dma_wait3A_321 = tpu.memref_squeeze %dma_wait3A_320 : memref<1x160x2x128xi32, #tpu.memory_space<hbm>> -> memref<160x2x128xi32, #tpu.memory_space<hbm>>
        %dma_wait3A_322 = arith.constant 0 : i32
        %dma_wait3A_323 = arith.constant 0 : i32
        %dma_wait3A_324 = tpu.memref_slice %dma_wait3A_321[%add3A_255, %dma_wait3A_322, %dma_wait3A_323] : memref<160x2x128xi32, #tpu.memory_space<hbm>> -> memref<1x2x128xi32, #tpu.memory_space<hbm>>
        %dma_wait3A_325 = tpu.memref_squeeze %dma_wait3A_324 : memref<1x2x128xi32, #tpu.memory_space<hbm>> -> memref<2x128xi32, #tpu.memory_space<hbm>>
        tpu.wait_dma2 semaphore(%arg12 : memref<!tpu.dma_semaphore, #tpu.memory_space<semaphore_mem>>) src(%dma_wait3A_325 : memref<2x128xi32, #tpu.memory_space<hbm>>) dst(%dma_wait3A_316 : memref<2x128xi32, #tpu.memory_space<vmem>>)
        %dma_start3A_326 = arith.constant 3 : i32
        %dma_start3A_327 = arith.constant 0 : i32
        %dma_start3A_328 = arith.constant 384 : i32
        %dma_start3A_329 = arith.constant 0 : i32
        %dma_start3A_330 = tpu.memref_slice %arg6[%dma_start3A_328, %dma_start3A_329] : memref<512x64xf32, #tpu.memory_space<vmem>> -> memref<128x64xf32, #tpu.memory_space<vmem>>
        %dma_start3A_331 = arith.constant 0 : i32
        %dma_start3A_332 = tpu.memref_slice %arg5[%dma_start3A_326, %dma_start3A_327, %dma_start3A_331] : memref<4x2x128xi32, #tpu.memory_space<vmem>> -> memref<1x1x128xi32, #tpu.memory_space<vmem>>
        %dma_start3A_333 = tpu.memref_squeeze %dma_start3A_332 : memref<1x1x128xi32, #tpu.memory_space<vmem>> -> memref<128xi32, #tpu.memory_space<vmem>>
        %dma_start3A_334 = arith.constant 0 : i32
        %dma_start3A_335 = arith.constant 0 : i32
        %dma_start3A_336 = tpu.memref_slice %arg8[%dma_start3A_334, %dma_start3A_335] : memref<10240x64xf32, #tpu.memory_space<vmem_shared>> -> memref<10240x64xf32, #tpu.memory_space<vmem_shared>>
        tpu.enqueue_indirect_dma source(%dma_start3A_336 : memref<10240x64xf32, #tpu.memory_space<vmem_shared>>) target(%dma_start3A_330 : memref<128x64xf32, #tpu.memory_space<vmem>>) offsets(%dma_start3A_333 : memref<128xi32, #tpu.memory_space<vmem>>) semaphore(%arg16 : memref<!tpu.dma_semaphore, #tpu.memory_space<semaphore_mem>>)
      } else {
      }
      %run_scoped3A_261 = arith.constant 2 : i32
      %run_scoped3A_262 = arith.constant 1 : i32
      "tpu.region"() ({
        %run_scoped3A_299 = tpu.sem_alloc : memref<!tpu.dma_semaphore, #tpu.memory_space<semaphore_mem>>
        %dma_start3A_300 = arith.constant 256 : i32
        %dma_start3A_301 = arith.constant 0 : i32
        %dma_start3A_302 = tpu.memref_slice %arg6[%dma_start3A_300, %dma_start3A_301] : memref<512x64xf32, #tpu.memory_space<vmem>> -> memref<128x64xf32, #tpu.memory_space<vmem>>
        %dma_start3A_303 = arith.constant 0 : i32
        %dma_start3A_304 = tpu.memref_slice %arg5[%run_scoped3A_261, %run_scoped3A_262, %dma_start3A_303] : memref<4x2x128xi32, #tpu.memory_space<vmem>> -> memref<1x1x128xi32, #tpu.memory_space<vmem>>
        %dma_start3A_305 = tpu.memref_squeeze %dma_start3A_304 : memref<1x1x128xi32, #tpu.memory_space<vmem>> -> memref<128xi32, #tpu.memory_space<vmem>>
        %dma_start3A_306 = arith.constant 0 : i32
        %dma_start3A_307 = arith.constant 0 : i32
        %dma_start3A_308 = tpu.memref_slice %arg7[%dma_start3A_306, %dma_start3A_307] : memref<10240x64xf32, #tpu.memory_space<vmem_shared>> -> memref<10240x64xf32, #tpu.memory_space<vmem_shared>>
        tpu.enqueue_indirect_dma source(%dma_start3A_302 : memref<128x64xf32, #tpu.memory_space<vmem>>) target(%dma_start3A_308 : memref<10240x64xf32, #tpu.memory_space<vmem_shared>>) offsets(%dma_start3A_305 : memref<128xi32, #tpu.memory_space<vmem>>) semaphore(%run_scoped3A_299 : memref<!tpu.dma_semaphore, #tpu.memory_space<semaphore_mem>>) {add = true}
        %dma_wait3A_309 = arith.constant 256 : i32
        %dma_wait3A_310 = arith.constant 0 : i32
        %dma_wait3A_311 = tpu.memref_slice %arg6[%dma_wait3A_309, %dma_wait3A_310] : memref<512x64xf32, #tpu.memory_space<vmem>> -> memref<128x64xf32, #tpu.memory_space<vmem>>
        %dma_wait3A_312 = arith.constant 0 : i32
        %dma_wait3A_313 = tpu.memref_slice %arg5[%run_scoped3A_261, %run_scoped3A_262, %dma_wait3A_312] : memref<4x2x128xi32, #tpu.memory_space<vmem>> -> memref<1x1x128xi32, #tpu.memory_space<vmem>>
        %dma_wait3A_314 = tpu.memref_squeeze %dma_wait3A_313 : memref<1x1x128xi32, #tpu.memory_space<vmem>> -> memref<128xi32, #tpu.memory_space<vmem>>
        %dma_wait3A_315 = arith.constant 0 : i32
        %dma_wait3A_316 = arith.constant 0 : i32
        %dma_wait3A_317 = tpu.memref_slice %arg7[%dma_wait3A_315, %dma_wait3A_316] : memref<10240x64xf32, #tpu.memory_space<vmem_shared>> -> memref<10240x64xf32, #tpu.memory_space<vmem_shared>>
        tpu.wait_indirect_dma semaphore(%run_scoped3A_299 : memref<!tpu.dma_semaphore, #tpu.memory_space<semaphore_mem>>) src(%dma_wait3A_311 : memref<128x64xf32, #tpu.memory_space<vmem>>) dst(%dma_wait3A_317 : memref<10240x64xf32, #tpu.memory_space<vmem_shared>>)
        tpu.yield
      }) : () -> ()
      %add3A_263 = arith.constant 4 : i32
      %add3A_264 = arith.addi %add3A_242, %add3A_263 : i32
      %lt3A_265 = arith.constant 160 : i32
      %lt3A_266 = arith.cmpi slt, %add3A_264, %lt3A_265 : i32
      %convert_element_type3A_267 = arith.extui %lt3A_266 : i1 to i32
      %cond3A_268 = arith.constant 0 : i32
      %cond3A_269 = arith.cmpi ne, %convert_element_type3A_267, %cond3A_268 : i32
      scf.if %cond3A_269 {
        %add3A_299 = arith.constant 4 : i32
        %add3A_300 = arith.addi %add3A_242, %add3A_299 : i32
        %dma_start3A_301 = arith.constant 2 : i32
        %dma_start3A_302 = arith.constant 0 : i32
        %dma_start3A_303 = arith.constant 0 : i32
        %dma_start3A_304 = tpu.memref_slice %arg5[%dma_start3A_301, %dma_start3A_302, %dma_start3A_303] : memref<4x2x128xi32, #tpu.memory_space<vmem>> -> memref<1x2x128xi32, #tpu.memory_space<vmem>>
        %dma_start3A_305 = tpu.memref_squeeze %dma_start3A_304 : memref<1x2x128xi32, #tpu.memory_space<vmem>> -> memref<2x128xi32, #tpu.memory_space<vmem>>
        %dma_start3A_306 = arith.constant 0 : i32
        %dma_start3A_307 = arith.constant 0 : i32
        %dma_start3A_308 = arith.constant 0 : i32
        %dma_start3A_309 = tpu.memref_slice %arg3[%arg1, %dma_start3A_306, %dma_start3A_307, %dma_start3A_308] : memref<16x160x2x128xi32, #tpu.memory_space<hbm>> -> memref<1x160x2x128xi32, #tpu.memory_space<hbm>>
        %dma_start3A_310 = tpu.memref_squeeze %dma_start3A_309 : memref<1x160x2x128xi32, #tpu.memory_space<hbm>> -> memref<160x2x128xi32, #tpu.memory_space<hbm>>
        %dma_start3A_311 = arith.constant 0 : i32
        %dma_start3A_312 = arith.constant 0 : i32
        %dma_start3A_313 = tpu.memref_slice %dma_start3A_310[%add3A_300, %dma_start3A_311, %dma_start3A_312] : memref<160x2x128xi32, #tpu.memory_space<hbm>> -> memref<1x2x128xi32, #tpu.memory_space<hbm>>
        %dma_start3A_314 = tpu.memref_squeeze %dma_start3A_313 : memref<1x2x128xi32, #tpu.memory_space<hbm>> -> memref<2x128xi32, #tpu.memory_space<hbm>>
        %dma_start3A_315 = arith.constant 0 : i32
        %dma_start3A_316 = arith.constant 0 : i32
        %dma_start3A_317 = tpu.memref_slice %arg5[%dma_start3A_301, %dma_start3A_315, %dma_start3A_316] : memref<4x2x128xi32, #tpu.memory_space<vmem>> -> memref<1x2x128xi32, #tpu.memory_space<vmem>>
        %dma_start3A_318 = tpu.memref_squeeze %dma_start3A_317 : memref<1x2x128xi32, #tpu.memory_space<vmem>> -> memref<2x128xi32, #tpu.memory_space<vmem>>
        %dma_start3A_319 = arith.constant 0 : i32
        %dma_start3A_320 = arith.constant 0 : i32
        %dma_start3A_321 = arith.constant 0 : i32
        %dma_start3A_322 = tpu.memref_slice %arg3[%arg1, %dma_start3A_319, %dma_start3A_320, %dma_start3A_321] : memref<16x160x2x128xi32, #tpu.memory_space<hbm>> -> memref<1x160x2x128xi32, #tpu.memory_space<hbm>>
        %dma_start3A_323 = tpu.memref_squeeze %dma_start3A_322 : memref<1x160x2x128xi32, #tpu.memory_space<hbm>> -> memref<160x2x128xi32, #tpu.memory_space<hbm>>
        %dma_start3A_324 = arith.constant 0 : i32
        %dma_start3A_325 = arith.constant 0 : i32
        %dma_start3A_326 = tpu.memref_slice %dma_start3A_323[%add3A_300, %dma_start3A_324, %dma_start3A_325] : memref<160x2x128xi32, #tpu.memory_space<hbm>> -> memref<1x2x128xi32, #tpu.memory_space<hbm>>
        %dma_start3A_327 = tpu.memref_squeeze %dma_start3A_326 : memref<1x2x128xi32, #tpu.memory_space<hbm>> -> memref<2x128xi32, #tpu.memory_space<hbm>>
        tpu.enqueue_dma source(%dma_start3A_327 : memref<2x128xi32, #tpu.memory_space<hbm>>) target(%dma_start3A_318 : memref<2x128xi32, #tpu.memory_space<vmem>>) target_semaphore(%arg11 : memref<!tpu.dma_semaphore, #tpu.memory_space<semaphore_mem>>)
      } else {
      }
      %add3A_270 = arith.constant 3 : i32
      %add3A_271 = arith.addi %add3A_186, %add3A_270 : i32
      %dma_wait3A_272 = arith.constant 3 : i32
      %dma_wait3A_273 = arith.constant 0 : i32
      %dma_wait3A_274 = arith.constant 384 : i32
      %dma_wait3A_275 = arith.constant 0 : i32
      %dma_wait3A_276 = tpu.memref_slice %arg6[%dma_wait3A_274, %dma_wait3A_275] : memref<512x64xf32, #tpu.memory_space<vmem>> -> memref<128x64xf32, #tpu.memory_space<vmem>>
      %dma_wait3A_277 = arith.constant 0 : i32
      %dma_wait3A_278 = tpu.memref_slice %arg5[%dma_wait3A_272, %dma_wait3A_273, %dma_wait3A_277] : memref<4x2x128xi32, #tpu.memory_space<vmem>> -> memref<1x1x128xi32, #tpu.memory_space<vmem>>
      %dma_wait3A_279 = tpu.memref_squeeze %dma_wait3A_278 : memref<1x1x128xi32, #tpu.memory_space<vmem>> -> memref<128xi32, #tpu.memory_space<vmem>>
      %dma_wait3A_280 = arith.constant 0 : i32
      %dma_wait3A_281 = arith.constant 0 : i32
      %dma_wait3A_282 = tpu.memref_slice %arg8[%dma_wait3A_280, %dma_wait3A_281] : memref<10240x64xf32, #tpu.memory_space<vmem_shared>> -> memref<10240x64xf32, #tpu.memory_space<vmem_shared>>
      tpu.wait_indirect_dma semaphore(%arg16 : memref<!tpu.dma_semaphore, #tpu.memory_space<semaphore_mem>>) src(%dma_wait3A_282 : memref<10240x64xf32, #tpu.memory_space<vmem_shared>>) dst(%dma_wait3A_276 : memref<128x64xf32, #tpu.memory_space<vmem>>)
      %add3A_283 = arith.constant 1 : i32
      %add3A_284 = arith.addi %add3A_271, %add3A_283 : i32
      %lt3A_285 = arith.constant 160 : i32
      %lt3A_286 = arith.cmpi slt, %add3A_284, %lt3A_285 : i32
      %convert_element_type3A_287 = arith.extui %lt3A_286 : i1 to i32
      %cond3A_288 = arith.constant 0 : i32
      %cond3A_289 = arith.cmpi ne, %convert_element_type3A_287, %cond3A_288 : i32
      scf.if %cond3A_289 {
        %dma_wait3A_299 = arith.constant 0 : i32
        %dma_wait3A_300 = arith.constant 0 : i32
        %dma_wait3A_301 = arith.constant 0 : i32
        %dma_wait3A_302 = tpu.memref_slice %arg5[%dma_wait3A_299, %dma_wait3A_300, %dma_wait3A_301] : memref<4x2x128xi32, #tpu.memory_space<vmem>> -> memref<1x2x128xi32, #tpu.memory_space<vmem>>
        %dma_wait3A_303 = tpu.memref_squeeze %dma_wait3A_302 : memref<1x2x128xi32, #tpu.memory_space<vmem>> -> memref<2x128xi32, #tpu.memory_space<vmem>>
        %dma_wait3A_304 = arith.constant 0 : i32
        %dma_wait3A_305 = arith.constant 0 : i32
        %dma_wait3A_306 = arith.constant 0 : i32
        %dma_wait3A_307 = tpu.memref_slice %arg3[%arg1, %dma_wait3A_304, %dma_wait3A_305, %dma_wait3A_306] : memref<16x160x2x128xi32, #tpu.memory_space<hbm>> -> memref<1x160x2x128xi32, #tpu.memory_space<hbm>>
        %dma_wait3A_308 = tpu.memref_squeeze %dma_wait3A_307 : memref<1x160x2x128xi32, #tpu.memory_space<hbm>> -> memref<160x2x128xi32, #tpu.memory_space<hbm>>
        %dma_wait3A_309 = arith.constant 0 : i32
        %dma_wait3A_310 = arith.constant 0 : i32
        %dma_wait3A_311 = tpu.memref_slice %dma_wait3A_308[%add3A_284, %dma_wait3A_309, %dma_wait3A_310] : memref<160x2x128xi32, #tpu.memory_space<hbm>> -> memref<1x2x128xi32, #tpu.memory_space<hbm>>
        %dma_wait3A_312 = tpu.memref_squeeze %dma_wait3A_311 : memref<1x2x128xi32, #tpu.memory_space<hbm>> -> memref<2x128xi32, #tpu.memory_space<hbm>>
        %dma_wait3A_313 = arith.constant 0 : i32
        %dma_wait3A_314 = arith.constant 0 : i32
        %dma_wait3A_315 = tpu.memref_slice %arg5[%dma_wait3A_299, %dma_wait3A_313, %dma_wait3A_314] : memref<4x2x128xi32, #tpu.memory_space<vmem>> -> memref<1x2x128xi32, #tpu.memory_space<vmem>>
        %dma_wait3A_316 = tpu.memref_squeeze %dma_wait3A_315 : memref<1x2x128xi32, #tpu.memory_space<vmem>> -> memref<2x128xi32, #tpu.memory_space<vmem>>
        %dma_wait3A_317 = arith.constant 0 : i32
        %dma_wait3A_318 = arith.constant 0 : i32
        %dma_wait3A_319 = arith.constant 0 : i32
        %dma_wait3A_320 = tpu.memref_slice %arg3[%arg1, %dma_wait3A_317, %dma_wait3A_318, %dma_wait3A_319] : memref<16x160x2x128xi32, #tpu.memory_space<hbm>> -> memref<1x160x2x128xi32, #tpu.memory_space<hbm>>
        %dma_wait3A_321 = tpu.memref_squeeze %dma_wait3A_320 : memref<1x160x2x128xi32, #tpu.memory_space<hbm>> -> memref<160x2x128xi32, #tpu.memory_space<hbm>>
        %dma_wait3A_322 = arith.constant 0 : i32
        %dma_wait3A_323 = arith.constant 0 : i32
        %dma_wait3A_324 = tpu.memref_slice %dma_wait3A_321[%add3A_284, %dma_wait3A_322, %dma_wait3A_323] : memref<160x2x128xi32, #tpu.memory_space<hbm>> -> memref<1x2x128xi32, #tpu.memory_space<hbm>>
        %dma_wait3A_325 = tpu.memref_squeeze %dma_wait3A_324 : memref<1x2x128xi32, #tpu.memory_space<hbm>> -> memref<2x128xi32, #tpu.memory_space<hbm>>
        tpu.wait_dma2 semaphore(%arg9 : memref<!tpu.dma_semaphore, #tpu.memory_space<semaphore_mem>>) src(%dma_wait3A_325 : memref<2x128xi32, #tpu.memory_space<hbm>>) dst(%dma_wait3A_316 : memref<2x128xi32, #tpu.memory_space<vmem>>)
        %dma_start3A_326 = arith.constant 0 : i32
        %dma_start3A_327 = arith.constant 0 : i32
        %dma_start3A_328 = arith.constant 0 : i32
        %dma_start3A_329 = arith.constant 0 : i32
        %dma_start3A_330 = tpu.memref_slice %arg6[%dma_start3A_328, %dma_start3A_329] : memref<512x64xf32, #tpu.memory_space<vmem>> -> memref<128x64xf32, #tpu.memory_space<vmem>>
        %dma_start3A_331 = arith.constant 0 : i32
        %dma_start3A_332 = tpu.memref_slice %arg5[%dma_start3A_326, %dma_start3A_327, %dma_start3A_331] : memref<4x2x128xi32, #tpu.memory_space<vmem>> -> memref<1x1x128xi32, #tpu.memory_space<vmem>>
        %dma_start3A_333 = tpu.memref_squeeze %dma_start3A_332 : memref<1x1x128xi32, #tpu.memory_space<vmem>> -> memref<128xi32, #tpu.memory_space<vmem>>
        %dma_start3A_334 = arith.constant 0 : i32
        %dma_start3A_335 = arith.constant 0 : i32
        %dma_start3A_336 = tpu.memref_slice %arg8[%dma_start3A_334, %dma_start3A_335] : memref<10240x64xf32, #tpu.memory_space<vmem_shared>> -> memref<10240x64xf32, #tpu.memory_space<vmem_shared>>
        tpu.enqueue_indirect_dma source(%dma_start3A_336 : memref<10240x64xf32, #tpu.memory_space<vmem_shared>>) target(%dma_start3A_330 : memref<128x64xf32, #tpu.memory_space<vmem>>) offsets(%dma_start3A_333 : memref<128xi32, #tpu.memory_space<vmem>>) semaphore(%arg13 : memref<!tpu.dma_semaphore, #tpu.memory_space<semaphore_mem>>)
      } else {
      }
      %run_scoped3A_290 = arith.constant 3 : i32
      %run_scoped3A_291 = arith.constant 1 : i32
      "tpu.region"() ({
        %run_scoped3A_299 = tpu.sem_alloc : memref<!tpu.dma_semaphore, #tpu.memory_space<semaphore_mem>>
        %dma_start3A_300 = arith.constant 384 : i32
        %dma_start3A_301 = arith.constant 0 : i32
        %dma_start3A_302 = tpu.memref_slice %arg6[%dma_start3A_300, %dma_start3A_301] : memref<512x64xf32, #tpu.memory_space<vmem>> -> memref<128x64xf32, #tpu.memory_space<vmem>>
        %dma_start3A_303 = arith.constant 0 : i32
        %dma_start3A_304 = tpu.memref_slice %arg5[%run_scoped3A_290, %run_scoped3A_291, %dma_start3A_303] : memref<4x2x128xi32, #tpu.memory_space<vmem>> -> memref<1x1x128xi32, #tpu.memory_space<vmem>>
        %dma_start3A_305 = tpu.memref_squeeze %dma_start3A_304 : memref<1x1x128xi32, #tpu.memory_space<vmem>> -> memref<128xi32, #tpu.memory_space<vmem>>
        %dma_start3A_306 = arith.constant 0 : i32
        %dma_start3A_307 = arith.constant 0 : i32
        %dma_start3A_308 = tpu.memref_slice %arg7[%dma_start3A_306, %dma_start3A_307] : memref<10240x64xf32, #tpu.memory_space<vmem_shared>> -> memref<10240x64xf32, #tpu.memory_space<vmem_shared>>
        tpu.enqueue_indirect_dma source(%dma_start3A_302 : memref<128x64xf32, #tpu.memory_space<vmem>>) target(%dma_start3A_308 : memref<10240x64xf32, #tpu.memory_space<vmem_shared>>) offsets(%dma_start3A_305 : memref<128xi32, #tpu.memory_space<vmem>>) semaphore(%run_scoped3A_299 : memref<!tpu.dma_semaphore, #tpu.memory_space<semaphore_mem>>) {add = true}
        %dma_wait3A_309 = arith.constant 384 : i32
        %dma_wait3A_310 = arith.constant 0 : i32
        %dma_wait3A_311 = tpu.memref_slice %arg6[%dma_wait3A_309, %dma_wait3A_310] : memref<512x64xf32, #tpu.memory_space<vmem>> -> memref<128x64xf32, #tpu.memory_space<vmem>>
        %dma_wait3A_312 = arith.constant 0 : i32
        %dma_wait3A_313 = tpu.memref_slice %arg5[%run_scoped3A_290, %run_scoped3A_291, %dma_wait3A_312] : memref<4x2x128xi32, #tpu.memory_space<vmem>> -> memref<1x1x128xi32, #tpu.memory_space<vmem>>
        %dma_wait3A_314 = tpu.memref_squeeze %dma_wait3A_313 : memref<1x1x128xi32, #tpu.memory_space<vmem>> -> memref<128xi32, #tpu.memory_space<vmem>>
        %dma_wait3A_315 = arith.constant 0 : i32
        %dma_wait3A_316 = arith.constant 0 : i32
        %dma_wait3A_317 = tpu.memref_slice %arg7[%dma_wait3A_315, %dma_wait3A_316] : memref<10240x64xf32, #tpu.memory_space<vmem_shared>> -> memref<10240x64xf32, #tpu.memory_space<vmem_shared>>
        tpu.wait_indirect_dma semaphore(%run_scoped3A_299 : memref<!tpu.dma_semaphore, #tpu.memory_space<semaphore_mem>>) src(%dma_wait3A_311 : memref<128x64xf32, #tpu.memory_space<vmem>>) dst(%dma_wait3A_317 : memref<10240x64xf32, #tpu.memory_space<vmem_shared>>)
        tpu.yield
      }) : () -> ()
      %add3A_292 = arith.constant 4 : i32
      %add3A_293 = arith.addi %add3A_271, %add3A_292 : i32
      %lt3A_294 = arith.constant 160 : i32
      %lt3A_295 = arith.cmpi slt, %add3A_293, %lt3A_294 : i32
      %convert_element_type3A_296 = arith.extui %lt3A_295 : i1 to i32
      %cond3A_297 = arith.constant 0 : i32
      %cond3A_298 = arith.cmpi ne, %convert_element_type3A_296, %cond3A_297 : i32
      scf.if %cond3A_298 {
        %add3A_299 = arith.constant 4 : i32
        %add3A_300 = arith.addi %add3A_271, %add3A_299 : i32
        %dma_start3A_301 = arith.constant 3 : i32
        %dma_start3A_302 = arith.constant 0 : i32
        %dma_start3A_303 = arith.constant 0 : i32
        %dma_start3A_304 = tpu.memref_slice %arg5[%dma_start3A_301, %dma_start3A_302, %dma_start3A_303] : memref<4x2x128xi32, #tpu.memory_space<vmem>> -> memref<1x2x128xi32, #tpu.memory_space<vmem>>
        %dma_start3A_305 = tpu.memref_squeeze %dma_start3A_304 : memref<1x2x128xi32, #tpu.memory_space<vmem>> -> memref<2x128xi32, #tpu.memory_space<vmem>>
        %dma_start3A_306 = arith.constant 0 : i32
        %dma_start3A_307 = arith.constant 0 : i32
        %dma_start3A_308 = arith.constant 0 : i32
        %dma_start3A_309 = tpu.memref_slice %arg3[%arg1, %dma_start3A_306, %dma_start3A_307, %dma_start3A_308] : memref<16x160x2x128xi32, #tpu.memory_space<hbm>> -> memref<1x160x2x128xi32, #tpu.memory_space<hbm>>
        %dma_start3A_310 = tpu.memref_squeeze %dma_start3A_309 : memref<1x160x2x128xi32, #tpu.memory_space<hbm>> -> memref<160x2x128xi32, #tpu.memory_space<hbm>>
        %dma_start3A_311 = arith.constant 0 : i32
        %dma_start3A_312 = arith.constant 0 : i32
        %dma_start3A_313 = tpu.memref_slice %dma_start3A_310[%add3A_300, %dma_start3A_311, %dma_start3A_312] : memref<160x2x128xi32, #tpu.memory_space<hbm>> -> memref<1x2x128xi32, #tpu.memory_space<hbm>>
        %dma_start3A_314 = tpu.memref_squeeze %dma_start3A_313 : memref<1x2x128xi32, #tpu.memory_space<hbm>> -> memref<2x128xi32, #tpu.memory_space<hbm>>
        %dma_start3A_315 = arith.constant 0 : i32
        %dma_start3A_316 = arith.constant 0 : i32
        %dma_start3A_317 = tpu.memref_slice %arg5[%dma_start3A_301, %dma_start3A_315, %dma_start3A_316] : memref<4x2x128xi32, #tpu.memory_space<vmem>> -> memref<1x2x128xi32, #tpu.memory_space<vmem>>
        %dma_start3A_318 = tpu.memref_squeeze %dma_start3A_317 : memref<1x2x128xi32, #tpu.memory_space<vmem>> -> memref<2x128xi32, #tpu.memory_space<vmem>>
        %dma_start3A_319 = arith.constant 0 : i32
        %dma_start3A_320 = arith.constant 0 : i32
        %dma_start3A_321 = arith.constant 0 : i32
        %dma_start3A_322 = tpu.memref_slice %arg3[%arg1, %dma_start3A_319, %dma_start3A_320, %dma_start3A_321] : memref<16x160x2x128xi32, #tpu.memory_space<hbm>> -> memref<1x160x2x128xi32, #tpu.memory_space<hbm>>
        %dma_start3A_323 = tpu.memref_squeeze %dma_start3A_322 : memref<1x160x2x128xi32, #tpu.memory_space<hbm>> -> memref<160x2x128xi32, #tpu.memory_space<hbm>>
        %dma_start3A_324 = arith.constant 0 : i32
        %dma_start3A_325 = arith.constant 0 : i32
        %dma_start3A_326 = tpu.memref_slice %dma_start3A_323[%add3A_300, %dma_start3A_324, %dma_start3A_325] : memref<160x2x128xi32, #tpu.memory_space<hbm>> -> memref<1x2x128xi32, #tpu.memory_space<hbm>>
        %dma_start3A_327 = tpu.memref_squeeze %dma_start3A_326 : memref<1x2x128xi32, #tpu.memory_space<hbm>> -> memref<2x128xi32, #tpu.memory_space<hbm>>
        tpu.enqueue_dma source(%dma_start3A_327 : memref<2x128xi32, #tpu.memory_space<hbm>>) target(%dma_start3A_318 : memref<2x128xi32, #tpu.memory_space<vmem>>) target_semaphore(%arg12 : memref<!tpu.dma_semaphore, #tpu.memory_space<semaphore_mem>>)
      } else {
      }
    }
    %scan3A_162 = arith.constant 40 : i32
    %barrier3A_163 = arith.constant 0 : index
    tpu.barrier barrier_id(%barrier3A_163)
    %mul3A = arith.constant 640 : i32
    %mul3A_164 = arith.muli %arg1, %mul3A : i32
    %add3A = arith.constant 0 : i32
    %add3A_165 = arith.addi %mul3A_164, %add3A : i32
    "tpu.region"() ({
      %run_scoped3A = tpu.sem_alloc : memref<!tpu.dma_semaphore, #tpu.memory_space<semaphore_mem>>
      %dma_start3A_182 = arith.constant 0 : i32
      %dma_start3A_183 = arith.constant 0 : i32
      %dma_start3A_184 = tpu.memref_slice %arg6[%dma_start3A_182, %dma_start3A_183] : memref<512x64xf32, #tpu.memory_space<vmem>> -> memref<128x64xf32, #tpu.memory_space<vmem>>
      %dma_start3A_185 = arith.constant 0 : i32
      %dma_start3A_186 = tpu.memref_slice %arg7[%add3A_165, %dma_start3A_185] : memref<10240x64xf32, #tpu.memory_space<vmem_shared>> -> memref<128x64xf32, #tpu.memory_space<vmem_shared>>
      %dma_start3A_187 = arith.constant 0 : i32
      %dma_start3A_188 = arith.constant 0 : i32
      %dma_start3A_189 = tpu.memref_slice %arg6[%dma_start3A_187, %dma_start3A_188] : memref<512x64xf32, #tpu.memory_space<vmem>> -> memref<128x64xf32, #tpu.memory_space<vmem>>
      %dma_start3A_190 = arith.constant 0 : i32
      %dma_start3A_191 = tpu.memref_slice %arg7[%add3A_165, %dma_start3A_190] : memref<10240x64xf32, #tpu.memory_space<vmem_shared>> -> memref<128x64xf32, #tpu.memory_space<vmem_shared>>
      tpu.enqueue_dma source(%dma_start3A_191 : memref<128x64xf32, #tpu.memory_space<vmem_shared>>) target(%dma_start3A_189 : memref<128x64xf32, #tpu.memory_space<vmem>>) target_semaphore(%run_scoped3A : memref<!tpu.dma_semaphore, #tpu.memory_space<semaphore_mem>>)
      %dma_wait3A_192 = arith.constant 0 : i32
      %dma_wait3A_193 = arith.constant 0 : i32
      %dma_wait3A_194 = tpu.memref_slice %arg6[%dma_wait3A_192, %dma_wait3A_193] : memref<512x64xf32, #tpu.memory_space<vmem>> -> memref<128x64xf32, #tpu.memory_space<vmem>>
      %dma_wait3A_195 = arith.constant 0 : i32
      %dma_wait3A_196 = tpu.memref_slice %arg7[%add3A_165, %dma_wait3A_195] : memref<10240x64xf32, #tpu.memory_space<vmem_shared>> -> memref<128x64xf32, #tpu.memory_space<vmem_shared>>
      %dma_wait3A_197 = arith.constant 0 : i32
      %dma_wait3A_198 = arith.constant 0 : i32
      %dma_wait3A_199 = tpu.memref_slice %arg6[%dma_wait3A_197, %dma_wait3A_198] : memref<512x64xf32, #tpu.memory_space<vmem>> -> memref<128x64xf32, #tpu.memory_space<vmem>>
      %dma_wait3A_200 = arith.constant 0 : i32
      %dma_wait3A_201 = tpu.memref_slice %arg7[%add3A_165, %dma_wait3A_200] : memref<10240x64xf32, #tpu.memory_space<vmem_shared>> -> memref<128x64xf32, #tpu.memory_space<vmem_shared>>
      tpu.wait_dma2 semaphore(%run_scoped3A : memref<!tpu.dma_semaphore, #tpu.memory_space<semaphore_mem>>) src(%dma_wait3A_201 : memref<128x64xf32, #tpu.memory_space<vmem_shared>>) dst(%dma_wait3A_199 : memref<128x64xf32, #tpu.memory_space<vmem>>)
      tpu.yield
    }) : () -> ()
    "tpu.region"() ({
      %run_scoped3A = tpu.sem_alloc : memref<!tpu.dma_semaphore, #tpu.memory_space<semaphore_mem>>
      %dma_start3A_182 = arith.constant 0 : i32
      %dma_start3A_183 = arith.constant 0 : i32
      %dma_start3A_184 = tpu.memref_slice %arg6[%dma_start3A_182, %dma_start3A_183] : memref<512x64xf32, #tpu.memory_space<vmem>> -> memref<128x64xf32, #tpu.memory_space<vmem>>
      %dma_start3A_185 = arith.constant 0 : i32
      %dma_start3A_186 = arith.constant 0 : i32
      %dma_start3A_187 = tpu.memref_slice %arg4[%arg0, %dma_start3A_185, %dma_start3A_186] : memref<2x10240x64xf32, #tpu.memory_space<hbm>> -> memref<1x10240x64xf32, #tpu.memory_space<hbm>>
      %dma_start3A_188 = tpu.memref_squeeze %dma_start3A_187 : memref<1x10240x64xf32, #tpu.memory_space<hbm>> -> memref<10240x64xf32, #tpu.memory_space<hbm>>
      %dma_start3A_189 = arith.constant 0 : i32
      %dma_start3A_190 = tpu.memref_slice %dma_start3A_188[%add3A_165, %dma_start3A_189] : memref<10240x64xf32, #tpu.memory_space<hbm>> -> memref<128x64xf32, #tpu.memory_space<hbm>>
      %dma_start3A_191 = arith.constant 0 : i32
      %dma_start3A_192 = arith.constant 0 : i32
      %dma_start3A_193 = tpu.memref_slice %arg4[%arg0, %dma_start3A_191, %dma_start3A_192] : memref<2x10240x64xf32, #tpu.memory_space<hbm>> -> memref<1x10240x64xf32, #tpu.memory_space<hbm>>
      %dma_start3A_194 = tpu.memref_squeeze %dma_start3A_193 : memref<1x10240x64xf32, #tpu.memory_space<hbm>> -> memref<10240x64xf32, #tpu.memory_space<hbm>>
      %dma_start3A_195 = arith.constant 0 : i32
      %dma_start3A_196 = tpu.memref_slice %dma_start3A_194[%add3A_165, %dma_start3A_195] : memref<10240x64xf32, #tpu.memory_space<hbm>> -> memref<128x64xf32, #tpu.memory_space<hbm>>
      %dma_start3A_197 = arith.constant 0 : i32
      %dma_start3A_198 = arith.constant 0 : i32
      %dma_start3A_199 = tpu.memref_slice %arg6[%dma_start3A_197, %dma_start3A_198] : memref<512x64xf32, #tpu.memory_space<vmem>> -> memref<128x64xf32, #tpu.memory_space<vmem>>
      tpu.enqueue_dma source(%dma_start3A_199 : memref<128x64xf32, #tpu.memory_space<vmem>>) target(%dma_start3A_196 : memref<128x64xf32, #tpu.memory_space<hbm>>) target_semaphore(%run_scoped3A : memref<!tpu.dma_semaphore, #tpu.memory_space<semaphore_mem>>)
      %dma_wait3A_200 = arith.constant 0 : i32
      %dma_wait3A_201 = arith.constant 0 : i32
      %dma_wait3A_202 = tpu.memref_slice %arg6[%dma_wait3A_200, %dma_wait3A_201] : memref<512x64xf32, #tpu.memory_space<vmem>> -> memref<128x64xf32, #tpu.memory_space<vmem>>
      %dma_wait3A_203 = arith.constant 0 : i32
      %dma_wait3A_204 = arith.constant 0 : i32
      %dma_wait3A_205 = tpu.memref_slice %arg4[%arg0, %dma_wait3A_203, %dma_wait3A_204] : memref<2x10240x64xf32, #tpu.memory_space<hbm>> -> memref<1x10240x64xf32, #tpu.memory_space<hbm>>
      %dma_wait3A_206 = tpu.memref_squeeze %dma_wait3A_205 : memref<1x10240x64xf32, #tpu.memory_space<hbm>> -> memref<10240x64xf32, #tpu.memory_space<hbm>>
      %dma_wait3A_207 = arith.constant 0 : i32
      %dma_wait3A_208 = tpu.memref_slice %dma_wait3A_206[%add3A_165, %dma_wait3A_207] : memref<10240x64xf32, #tpu.memory_space<hbm>> -> memref<128x64xf32, #tpu.memory_space<hbm>>
      %dma_wait3A_209 = arith.constant 0 : i32
      %dma_wait3A_210 = arith.constant 0 : i32
      %dma_wait3A_211 = tpu.memref_slice %arg4[%arg0, %dma_wait3A_209, %dma_wait3A_210] : memref<2x10240x64xf32, #tpu.memory_space<hbm>> -> memref<1x10240x64xf32, #tpu.memory_space<hbm>>
      %dma_wait3A_212 = tpu.memref_squeeze %dma_wait3A_211 : memref<1x10240x64xf32, #tpu.memory_space<hbm>> -> memref<10240x64xf32, #tpu.memory_space<hbm>>
      %dma_wait3A_213 = arith.constant 0 : i32
      %dma_wait3A_214 = tpu.memref_slice %dma_wait3A_212[%add3A_165, %dma_wait3A_213] : memref<10240x64xf32, #tpu.memory_space<hbm>> -> memref<128x64xf32, #tpu.memory_space<hbm>>
      %dma_wait3A_215 = arith.constant 0 : i32
      %dma_wait3A_216 = arith.constant 0 : i32
      %dma_wait3A_217 = tpu.memref_slice %arg6[%dma_wait3A_215, %dma_wait3A_216] : memref<512x64xf32, #tpu.memory_space<vmem>> -> memref<128x64xf32, #tpu.memory_space<vmem>>
      tpu.wait_dma2 semaphore(%run_scoped3A : memref<!tpu.dma_semaphore, #tpu.memory_space<semaphore_mem>>) src(%dma_wait3A_217 : memref<128x64xf32, #tpu.memory_space<vmem>>) dst(%dma_wait3A_214 : memref<128x64xf32, #tpu.memory_space<hbm>>)
      tpu.yield
    }) : () -> ()
    %mul3A_166 = arith.constant 640 : i32
    %mul3A_167 = arith.muli %arg1, %mul3A_166 : i32
    %add3A_168 = arith.constant 128 : i32
    %add3A_169 = arith.addi %mul3A_167, %add3A_168 : i32
    "tpu.region"() ({
      %run_scoped3A = tpu.sem_alloc : memref<!tpu.dma_semaphore, #tpu.memory_space<semaphore_mem>>
      %dma_start3A_182 = arith.constant 0 : i32
      %dma_start3A_183 = arith.constant 0 : i32
      %dma_start3A_184 = tpu.memref_slice %arg6[%dma_start3A_182, %dma_start3A_183] : memref<512x64xf32, #tpu.memory_space<vmem>> -> memref<128x64xf32, #tpu.memory_space<vmem>>
      %dma_start3A_185 = arith.constant 0 : i32
      %dma_start3A_186 = tpu.memref_slice %arg7[%add3A_169, %dma_start3A_185] : memref<10240x64xf32, #tpu.memory_space<vmem_shared>> -> memref<128x64xf32, #tpu.memory_space<vmem_shared>>
      %dma_start3A_187 = arith.constant 0 : i32
      %dma_start3A_188 = arith.constant 0 : i32
      %dma_start3A_189 = tpu.memref_slice %arg6[%dma_start3A_187, %dma_start3A_188] : memref<512x64xf32, #tpu.memory_space<vmem>> -> memref<128x64xf32, #tpu.memory_space<vmem>>
      %dma_start3A_190 = arith.constant 0 : i32
      %dma_start3A_191 = tpu.memref_slice %arg7[%add3A_169, %dma_start3A_190] : memref<10240x64xf32, #tpu.memory_space<vmem_shared>> -> memref<128x64xf32, #tpu.memory_space<vmem_shared>>
      tpu.enqueue_dma source(%dma_start3A_191 : memref<128x64xf32, #tpu.memory_space<vmem_shared>>) target(%dma_start3A_189 : memref<128x64xf32, #tpu.memory_space<vmem>>) target_semaphore(%run_scoped3A : memref<!tpu.dma_semaphore, #tpu.memory_space<semaphore_mem>>)
      %dma_wait3A_192 = arith.constant 0 : i32
      %dma_wait3A_193 = arith.constant 0 : i32
      %dma_wait3A_194 = tpu.memref_slice %arg6[%dma_wait3A_192, %dma_wait3A_193] : memref<512x64xf32, #tpu.memory_space<vmem>> -> memref<128x64xf32, #tpu.memory_space<vmem>>
      %dma_wait3A_195 = arith.constant 0 : i32
      %dma_wait3A_196 = tpu.memref_slice %arg7[%add3A_169, %dma_wait3A_195] : memref<10240x64xf32, #tpu.memory_space<vmem_shared>> -> memref<128x64xf32, #tpu.memory_space<vmem_shared>>
      %dma_wait3A_197 = arith.constant 0 : i32
      %dma_wait3A_198 = arith.constant 0 : i32
      %dma_wait3A_199 = tpu.memref_slice %arg6[%dma_wait3A_197, %dma_wait3A_198] : memref<512x64xf32, #tpu.memory_space<vmem>> -> memref<128x64xf32, #tpu.memory_space<vmem>>
      %dma_wait3A_200 = arith.constant 0 : i32
      %dma_wait3A_201 = tpu.memref_slice %arg7[%add3A_169, %dma_wait3A_200] : memref<10240x64xf32, #tpu.memory_space<vmem_shared>> -> memref<128x64xf32, #tpu.memory_space<vmem_shared>>
      tpu.wait_dma2 semaphore(%run_scoped3A : memref<!tpu.dma_semaphore, #tpu.memory_space<semaphore_mem>>) src(%dma_wait3A_201 : memref<128x64xf32, #tpu.memory_space<vmem_shared>>) dst(%dma_wait3A_199 : memref<128x64xf32, #tpu.memory_space<vmem>>)
      tpu.yield
    }) : () -> ()
    "tpu.region"() ({
      %run_scoped3A = tpu.sem_alloc : memref<!tpu.dma_semaphore, #tpu.memory_space<semaphore_mem>>
      %dma_start3A_182 = arith.constant 0 : i32
      %dma_start3A_183 = arith.constant 0 : i32
      %dma_start3A_184 = tpu.memref_slice %arg6[%dma_start3A_182, %dma_start3A_183] : memref<512x64xf32, #tpu.memory_space<vmem>> -> memref<128x64xf32, #tpu.memory_space<vmem>>
      %dma_start3A_185 = arith.constant 0 : i32
      %dma_start3A_186 = arith.constant 0 : i32
      %dma_start3A_187 = tpu.memref_slice %arg4[%arg0, %dma_start3A_185, %dma_start3A_186] : memref<2x10240x64xf32, #tpu.memory_space<hbm>> -> memref<1x10240x64xf32, #tpu.memory_space<hbm>>
      %dma_start3A_188 = tpu.memref_squeeze %dma_start3A_187 : memref<1x10240x64xf32, #tpu.memory_space<hbm>> -> memref<10240x64xf32, #tpu.memory_space<hbm>>
      %dma_start3A_189 = arith.constant 0 : i32
      %dma_start3A_190 = tpu.memref_slice %dma_start3A_188[%add3A_169, %dma_start3A_189] : memref<10240x64xf32, #tpu.memory_space<hbm>> -> memref<128x64xf32, #tpu.memory_space<hbm>>
      %dma_start3A_191 = arith.constant 0 : i32
      %dma_start3A_192 = arith.constant 0 : i32
      %dma_start3A_193 = tpu.memref_slice %arg4[%arg0, %dma_start3A_191, %dma_start3A_192] : memref<2x10240x64xf32, #tpu.memory_space<hbm>> -> memref<1x10240x64xf32, #tpu.memory_space<hbm>>
      %dma_start3A_194 = tpu.memref_squeeze %dma_start3A_193 : memref<1x10240x64xf32, #tpu.memory_space<hbm>> -> memref<10240x64xf32, #tpu.memory_space<hbm>>
      %dma_start3A_195 = arith.constant 0 : i32
      %dma_start3A_196 = tpu.memref_slice %dma_start3A_194[%add3A_169, %dma_start3A_195] : memref<10240x64xf32, #tpu.memory_space<hbm>> -> memref<128x64xf32, #tpu.memory_space<hbm>>
      %dma_start3A_197 = arith.constant 0 : i32
      %dma_start3A_198 = arith.constant 0 : i32
      %dma_start3A_199 = tpu.memref_slice %arg6[%dma_start3A_197, %dma_start3A_198] : memref<512x64xf32, #tpu.memory_space<vmem>> -> memref<128x64xf32, #tpu.memory_space<vmem>>
      tpu.enqueue_dma source(%dma_start3A_199 : memref<128x64xf32, #tpu.memory_space<vmem>>) target(%dma_start3A_196 : memref<128x64xf32, #tpu.memory_space<hbm>>) target_semaphore(%run_scoped3A : memref<!tpu.dma_semaphore, #tpu.memory_space<semaphore_mem>>)
      %dma_wait3A_200 = arith.constant 0 : i32
      %dma_wait3A_201 = arith.constant 0 : i32
      %dma_wait3A_202 = tpu.memref_slice %arg6[%dma_wait3A_200, %dma_wait3A_201] : memref<512x64xf32, #tpu.memory_space<vmem>> -> memref<128x64xf32, #tpu.memory_space<vmem>>
      %dma_wait3A_203 = arith.constant 0 : i32
      %dma_wait3A_204 = arith.constant 0 : i32
      %dma_wait3A_205 = tpu.memref_slice %arg4[%arg0, %dma_wait3A_203, %dma_wait3A_204] : memref<2x10240x64xf32, #tpu.memory_space<hbm>> -> memref<1x10240x64xf32, #tpu.memory_space<hbm>>
      %dma_wait3A_206 = tpu.memref_squeeze %dma_wait3A_205 : memref<1x10240x64xf32, #tpu.memory_space<hbm>> -> memref<10240x64xf32, #tpu.memory_space<hbm>>
      %dma_wait3A_207 = arith.constant 0 : i32
      %dma_wait3A_208 = tpu.memref_slice %dma_wait3A_206[%add3A_169, %dma_wait3A_207] : memref<10240x64xf32, #tpu.memory_space<hbm>> -> memref<128x64xf32, #tpu.memory_space<hbm>>
      %dma_wait3A_209 = arith.constant 0 : i32
      %dma_wait3A_210 = arith.constant 0 : i32
      %dma_wait3A_211 = tpu.memref_slice %arg4[%arg0, %dma_wait3A_209, %dma_wait3A_210] : memref<2x10240x64xf32, #tpu.memory_space<hbm>> -> memref<1x10240x64xf32, #tpu.memory_space<hbm>>
      %dma_wait3A_212 = tpu.memref_squeeze %dma_wait3A_211 : memref<1x10240x64xf32, #tpu.memory_space<hbm>> -> memref<10240x64xf32, #tpu.memory_space<hbm>>
      %dma_wait3A_213 = arith.constant 0 : i32
      %dma_wait3A_214 = tpu.memref_slice %dma_wait3A_212[%add3A_169, %dma_wait3A_213] : memref<10240x64xf32, #tpu.memory_space<hbm>> -> memref<128x64xf32, #tpu.memory_space<hbm>>
      %dma_wait3A_215 = arith.constant 0 : i32
      %dma_wait3A_216 = arith.constant 0 : i32
      %dma_wait3A_217 = tpu.memref_slice %arg6[%dma_wait3A_215, %dma_wait3A_216] : memref<512x64xf32, #tpu.memory_space<vmem>> -> memref<128x64xf32, #tpu.memory_space<vmem>>
      tpu.wait_dma2 semaphore(%run_scoped3A : memref<!tpu.dma_semaphore, #tpu.memory_space<semaphore_mem>>) src(%dma_wait3A_217 : memref<128x64xf32, #tpu.memory_space<vmem>>) dst(%dma_wait3A_214 : memref<128x64xf32, #tpu.memory_space<hbm>>)
      tpu.yield
    }) : () -> ()
    %mul3A_170 = arith.constant 640 : i32
    %mul3A_171 = arith.muli %arg1, %mul3A_170 : i32
    %add3A_172 = arith.constant 256 : i32
    %add3A_173 = arith.addi %mul3A_171, %add3A_172 : i32
    "tpu.region"() ({
      %run_scoped3A = tpu.sem_alloc : memref<!tpu.dma_semaphore, #tpu.memory_space<semaphore_mem>>
      %dma_start3A_182 = arith.constant 0 : i32
      %dma_start3A_183 = arith.constant 0 : i32
      %dma_start3A_184 = tpu.memref_slice %arg6[%dma_start3A_182, %dma_start3A_183] : memref<512x64xf32, #tpu.memory_space<vmem>> -> memref<128x64xf32, #tpu.memory_space<vmem>>
      %dma_start3A_185 = arith.constant 0 : i32
      %dma_start3A_186 = tpu.memref_slice %arg7[%add3A_173, %dma_start3A_185] : memref<10240x64xf32, #tpu.memory_space<vmem_shared>> -> memref<128x64xf32, #tpu.memory_space<vmem_shared>>
      %dma_start3A_187 = arith.constant 0 : i32
      %dma_start3A_188 = arith.constant 0 : i32
      %dma_start3A_189 = tpu.memref_slice %arg6[%dma_start3A_187, %dma_start3A_188] : memref<512x64xf32, #tpu.memory_space<vmem>> -> memref<128x64xf32, #tpu.memory_space<vmem>>
      %dma_start3A_190 = arith.constant 0 : i32
      %dma_start3A_191 = tpu.memref_slice %arg7[%add3A_173, %dma_start3A_190] : memref<10240x64xf32, #tpu.memory_space<vmem_shared>> -> memref<128x64xf32, #tpu.memory_space<vmem_shared>>
      tpu.enqueue_dma source(%dma_start3A_191 : memref<128x64xf32, #tpu.memory_space<vmem_shared>>) target(%dma_start3A_189 : memref<128x64xf32, #tpu.memory_space<vmem>>) target_semaphore(%run_scoped3A : memref<!tpu.dma_semaphore, #tpu.memory_space<semaphore_mem>>)
      %dma_wait3A_192 = arith.constant 0 : i32
      %dma_wait3A_193 = arith.constant 0 : i32
      %dma_wait3A_194 = tpu.memref_slice %arg6[%dma_wait3A_192, %dma_wait3A_193] : memref<512x64xf32, #tpu.memory_space<vmem>> -> memref<128x64xf32, #tpu.memory_space<vmem>>
      %dma_wait3A_195 = arith.constant 0 : i32
      %dma_wait3A_196 = tpu.memref_slice %arg7[%add3A_173, %dma_wait3A_195] : memref<10240x64xf32, #tpu.memory_space<vmem_shared>> -> memref<128x64xf32, #tpu.memory_space<vmem_shared>>
      %dma_wait3A_197 = arith.constant 0 : i32
      %dma_wait3A_198 = arith.constant 0 : i32
      %dma_wait3A_199 = tpu.memref_slice %arg6[%dma_wait3A_197, %dma_wait3A_198] : memref<512x64xf32, #tpu.memory_space<vmem>> -> memref<128x64xf32, #tpu.memory_space<vmem>>
      %dma_wait3A_200 = arith.constant 0 : i32
      %dma_wait3A_201 = tpu.memref_slice %arg7[%add3A_173, %dma_wait3A_200] : memref<10240x64xf32, #tpu.memory_space<vmem_shared>> -> memref<128x64xf32, #tpu.memory_space<vmem_shared>>
      tpu.wait_dma2 semaphore(%run_scoped3A : memref<!tpu.dma_semaphore, #tpu.memory_space<semaphore_mem>>) src(%dma_wait3A_201 : memref<128x64xf32, #tpu.memory_space<vmem_shared>>) dst(%dma_wait3A_199 : memref<128x64xf32, #tpu.memory_space<vmem>>)
      tpu.yield
    }) : () -> ()
    "tpu.region"() ({
      %run_scoped3A = tpu.sem_alloc : memref<!tpu.dma_semaphore, #tpu.memory_space<semaphore_mem>>
      %dma_start3A_182 = arith.constant 0 : i32
      %dma_start3A_183 = arith.constant 0 : i32
      %dma_start3A_184 = tpu.memref_slice %arg6[%dma_start3A_182, %dma_start3A_183] : memref<512x64xf32, #tpu.memory_space<vmem>> -> memref<128x64xf32, #tpu.memory_space<vmem>>
      %dma_start3A_185 = arith.constant 0 : i32
      %dma_start3A_186 = arith.constant 0 : i32
      %dma_start3A_187 = tpu.memref_slice %arg4[%arg0, %dma_start3A_185, %dma_start3A_186] : memref<2x10240x64xf32, #tpu.memory_space<hbm>> -> memref<1x10240x64xf32, #tpu.memory_space<hbm>>
      %dma_start3A_188 = tpu.memref_squeeze %dma_start3A_187 : memref<1x10240x64xf32, #tpu.memory_space<hbm>> -> memref<10240x64xf32, #tpu.memory_space<hbm>>
      %dma_start3A_189 = arith.constant 0 : i32
      %dma_start3A_190 = tpu.memref_slice %dma_start3A_188[%add3A_173, %dma_start3A_189] : memref<10240x64xf32, #tpu.memory_space<hbm>> -> memref<128x64xf32, #tpu.memory_space<hbm>>
      %dma_start3A_191 = arith.constant 0 : i32
      %dma_start3A_192 = arith.constant 0 : i32
      %dma_start3A_193 = tpu.memref_slice %arg4[%arg0, %dma_start3A_191, %dma_start3A_192] : memref<2x10240x64xf32, #tpu.memory_space<hbm>> -> memref<1x10240x64xf32, #tpu.memory_space<hbm>>
      %dma_start3A_194 = tpu.memref_squeeze %dma_start3A_193 : memref<1x10240x64xf32, #tpu.memory_space<hbm>> -> memref<10240x64xf32, #tpu.memory_space<hbm>>
      %dma_start3A_195 = arith.constant 0 : i32
      %dma_start3A_196 = tpu.memref_slice %dma_start3A_194[%add3A_173, %dma_start3A_195] : memref<10240x64xf32, #tpu.memory_space<hbm>> -> memref<128x64xf32, #tpu.memory_space<hbm>>
      %dma_start3A_197 = arith.constant 0 : i32
      %dma_start3A_198 = arith.constant 0 : i32
      %dma_start3A_199 = tpu.memref_slice %arg6[%dma_start3A_197, %dma_start3A_198] : memref<512x64xf32, #tpu.memory_space<vmem>> -> memref<128x64xf32, #tpu.memory_space<vmem>>
      tpu.enqueue_dma source(%dma_start3A_199 : memref<128x64xf32, #tpu.memory_space<vmem>>) target(%dma_start3A_196 : memref<128x64xf32, #tpu.memory_space<hbm>>) target_semaphore(%run_scoped3A : memref<!tpu.dma_semaphore, #tpu.memory_space<semaphore_mem>>)
      %dma_wait3A_200 = arith.constant 0 : i32
      %dma_wait3A_201 = arith.constant 0 : i32
      %dma_wait3A_202 = tpu.memref_slice %arg6[%dma_wait3A_200, %dma_wait3A_201] : memref<512x64xf32, #tpu.memory_space<vmem>> -> memref<128x64xf32, #tpu.memory_space<vmem>>
      %dma_wait3A_203 = arith.constant 0 : i32
      %dma_wait3A_204 = arith.constant 0 : i32
      %dma_wait3A_205 = tpu.memref_slice %arg4[%arg0, %dma_wait3A_203, %dma_wait3A_204] : memref<2x10240x64xf32, #tpu.memory_space<hbm>> -> memref<1x10240x64xf32, #tpu.memory_space<hbm>>
      %dma_wait3A_206 = tpu.memref_squeeze %dma_wait3A_205 : memref<1x10240x64xf32, #tpu.memory_space<hbm>> -> memref<10240x64xf32, #tpu.memory_space<hbm>>
      %dma_wait3A_207 = arith.constant 0 : i32
      %dma_wait3A_208 = tpu.memref_slice %dma_wait3A_206[%add3A_173, %dma_wait3A_207] : memref<10240x64xf32, #tpu.memory_space<hbm>> -> memref<128x64xf32, #tpu.memory_space<hbm>>
      %dma_wait3A_209 = arith.constant 0 : i32
      %dma_wait3A_210 = arith.constant 0 : i32
      %dma_wait3A_211 = tpu.memref_slice %arg4[%arg0, %dma_wait3A_209, %dma_wait3A_210] : memref<2x10240x64xf32, #tpu.memory_space<hbm>> -> memref<1x10240x64xf32, #tpu.memory_space<hbm>>
      %dma_wait3A_212 = tpu.memref_squeeze %dma_wait3A_211 : memref<1x10240x64xf32, #tpu.memory_space<hbm>> -> memref<10240x64xf32, #tpu.memory_space<hbm>>
      %dma_wait3A_213 = arith.constant 0 : i32
      %dma_wait3A_214 = tpu.memref_slice %dma_wait3A_212[%add3A_173, %dma_wait3A_213] : memref<10240x64xf32, #tpu.memory_space<hbm>> -> memref<128x64xf32, #tpu.memory_space<hbm>>
      %dma_wait3A_215 = arith.constant 0 : i32
      %dma_wait3A_216 = arith.constant 0 : i32
      %dma_wait3A_217 = tpu.memref_slice %arg6[%dma_wait3A_215, %dma_wait3A_216] : memref<512x64xf32, #tpu.memory_space<vmem>> -> memref<128x64xf32, #tpu.memory_space<vmem>>
      tpu.wait_dma2 semaphore(%run_scoped3A : memref<!tpu.dma_semaphore, #tpu.memory_space<semaphore_mem>>) src(%dma_wait3A_217 : memref<128x64xf32, #tpu.memory_space<vmem>>) dst(%dma_wait3A_214 : memref<128x64xf32, #tpu.memory_space<hbm>>)
      tpu.yield
    }) : () -> ()
    %mul3A_174 = arith.constant 640 : i32
    %mul3A_175 = arith.muli %arg1, %mul3A_174 : i32
    %add3A_176 = arith.constant 384 : i32
    %add3A_177 = arith.addi %mul3A_175, %add3A_176 : i32
    "tpu.region"() ({
      %run_scoped3A = tpu.sem_alloc : memref<!tpu.dma_semaphore, #tpu.memory_space<semaphore_mem>>
      %dma_start3A_182 = arith.constant 0 : i32
      %dma_start3A_183 = arith.constant 0 : i32
      %dma_start3A_184 = tpu.memref_slice %arg6[%dma_start3A_182, %dma_start3A_183] : memref<512x64xf32, #tpu.memory_space<vmem>> -> memref<128x64xf32, #tpu.memory_space<vmem>>
      %dma_start3A_185 = arith.constant 0 : i32
      %dma_start3A_186 = tpu.memref_slice %arg7[%add3A_177, %dma_start3A_185] : memref<10240x64xf32, #tpu.memory_space<vmem_shared>> -> memref<128x64xf32, #tpu.memory_space<vmem_shared>>
      %dma_start3A_187 = arith.constant 0 : i32
      %dma_start3A_188 = arith.constant 0 : i32
      %dma_start3A_189 = tpu.memref_slice %arg6[%dma_start3A_187, %dma_start3A_188] : memref<512x64xf32, #tpu.memory_space<vmem>> -> memref<128x64xf32, #tpu.memory_space<vmem>>
      %dma_start3A_190 = arith.constant 0 : i32
      %dma_start3A_191 = tpu.memref_slice %arg7[%add3A_177, %dma_start3A_190] : memref<10240x64xf32, #tpu.memory_space<vmem_shared>> -> memref<128x64xf32, #tpu.memory_space<vmem_shared>>
      tpu.enqueue_dma source(%dma_start3A_191 : memref<128x64xf32, #tpu.memory_space<vmem_shared>>) target(%dma_start3A_189 : memref<128x64xf32, #tpu.memory_space<vmem>>) target_semaphore(%run_scoped3A : memref<!tpu.dma_semaphore, #tpu.memory_space<semaphore_mem>>)
      %dma_wait3A_192 = arith.constant 0 : i32
      %dma_wait3A_193 = arith.constant 0 : i32
      %dma_wait3A_194 = tpu.memref_slice %arg6[%dma_wait3A_192, %dma_wait3A_193] : memref<512x64xf32, #tpu.memory_space<vmem>> -> memref<128x64xf32, #tpu.memory_space<vmem>>
      %dma_wait3A_195 = arith.constant 0 : i32
      %dma_wait3A_196 = tpu.memref_slice %arg7[%add3A_177, %dma_wait3A_195] : memref<10240x64xf32, #tpu.memory_space<vmem_shared>> -> memref<128x64xf32, #tpu.memory_space<vmem_shared>>
      %dma_wait3A_197 = arith.constant 0 : i32
      %dma_wait3A_198 = arith.constant 0 : i32
      %dma_wait3A_199 = tpu.memref_slice %arg6[%dma_wait3A_197, %dma_wait3A_198] : memref<512x64xf32, #tpu.memory_space<vmem>> -> memref<128x64xf32, #tpu.memory_space<vmem>>
      %dma_wait3A_200 = arith.constant 0 : i32
      %dma_wait3A_201 = tpu.memref_slice %arg7[%add3A_177, %dma_wait3A_200] : memref<10240x64xf32, #tpu.memory_space<vmem_shared>> -> memref<128x64xf32, #tpu.memory_space<vmem_shared>>
      tpu.wait_dma2 semaphore(%run_scoped3A : memref<!tpu.dma_semaphore, #tpu.memory_space<semaphore_mem>>) src(%dma_wait3A_201 : memref<128x64xf32, #tpu.memory_space<vmem_shared>>) dst(%dma_wait3A_199 : memref<128x64xf32, #tpu.memory_space<vmem>>)
      tpu.yield
    }) : () -> ()
    "tpu.region"() ({
      %run_scoped3A = tpu.sem_alloc : memref<!tpu.dma_semaphore, #tpu.memory_space<semaphore_mem>>
      %dma_start3A_182 = arith.constant 0 : i32
      %dma_start3A_183 = arith.constant 0 : i32
      %dma_start3A_184 = tpu.memref_slice %arg6[%dma_start3A_182, %dma_start3A_183] : memref<512x64xf32, #tpu.memory_space<vmem>> -> memref<128x64xf32, #tpu.memory_space<vmem>>
      %dma_start3A_185 = arith.constant 0 : i32
      %dma_start3A_186 = arith.constant 0 : i32
      %dma_start3A_187 = tpu.memref_slice %arg4[%arg0, %dma_start3A_185, %dma_start3A_186] : memref<2x10240x64xf32, #tpu.memory_space<hbm>> -> memref<1x10240x64xf32, #tpu.memory_space<hbm>>
      %dma_start3A_188 = tpu.memref_squeeze %dma_start3A_187 : memref<1x10240x64xf32, #tpu.memory_space<hbm>> -> memref<10240x64xf32, #tpu.memory_space<hbm>>
      %dma_start3A_189 = arith.constant 0 : i32
      %dma_start3A_190 = tpu.memref_slice %dma_start3A_188[%add3A_177, %dma_start3A_189] : memref<10240x64xf32, #tpu.memory_space<hbm>> -> memref<128x64xf32, #tpu.memory_space<hbm>>
      %dma_start3A_191 = arith.constant 0 : i32
      %dma_start3A_192 = arith.constant 0 : i32
      %dma_start3A_193 = tpu.memref_slice %arg4[%arg0, %dma_start3A_191, %dma_start3A_192] : memref<2x10240x64xf32, #tpu.memory_space<hbm>> -> memref<1x10240x64xf32, #tpu.memory_space<hbm>>
      %dma_start3A_194 = tpu.memref_squeeze %dma_start3A_193 : memref<1x10240x64xf32, #tpu.memory_space<hbm>> -> memref<10240x64xf32, #tpu.memory_space<hbm>>
      %dma_start3A_195 = arith.constant 0 : i32
      %dma_start3A_196 = tpu.memref_slice %dma_start3A_194[%add3A_177, %dma_start3A_195] : memref<10240x64xf32, #tpu.memory_space<hbm>> -> memref<128x64xf32, #tpu.memory_space<hbm>>
      %dma_start3A_197 = arith.constant 0 : i32
      %dma_start3A_198 = arith.constant 0 : i32
      %dma_start3A_199 = tpu.memref_slice %arg6[%dma_start3A_197, %dma_start3A_198] : memref<512x64xf32, #tpu.memory_space<vmem>> -> memref<128x64xf32, #tpu.memory_space<vmem>>
      tpu.enqueue_dma source(%dma_start3A_199 : memref<128x64xf32, #tpu.memory_space<vmem>>) target(%dma_start3A_196 : memref<128x64xf32, #tpu.memory_space<hbm>>) target_semaphore(%run_scoped3A : memref<!tpu.dma_semaphore, #tpu.memory_space<semaphore_mem>>)
      %dma_wait3A_200 = arith.constant 0 : i32
      %dma_wait3A_201 = arith.constant 0 : i32
      %dma_wait3A_202 = tpu.memref_slice %arg6[%dma_wait3A_200, %dma_wait3A_201] : memref<512x64xf32, #tpu.memory_space<vmem>> -> memref<128x64xf32, #tpu.memory_space<vmem>>
      %dma_wait3A_203 = arith.constant 0 : i32
      %dma_wait3A_204 = arith.constant 0 : i32
      %dma_wait3A_205 = tpu.memref_slice %arg4[%arg0, %dma_wait3A_203, %dma_wait3A_204] : memref<2x10240x64xf32, #tpu.memory_space<hbm>> -> memref<1x10240x64xf32, #tpu.memory_space<hbm>>
      %dma_wait3A_206 = tpu.memref_squeeze %dma_wait3A_205 : memref<1x10240x64xf32, #tpu.memory_space<hbm>> -> memref<10240x64xf32, #tpu.memory_space<hbm>>
      %dma_wait3A_207 = arith.constant 0 : i32
      %dma_wait3A_208 = tpu.memref_slice %dma_wait3A_206[%add3A_177, %dma_wait3A_207] : memref<10240x64xf32, #tpu.memory_space<hbm>> -> memref<128x64xf32, #tpu.memory_space<hbm>>
      %dma_wait3A_209 = arith.constant 0 : i32
      %dma_wait3A_210 = arith.constant 0 : i32
      %dma_wait3A_211 = tpu.memref_slice %arg4[%arg0, %dma_wait3A_209, %dma_wait3A_210] : memref<2x10240x64xf32, #tpu.memory_space<hbm>> -> memref<1x10240x64xf32, #tpu.memory_space<hbm>>
      %dma_wait3A_212 = tpu.memref_squeeze %dma_wait3A_211 : memref<1x10240x64xf32, #tpu.memory_space<hbm>> -> memref<10240x64xf32, #tpu.memory_space<hbm>>
      %dma_wait3A_213 = arith.constant 0 : i32
      %dma_wait3A_214 = tpu.memref_slice %dma_wait3A_212[%add3A_177, %dma_wait3A_213] : memref<10240x64xf32, #tpu.memory_space<hbm>> -> memref<128x64xf32, #tpu.memory_space<hbm>>
      %dma_wait3A_215 = arith.constant 0 : i32
      %dma_wait3A_216 = arith.constant 0 : i32
      %dma_wait3A_217 = tpu.memref_slice %arg6[%dma_wait3A_215, %dma_wait3A_216] : memref<512x64xf32, #tpu.memory_space<vmem>> -> memref<128x64xf32, #tpu.memory_space<vmem>>
      tpu.wait_dma2 semaphore(%run_scoped3A : memref<!tpu.dma_semaphore, #tpu.memory_space<semaphore_mem>>) src(%dma_wait3A_217 : memref<128x64xf32, #tpu.memory_space<vmem>>) dst(%dma_wait3A_214 : memref<128x64xf32, #tpu.memory_space<hbm>>)
      tpu.yield
    }) : () -> ()
    %mul3A_178 = arith.constant 640 : i32
    %mul3A_179 = arith.muli %arg1, %mul3A_178 : i32
    %add3A_180 = arith.constant 512 : i32
    %add3A_181 = arith.addi %mul3A_179, %add3A_180 : i32
    "tpu.region"() ({
      %run_scoped3A = tpu.sem_alloc : memref<!tpu.dma_semaphore, #tpu.memory_space<semaphore_mem>>
      %dma_start3A_182 = arith.constant 0 : i32
      %dma_start3A_183 = arith.constant 0 : i32
      %dma_start3A_184 = tpu.memref_slice %arg6[%dma_start3A_182, %dma_start3A_183] : memref<512x64xf32, #tpu.memory_space<vmem>> -> memref<128x64xf32, #tpu.memory_space<vmem>>
      %dma_start3A_185 = arith.constant 0 : i32
      %dma_start3A_186 = tpu.memref_slice %arg7[%add3A_181, %dma_start3A_185] : memref<10240x64xf32, #tpu.memory_space<vmem_shared>> -> memref<128x64xf32, #tpu.memory_space<vmem_shared>>
      %dma_start3A_187 = arith.constant 0 : i32
      %dma_start3A_188 = arith.constant 0 : i32
      %dma_start3A_189 = tpu.memref_slice %arg6[%dma_start3A_187, %dma_start3A_188] : memref<512x64xf32, #tpu.memory_space<vmem>> -> memref<128x64xf32, #tpu.memory_space<vmem>>
      %dma_start3A_190 = arith.constant 0 : i32
      %dma_start3A_191 = tpu.memref_slice %arg7[%add3A_181, %dma_start3A_190] : memref<10240x64xf32, #tpu.memory_space<vmem_shared>> -> memref<128x64xf32, #tpu.memory_space<vmem_shared>>
      tpu.enqueue_dma source(%dma_start3A_191 : memref<128x64xf32, #tpu.memory_space<vmem_shared>>) target(%dma_start3A_189 : memref<128x64xf32, #tpu.memory_space<vmem>>) target_semaphore(%run_scoped3A : memref<!tpu.dma_semaphore, #tpu.memory_space<semaphore_mem>>)
      %dma_wait3A_192 = arith.constant 0 : i32
      %dma_wait3A_193 = arith.constant 0 : i32
      %dma_wait3A_194 = tpu.memref_slice %arg6[%dma_wait3A_192, %dma_wait3A_193] : memref<512x64xf32, #tpu.memory_space<vmem>> -> memref<128x64xf32, #tpu.memory_space<vmem>>
      %dma_wait3A_195 = arith.constant 0 : i32
      %dma_wait3A_196 = tpu.memref_slice %arg7[%add3A_181, %dma_wait3A_195] : memref<10240x64xf32, #tpu.memory_space<vmem_shared>> -> memref<128x64xf32, #tpu.memory_space<vmem_shared>>
      %dma_wait3A_197 = arith.constant 0 : i32
      %dma_wait3A_198 = arith.constant 0 : i32
      %dma_wait3A_199 = tpu.memref_slice %arg6[%dma_wait3A_197, %dma_wait3A_198] : memref<512x64xf32, #tpu.memory_space<vmem>> -> memref<128x64xf32, #tpu.memory_space<vmem>>
      %dma_wait3A_200 = arith.constant 0 : i32
      %dma_wait3A_201 = tpu.memref_slice %arg7[%add3A_181, %dma_wait3A_200] : memref<10240x64xf32, #tpu.memory_space<vmem_shared>> -> memref<128x64xf32, #tpu.memory_space<vmem_shared>>
      tpu.wait_dma2 semaphore(%run_scoped3A : memref<!tpu.dma_semaphore, #tpu.memory_space<semaphore_mem>>) src(%dma_wait3A_201 : memref<128x64xf32, #tpu.memory_space<vmem_shared>>) dst(%dma_wait3A_199 : memref<128x64xf32, #tpu.memory_space<vmem>>)
      tpu.yield
    }) : () -> ()
    "tpu.region"() ({
      %run_scoped3A = tpu.sem_alloc : memref<!tpu.dma_semaphore, #tpu.memory_space<semaphore_mem>>
      %dma_start3A_182 = arith.constant 0 : i32
      %dma_start3A_183 = arith.constant 0 : i32
      %dma_start3A_184 = tpu.memref_slice %arg6[%dma_start3A_182, %dma_start3A_183] : memref<512x64xf32, #tpu.memory_space<vmem>> -> memref<128x64xf32, #tpu.memory_space<vmem>>
      %dma_start3A_185 = arith.constant 0 : i32
      %dma_start3A_186 = arith.constant 0 : i32
      %dma_start3A_187 = tpu.memref_slice %arg4[%arg0, %dma_start3A_185, %dma_start3A_186] : memref<2x10240x64xf32, #tpu.memory_space<hbm>> -> memref<1x10240x64xf32, #tpu.memory_space<hbm>>
      %dma_start3A_188 = tpu.memref_squeeze %dma_start3A_187 : memref<1x10240x64xf32, #tpu.memory_space<hbm>> -> memref<10240x64xf32, #tpu.memory_space<hbm>>
      %dma_start3A_189 = arith.constant 0 : i32
      %dma_start3A_190 = tpu.memref_slice %dma_start3A_188[%add3A_181, %dma_start3A_189] : memref<10240x64xf32, #tpu.memory_space<hbm>> -> memref<128x64xf32, #tpu.memory_space<hbm>>
      %dma_start3A_191 = arith.constant 0 : i32
      %dma_start3A_192 = arith.constant 0 : i32
      %dma_start3A_193 = tpu.memref_slice %arg4[%arg0, %dma_start3A_191, %dma_start3A_192] : memref<2x10240x64xf32, #tpu.memory_space<hbm>> -> memref<1x10240x64xf32, #tpu.memory_space<hbm>>
      %dma_start3A_194 = tpu.memref_squeeze %dma_start3A_193 : memref<1x10240x64xf32, #tpu.memory_space<hbm>> -> memref<10240x64xf32, #tpu.memory_space<hbm>>
      %dma_start3A_195 = arith.constant 0 : i32
      %dma_start3A_196 = tpu.memref_slice %dma_start3A_194[%add3A_181, %dma_start3A_195] : memref<10240x64xf32, #tpu.memory_space<hbm>> -> memref<128x64xf32, #tpu.memory_space<hbm>>
      %dma_start3A_197 = arith.constant 0 : i32
      %dma_start3A_198 = arith.constant 0 : i32
      %dma_start3A_199 = tpu.memref_slice %arg6[%dma_start3A_197, %dma_start3A_198] : memref<512x64xf32, #tpu.memory_space<vmem>> -> memref<128x64xf32, #tpu.memory_space<vmem>>
      tpu.enqueue_dma source(%dma_start3A_199 : memref<128x64xf32, #tpu.memory_space<vmem>>) target(%dma_start3A_196 : memref<128x64xf32, #tpu.memory_space<hbm>>) target_semaphore(%run_scoped3A : memref<!tpu.dma_semaphore, #tpu.memory_space<semaphore_mem>>)
      %dma_wait3A_200 = arith.constant 0 : i32
      %dma_wait3A_201 = arith.constant 0 : i32
      %dma_wait3A_202 = tpu.memref_slice %arg6[%dma_wait3A_200, %dma_wait3A_201] : memref<512x64xf32, #tpu.memory_space<vmem>> -> memref<128x64xf32, #tpu.memory_space<vmem>>
      %dma_wait3A_203 = arith.constant 0 : i32
      %dma_wait3A_204 = arith.constant 0 : i32
      %dma_wait3A_205 = tpu.memref_slice %arg4[%arg0, %dma_wait3A_203, %dma_wait3A_204] : memref<2x10240x64xf32, #tpu.memory_space<hbm>> -> memref<1x10240x64xf32, #tpu.memory_space<hbm>>
      %dma_wait3A_206 = tpu.memref_squeeze %dma_wait3A_205 : memref<1x10240x64xf32, #tpu.memory_space<hbm>> -> memref<10240x64xf32, #tpu.memory_space<hbm>>
      %dma_wait3A_207 = arith.constant 0 : i32
      %dma_wait3A_208 = tpu.memref_slice %dma_wait3A_206[%add3A_181, %dma_wait3A_207] : memref<10240x64xf32, #tpu.memory_space<hbm>> -> memref<128x64xf32, #tpu.memory_space<hbm>>
      %dma_wait3A_209 = arith.constant 0 : i32
      %dma_wait3A_210 = arith.constant 0 : i32
      %dma_wait3A_211 = tpu.memref_slice %arg4[%arg0, %dma_wait3A_209, %dma_wait3A_210] : memref<2x10240x64xf32, #tpu.memory_space<hbm>> -> memref<1x10240x64xf32, #tpu.memory_space<hbm>>
      %dma_wait3A_212 = tpu.memref_squeeze %dma_wait3A_211 : memref<1x10240x64xf32, #tpu.memory_space<hbm>> -> memref<10240x64xf32, #tpu.memory_space<hbm>>
      %dma_wait3A_213 = arith.constant 0 : i32
      %dma_wait3A_214 = tpu.memref_slice %dma_wait3A_212[%add3A_181, %dma_wait3A_213] : memref<10240x64xf32, #tpu.memory_space<hbm>> -> memref<128x64xf32, #tpu.memory_space<hbm>>
      %dma_wait3A_215 = arith.constant 0 : i32
      %dma_wait3A_216 = arith.constant 0 : i32
      %dma_wait3A_217 = tpu.memref_slice %arg6[%dma_wait3A_215, %dma_wait3A_216] : memref<512x64xf32, #tpu.memory_space<vmem>> -> memref<128x64xf32, #tpu.memory_space<vmem>>
      tpu.wait_dma2 semaphore(%run_scoped3A : memref<!tpu.dma_semaphore, #tpu.memory_space<semaphore_mem>>) src(%dma_wait3A_217 : memref<128x64xf32, #tpu.memory_space<vmem>>) dst(%dma_wait3A_214 : memref<128x64xf32, #tpu.memory_space<hbm>>)
      tpu.yield
    }) : () -> ()
    return
  }
}

module attributes {stable_mosaic.version = 14 : i64} {
  func.func @body(%arg0: i32, %arg1: memref<1024x128xf32, #tpu.memory_space<vmem>>, %arg2: memref<128x128xf32, #tpu.memory_space<vmem>>, %arg3: memref<1x128xf32, #tpu.memory_space<vmem>>, %arg4: memref<1x128xf32, #tpu.memory_space<vmem>>, %arg5: memref<1x128xf32, #tpu.memory_space<vmem>>, %arg6: memref<128x128xf32, #tpu.memory_space<vmem>>, %arg7: memref<1024x128xf32, #tpu.memory_space<vmem>>, %arg8: memref<1024x128xf32, #tpu.memory_space<vmem>>) attributes {dimension_semantics = [#tpu.dimension_semantics<arbitrary>], iteration_bounds = array<i64: 10>, scalar_prefetch = 0 : i64, scratch_operands = 0 : i64, tpu.core_type = #tpu.core_type<tc>, window_params = [{transform_indices = @transform_0, window_bounds = array<i64: 1024, 128>}, {pipeline_mode = #tpu.pipeline_mode<synchronous>, transform_indices = @transform_1, window_bounds = array<i64: 128, 128>}, {pipeline_mode = #tpu.pipeline_mode<synchronous>, transform_indices = @transform_2, window_bounds = array<i64: 1, 128>}, {pipeline_mode = #tpu.pipeline_mode<synchronous>, transform_indices = @transform_3, window_bounds = array<i64: 1, 128>}, {pipeline_mode = #tpu.pipeline_mode<synchronous>, transform_indices = @transform_4, window_bounds = array<i64: 1, 128>}, {pipeline_mode = #tpu.pipeline_mode<synchronous>, transform_indices = @transform_5, window_bounds = array<i64: 128, 128>}, {transform_indices = @transform_6, window_bounds = array<i64: 1024, 128>}, {transform_indices = @transform_7, window_bounds = array<i64: 1024, 128>}]} {
    %get3A = arith.constant 0 : index
    %get3A_0 = arith.constant 0 : index
    %get3A_1 = vector.load %arg1[%get3A, %get3A_0] : memref<1024x128xf32, #tpu.memory_space<vmem>>, vector<1024x128xf32>
    %get3A_2 = arith.constant 0 : index
    %get3A_3 = arith.constant 0 : index
    %get3A_4 = vector.load %arg2[%get3A_2, %get3A_3] : memref<128x128xf32, #tpu.memory_space<vmem>>, vector<128x128xf32>
    %dot_general3A = arith.constant dense<0.000000e+00> : vector<1024x128xf32>
    %dot_general3A_5 = tpu.matmul %get3A_1, %get3A_4, %dot_general3A {dimension_numbers = #tpu.dot_dimension_numbers<[1], [0], [0], [1], [0, 0, 1, 1], [], []>, transpose_lhs_hint = false} : vector<1024x128xf32>, vector<128x128xf32>, vector<1024x128xf32> -> vector<1024x128xf32>
    %get3A_6 = arith.constant 0 : index
    %get3A_7 = arith.constant 0 : index
    %get3A_8 = vector.load %arg3[%get3A_6, %get3A_7] : memref<1x128xf32, #tpu.memory_space<vmem>>, vector<1x128xf32>
    %add3A = vector.broadcast %get3A_8 : vector<1x128xf32> to vector<1024x128xf32>
    %add3A_9 = arith.addf %dot_general3A_5, %add3A : vector<1024x128xf32>
    %reduce_sum3A = arith.constant dense<0.000000e+00> : vector<1024xf32>
    %reduce_sum3A_10 = vector.multi_reduction <add>, %add3A_9, %reduce_sum3A [1] : vector<1024x128xf32> to vector<1024xf32>
    %broadcast_in_dim3A = vector.shape_cast %reduce_sum3A_10 : vector<1024xf32> to vector<1024x1xf32>
    %div3A = arith.constant 1.280000e+02 : f32
    %div3A_11 = vector.broadcast %div3A : f32 to vector<1024x1xf32>
    %div3A_12 = arith.divf %broadcast_in_dim3A, %div3A_11 : vector<1024x1xf32>
    %sub3A = vector.broadcast %div3A_12 : vector<1024x1xf32> to vector<1024x128xf32>
    %sub3A_13 = arith.subf %add3A_9, %sub3A : vector<1024x128xf32>
    %integer_pow3A = arith.mulf %sub3A_13, %sub3A_13 : vector<1024x128xf32>
    %reduce_sum3A_14 = arith.constant dense<0.000000e+00> : vector<1024xf32>
    %reduce_sum3A_15 = vector.multi_reduction <add>, %integer_pow3A, %reduce_sum3A_14 [1] : vector<1024x128xf32> to vector<1024xf32>
    %broadcast_in_dim3A_16 = vector.shape_cast %reduce_sum3A_15 : vector<1024xf32> to vector<1024x1xf32>
    %div3A_17 = arith.constant 1.280000e+02 : f32
    %div3A_18 = vector.broadcast %div3A_17 : f32 to vector<1024x1xf32>
    %div3A_19 = arith.divf %broadcast_in_dim3A_16, %div3A_18 : vector<1024x1xf32>
    %sub3A_20 = vector.broadcast %div3A_12 : vector<1024x1xf32> to vector<1024x128xf32>
    %sub3A_21 = arith.subf %add3A_9, %sub3A_20 : vector<1024x128xf32>
    %add3A_22 = arith.constant 9.99999974E-6 : f32
    %add3A_23 = vector.broadcast %add3A_22 : f32 to vector<1024x1xf32>
    %add3A_24 = arith.addf %div3A_19, %add3A_23 : vector<1024x1xf32>
    %rsqrt3A = math.rsqrt %add3A_24 : vector<1024x1xf32>
    %mul3A = vector.broadcast %rsqrt3A : vector<1024x1xf32> to vector<1024x128xf32>
    %mul3A_25 = arith.mulf %sub3A_21, %mul3A : vector<1024x128xf32>
    %get3A_26 = arith.constant 0 : index
    %get3A_27 = arith.constant 0 : index
    %get3A_28 = vector.load %arg4[%get3A_26, %get3A_27] : memref<1x128xf32, #tpu.memory_space<vmem>>, vector<1x128xf32>
    %mul3A_29 = vector.broadcast %get3A_28 : vector<1x128xf32> to vector<1024x128xf32>
    %mul3A_30 = arith.mulf %mul3A_25, %mul3A_29 : vector<1024x128xf32>
    %get3A_31 = arith.constant 0 : index
    %get3A_32 = arith.constant 0 : index
    %get3A_33 = vector.load %arg5[%get3A_31, %get3A_32] : memref<1x128xf32, #tpu.memory_space<vmem>>, vector<1x128xf32>
    %add3A_34 = vector.broadcast %get3A_33 : vector<1x128xf32> to vector<1024x128xf32>
    %add3A_35 = arith.addf %mul3A_30, %add3A_34 : vector<1024x128xf32>
    %max3A = arith.constant 0.000000e+00 : f32
    %max3A_36 = vector.broadcast %max3A : f32 to vector<1024x128xf32>
    %max3A_37 = arith.maximumf %add3A_35, %max3A_36 : vector<1024x128xf32>
    %mul3A_38 = arith.constant 1024 : i32
    %mul3A_39 = arith.muli %arg0, %mul3A_38 : i32
    %iota3A = tpu.iota {dimensions = array<i32: 0>} : vector<1024x1xi32>
    %add3A_40 = vector.broadcast %mul3A_39 : i32 to vector<1024x1xi32>
    %add3A_41 = arith.addi %add3A_40, %iota3A : vector<1024x1xi32>
    %lt3A = arith.constant 10000 : i32
    %lt3A_42 = vector.broadcast %lt3A : i32 to vector<1024x1xi32>
    %lt3A_43 = arith.cmpi slt, %add3A_41, %lt3A_42 : vector<1024x1xi32>
    %jit3A = arith.constant 0.000000e+00 : f32
    %broadcast_in_dim3A_44 = vector.shape_cast %lt3A_43 : vector<1024x1xi1> to vector<1024x1xi1>
    %broadcast_in_dim3A_45 = vector.broadcast %broadcast_in_dim3A_44 : vector<1024x1xi1> to vector<1024x128xi1>
    %broadcast_in_dim3A_46 = vector.broadcast %jit3A : f32 to vector<1024x128xf32>
    %select_n3A = arith.select %broadcast_in_dim3A_45, %max3A_37, %broadcast_in_dim3A_46 : vector<1024x128xi1>, vector<1024x128xf32>
    %swap3A = arith.constant 0 : index
    %swap3A_47 = arith.constant 0 : index
    %swap3A_48 = vector.load %arg7[%swap3A, %swap3A_47] : memref<1024x128xf32, #tpu.memory_space<vmem>>, vector<1024x128xf32>
    tpu.vector_store %arg7[%swap3A, %swap3A_47], %select_n3A {strides = array<i32>} : memref<1024x128xf32, #tpu.memory_space<vmem>>, vector<1024x128xf32>,
    %get3A_49 = arith.constant 0 : index
    %get3A_50 = arith.constant 0 : index
    %get3A_51 = vector.load %arg6[%get3A_49, %get3A_50] : memref<128x128xf32, #tpu.memory_space<vmem>>, vector<128x128xf32>
    %dot_general3A_52 = arith.constant dense<0.000000e+00> : vector<1024x128xf32>
    %dot_general3A_53 = tpu.matmul %select_n3A, %get3A_51, %dot_general3A_52 {dimension_numbers = #tpu.dot_dimension_numbers<[1], [0], [0], [1], [0, 0, 1, 1], [], []>, transpose_lhs_hint = false} : vector<1024x128xf32>, vector<128x128xf32>, vector<1024x128xf32> -> vector<1024x128xf32>
    %swap3A_54 = arith.constant 0 : index
    %swap3A_55 = arith.constant 0 : index
    %swap3A_56 = vector.load %arg8[%swap3A_54, %swap3A_55] : memref<1024x128xf32, #tpu.memory_space<vmem>>, vector<1024x128xf32>
    tpu.vector_store %arg8[%swap3A_54, %swap3A_55], %dot_general3A_53 {strides = array<i32>} : memref<1024x128xf32, #tpu.memory_space<vmem>>, vector<1024x128xf32>,
    return
  }
  func.func @transform_0(%arg0: i32) -> (i32, i32) {
    %c0_i32 = arith.constant 0 : i32
    %c0_i32_0 = arith.constant 0 : i32
    return %arg0, %c0_i32 : i32, i32
  }
  func.func @transform_1(%arg0: i32) -> (i32, i32) {
    %c0_i32 = arith.constant 0 : i32
    %c0_i32_0 = arith.constant 0 : i32
    %c0_i32_1 = arith.constant 0 : i32
    return %c0_i32, %c0_i32_0 : i32, i32
  }
  func.func @transform_2(%arg0: i32) -> (i32, i32) {
    %c0_i32 = arith.constant 0 : i32
    %c0_i32_0 = arith.constant 0 : i32
    %c0_i32_1 = arith.constant 0 : i32
    return %c0_i32, %c0_i32_0 : i32, i32
  }
  func.func @transform_3(%arg0: i32) -> (i32, i32) {
    %c0_i32 = arith.constant 0 : i32
    %c0_i32_0 = arith.constant 0 : i32
    %c0_i32_1 = arith.constant 0 : i32
    return %c0_i32, %c0_i32_0 : i32, i32
  }
  func.func @transform_4(%arg0: i32) -> (i32, i32) {
    %c0_i32 = arith.constant 0 : i32
    %c0_i32_0 = arith.constant 0 : i32
    %c0_i32_1 = arith.constant 0 : i32
    return %c0_i32, %c0_i32_0 : i32, i32
  }
  func.func @transform_5(%arg0: i32) -> (i32, i32) {
    %c0_i32 = arith.constant 0 : i32
    %c0_i32_0 = arith.constant 0 : i32
    %c0_i32_1 = arith.constant 0 : i32
    return %c0_i32, %c0_i32_0 : i32, i32
  }
  func.func @transform_6(%arg0: i32) -> (i32, i32) {
    %c0_i32 = arith.constant 0 : i32
    %c0_i32_0 = arith.constant 0 : i32
    return %arg0, %c0_i32 : i32, i32
  }
  func.func @transform_7(%arg0: i32) -> (i32, i32) {
    %c0_i32 = arith.constant 0 : i32
    %c0_i32_0 = arith.constant 0 : i32
    return %arg0, %c0_i32 : i32, i32
  }
}

module attributes {stable_mosaic.version = 14 : i64} {
  func.func @body(%arg0: i32, %arg1: memref<2x1024x1xf32, #tpu.memory_space<vmem>>, %arg2: memref<1024x128xf32, #tpu.memory_space<vmem>>, %arg3: memref<2x1024x64xf32, #tpu.memory_space<vmem>>, %arg4: memref<1024x1xf32, #tpu.memory_space<vmem>>) attributes {dimension_semantics = [#tpu.dimension_semantics<arbitrary>], iteration_bounds = array<i64: 10>, scalar_prefetch = 0 : i64, scratch_operands = 0 : i64, tpu.core_type = #tpu.core_type<tc>, window_params = [{transform_indices = @transform_0, window_bounds = array<i64: 2, 1024, 1>}, {transform_indices = @transform_1, window_bounds = array<i64: 1024, 128>}, {transform_indices = @transform_2, window_bounds = array<i64: 2, 1024, 64>}, {transform_indices = @transform_3, window_bounds = array<i64: 1024, 1>}]} {
    %get3A = arith.constant 0 : index
    %get3A_0 = arith.constant 0 : index
    %get3A_1 = arith.constant 0 : index
    %get3A_2 = vector.load %arg1[%get3A, %get3A_0, %get3A_1] : memref<2x1024x1xf32, #tpu.memory_space<vmem>>, vector<2x1024x1xf32>
    %slice3A = vector.extract_strided_slice %get3A_2 {offsets = [0, 0, 0], sizes = [1, 1024, 1], strides = [1, 1, 1]} : vector<2x1024x1xf32> to vector<1x1024x1xf32>
    %squeeze3A = vector.shape_cast %slice3A : vector<1x1024x1xf32> to vector<1024x1xf32>
    %slice3A_3 = vector.extract_strided_slice %get3A_2 {offsets = [1, 0, 0], sizes = [1, 1024, 1], strides = [1, 1, 1]} : vector<2x1024x1xf32> to vector<1x1024x1xf32>
    %squeeze3A_4 = vector.shape_cast %slice3A_3 : vector<1x1024x1xf32> to vector<1024x1xf32>
    %add3A = arith.addf %squeeze3A, %squeeze3A_4 : vector<1024x1xf32>
    %add3A_5 = arith.constant 1.000000e+00 : f32
    %add3A_6 = vector.broadcast %add3A_5 : f32 to vector<1024x1xf32>
    %add3A_7 = arith.addf %add3A, %add3A_6 : vector<1024x1xf32>
    %rsqrt3A = math.rsqrt %add3A_7 : vector<1024x1xf32>
    %swap3A = arith.constant 0 : index
    %swap3A_8 = arith.constant 0 : index
    %swap3A_9 = vector.load %arg4[%swap3A, %swap3A_8] : memref<1024x1xf32, #tpu.memory_space<vmem>>, vector<1024x1xf32>
    tpu.vector_store %arg4[%swap3A, %swap3A_8], %rsqrt3A {strides = array<i32>} : memref<1024x1xf32, #tpu.memory_space<vmem>>, vector<1024x1xf32>,
    %get3A_10 = arith.constant 0 : index
    %get3A_11 = arith.constant 0 : index
    %get3A_12 = vector.load %arg2[%get3A_10, %get3A_11] : memref<1024x128xf32, #tpu.memory_space<vmem>>, vector<1024x128xf32>
    %mul3A = vector.broadcast %rsqrt3A : vector<1024x1xf32> to vector<1024x128xf32>
    %mul3A_13 = arith.mulf %get3A_12, %mul3A : vector<1024x128xf32>
    %slice3A_14 = vector.extract_strided_slice %mul3A_13 {offsets = [0, 0], sizes = [1024, 64], strides = [1, 1]} : vector<1024x128xf32> to vector<1024x64xf32>
    %slice3A_15 = vector.extract_strided_slice %mul3A_13 {offsets = [0, 64], sizes = [1024, 64], strides = [1, 1]} : vector<1024x128xf32> to vector<1024x64xf32>
    %stack3A = vector.shape_cast %slice3A_14 : vector<1024x64xf32> to vector<1x1024x64xf32>
    %stack3A_16 = vector.shape_cast %slice3A_15 : vector<1024x64xf32> to vector<1x1024x64xf32>
    %stack3A_17 = tpu.concatenate %stack3A, %stack3A_16 in 0 : vector<1x1024x64xf32>, vector<1x1024x64xf32> -> vector<2x1024x64xf32>
    %swap3A_18 = arith.constant 0 : index
    %swap3A_19 = arith.constant 0 : index
    %swap3A_20 = arith.constant 0 : index
    %swap3A_21 = vector.load %arg3[%swap3A_18, %swap3A_19, %swap3A_20] : memref<2x1024x64xf32, #tpu.memory_space<vmem>>, vector<2x1024x64xf32>
    tpu.vector_store %arg3[%swap3A_18, %swap3A_19, %swap3A_20], %stack3A_17 {strides = array<i32>} : memref<2x1024x64xf32, #tpu.memory_space<vmem>>, vector<2x1024x64xf32>,
    return
  }
  func.func @transform_0(%arg0: i32) -> (i32, i32, i32) {
    %c0_i32 = arith.constant 0 : i32
    %c0_i32_0 = arith.constant 0 : i32
    %c0_i32_1 = arith.constant 0 : i32
    return %c0_i32, %arg0, %c0_i32_0 : i32, i32, i32
  }
  func.func @transform_1(%arg0: i32) -> (i32, i32) {
    %c0_i32 = arith.constant 0 : i32
    %c0_i32_0 = arith.constant 0 : i32
    return %arg0, %c0_i32 : i32, i32
  }
  func.func @transform_2(%arg0: i32) -> (i32, i32, i32) {
    %c0_i32 = arith.constant 0 : i32
    %c0_i32_0 = arith.constant 0 : i32
    %c0_i32_1 = arith.constant 0 : i32
    return %c0_i32, %arg0, %c0_i32_0 : i32, i32, i32
  }
  func.func @transform_3(%arg0: i32) -> (i32, i32) {
    %c0_i32 = arith.constant 0 : i32
    %c0_i32_0 = arith.constant 0 : i32
    return %arg0, %c0_i32 : i32, i32
  }
}

module attributes {stable_mosaic.version = 14 : i64} {
  func.func @body(%arg0: i32, %arg1: memref<2x1000x64xf32, #tpu.memory_space<vmem>>, %arg2: memref<1000x128xf32, #tpu.memory_space<vmem>>, %arg3: memref<1000x1xf32, #tpu.memory_space<vmem>>, %arg4: memref<1x128xf32, #tpu.memory_space<vmem>>, %arg5: memref<1000x128xf32, #tpu.memory_space<vmem>>, %arg6: memref<2x128xf32, #tpu.memory_space<vmem>>) attributes {dimension_semantics = [#tpu.dimension_semantics<arbitrary>], iteration_bounds = array<i64: 10>, scalar_prefetch = 0 : i64, scratch_operands = 0 : i64, tpu.core_type = #tpu.core_type<tc>, window_params = [{transform_indices = @transform_0, window_bounds = array<i64: 2, 1000, 64>}, {transform_indices = @transform_1, window_bounds = array<i64: 1000, 128>}, {transform_indices = @transform_2, window_bounds = array<i64: 1000, 1>}, {pipeline_mode = #tpu.pipeline_mode<synchronous>, transform_indices = @transform_3, window_bounds = array<i64: 1, 128>}, {transform_indices = @transform_4, window_bounds = array<i64: 1000, 128>}, {pipeline_mode = #tpu.pipeline_mode<synchronous>, transform_indices = @transform_5, window_bounds = array<i64: 2, 128>}]} {
    %get3A = arith.constant 0 : index
    %get3A_0 = arith.constant 0 : index
    %get3A_1 = arith.constant 0 : index
    %get3A_2 = vector.load %arg1[%get3A, %get3A_0, %get3A_1] : memref<2x1000x64xf32, #tpu.memory_space<vmem>>, vector<2x1000x64xf32>
    %slice3A = vector.extract_strided_slice %get3A_2 {offsets = [0, 0, 0], sizes = [1, 1000, 64], strides = [1, 1, 1]} : vector<2x1000x64xf32> to vector<1x1000x64xf32>
    %squeeze3A = vector.shape_cast %slice3A : vector<1x1000x64xf32> to vector<1000x64xf32>
    %slice3A_3 = vector.extract_strided_slice %get3A_2 {offsets = [1, 0, 0], sizes = [1, 1000, 64], strides = [1, 1, 1]} : vector<2x1000x64xf32> to vector<1x1000x64xf32>
    %squeeze3A_4 = vector.shape_cast %slice3A_3 : vector<1x1000x64xf32> to vector<1000x64xf32>
    %concatenate3A = tpu.concatenate %squeeze3A, %squeeze3A_4 in 1 : vector<1000x64xf32>, vector<1000x64xf32> -> vector<1000x128xf32>
    %get3A_5 = arith.constant 0 : index
    %get3A_6 = arith.constant 0 : index
    %get3A_7 = vector.load %arg3[%get3A_5, %get3A_6] : memref<1000x1xf32, #tpu.memory_space<vmem>>, vector<1000x1xf32>
    %mul3A = vector.broadcast %get3A_7 : vector<1000x1xf32> to vector<1000x128xf32>
    %mul3A_8 = arith.mulf %mul3A, %concatenate3A : vector<1000x128xf32>
    %mul3A_9 = arith.mulf %get3A_7, %get3A_7 : vector<1000x1xf32>
    %get3A_10 = arith.constant 0 : index
    %get3A_11 = arith.constant 0 : index
    %get3A_12 = vector.load %arg2[%get3A_10, %get3A_11] : memref<1000x128xf32, #tpu.memory_space<vmem>>, vector<1000x128xf32>
    %mul3A_13 = vector.broadcast %mul3A_9 : vector<1000x1xf32> to vector<1000x128xf32>
    %mul3A_14 = arith.mulf %mul3A_13, %get3A_12 : vector<1000x128xf32>
    %add3A = arith.addf %mul3A_8, %mul3A_14 : vector<1000x128xf32>
    %get3A_15 = arith.constant 0 : index
    %get3A_16 = arith.constant 0 : index
    %get3A_17 = vector.load %arg4[%get3A_15, %get3A_16] : memref<1x128xf32, #tpu.memory_space<vmem>>, vector<1x128xf32>
    %add3A_18 = vector.broadcast %get3A_17 : vector<1x128xf32> to vector<1000x128xf32>
    %add3A_19 = arith.addf %add3A, %add3A_18 : vector<1000x128xf32>
    %swap3A = arith.constant 0 : index
    %swap3A_20 = arith.constant 0 : index
    %swap3A_21 = vector.load %arg5[%swap3A, %swap3A_20] : memref<1000x128xf32, #tpu.memory_space<vmem>>, vector<1000x128xf32>
    tpu.vector_store %arg5[%swap3A, %swap3A_20], %add3A_19 {strides = array<i32>} : memref<1000x128xf32, #tpu.memory_space<vmem>>, vector<1000x128xf32>,
    %reduce_sum3A = arith.constant dense<0.000000e+00> : vector<128xf32>
    %reduce_sum3A_22 = vector.multi_reduction <add>, %add3A_19, %reduce_sum3A [0] : vector<1000x128xf32> to vector<128xf32>
    %broadcast_in_dim3A = vector.shape_cast %reduce_sum3A_22 : vector<128xf32> to vector<1x128xf32>
    %mul3A_23 = arith.mulf %add3A_19, %add3A_19 : vector<1000x128xf32>
    %reduce_sum3A_24 = arith.constant dense<0.000000e+00> : vector<128xf32>
    %reduce_sum3A_25 = vector.multi_reduction <add>, %mul3A_23, %reduce_sum3A_24 [0] : vector<1000x128xf32> to vector<128xf32>
    %broadcast_in_dim3A_26 = vector.shape_cast %reduce_sum3A_25 : vector<128xf32> to vector<1x128xf32>
    %concatenate3A_27 = tpu.concatenate %broadcast_in_dim3A, %broadcast_in_dim3A_26 in 0 : vector<1x128xf32>, vector<1x128xf32> -> vector<2x128xf32>
    %eq3A = arith.constant 0 : i32
    %eq3A_28 = arith.cmpi eq, %arg0, %eq3A : i32
    %convert_element_type3A = arith.extui %eq3A_28 : i1 to i32
    %cond3A = arith.constant 0 : i32
    %cond3A_29 = arith.cmpi ne, %convert_element_type3A, %cond3A : i32
    scf.if %cond3A_29 {
      %swap3A_34 = arith.constant 0 : index
      %swap3A_35 = arith.constant 0 : index
      %swap3A_36 = vector.load %arg6[%swap3A_34, %swap3A_35] : memref<2x128xf32, #tpu.memory_space<vmem>>, vector<2x128xf32>
      tpu.vector_store %arg6[%swap3A_34, %swap3A_35], %concatenate3A_27 {strides = array<i32>} : memref<2x128xf32, #tpu.memory_space<vmem>>, vector<2x128xf32>,
    } else {
    }
    %gt3A = arith.constant 0 : i32
    %gt3A_30 = arith.cmpi sgt, %arg0, %gt3A : i32
    %convert_element_type3A_31 = arith.extui %gt3A_30 : i1 to i32
    %cond3A_32 = arith.constant 0 : i32
    %cond3A_33 = arith.cmpi ne, %convert_element_type3A_31, %cond3A_32 : i32
    scf.if %cond3A_33 {
      %get3A_34 = arith.constant 0 : index
      %get3A_35 = arith.constant 0 : index
      %get3A_36 = vector.load %arg6[%get3A_34, %get3A_35] : memref<2x128xf32, #tpu.memory_space<vmem>>, vector<2x128xf32>
      %add3A_37 = arith.addf %get3A_36, %concatenate3A_27 : vector<2x128xf32>
      %swap3A_38 = arith.constant 0 : index
      %swap3A_39 = arith.constant 0 : index
      %swap3A_40 = vector.load %arg6[%swap3A_38, %swap3A_39] : memref<2x128xf32, #tpu.memory_space<vmem>>, vector<2x128xf32>
      tpu.vector_store %arg6[%swap3A_38, %swap3A_39], %add3A_37 {strides = array<i32>} : memref<2x128xf32, #tpu.memory_space<vmem>>, vector<2x128xf32>,
    } else {
    }
    return
  }
  func.func @transform_0(%arg0: i32) -> (i32, i32, i32) {
    %c0_i32 = arith.constant 0 : i32
    %c0_i32_0 = arith.constant 0 : i32
    %c0_i32_1 = arith.constant 0 : i32
    return %c0_i32, %arg0, %c0_i32_0 : i32, i32, i32
  }
  func.func @transform_1(%arg0: i32) -> (i32, i32) {
    %c0_i32 = arith.constant 0 : i32
    %c0_i32_0 = arith.constant 0 : i32
    return %arg0, %c0_i32 : i32, i32
  }
  func.func @transform_2(%arg0: i32) -> (i32, i32) {
    %c0_i32 = arith.constant 0 : i32
    %c0_i32_0 = arith.constant 0 : i32
    return %arg0, %c0_i32 : i32, i32
  }
  func.func @transform_3(%arg0: i32) -> (i32, i32) {
    %c0_i32 = arith.constant 0 : i32
    %c0_i32_0 = arith.constant 0 : i32
    %c0_i32_1 = arith.constant 0 : i32
    return %c0_i32, %c0_i32_0 : i32, i32
  }
  func.func @transform_4(%arg0: i32) -> (i32, i32) {
    %c0_i32 = arith.constant 0 : i32
    %c0_i32_0 = arith.constant 0 : i32
    return %arg0, %c0_i32 : i32, i32
  }
  func.func @transform_5(%arg0: i32) -> (i32, i32) {
    %c0_i32 = arith.constant 0 : i32
    %c0_i32_0 = arith.constant 0 : i32
    %c0_i32_1 = arith.constant 0 : i32
    return %c0_i32, %c0_i32_0 : i32, i32
  }
}

module attributes {stable_mosaic.version = 14 : i64} {
  func.func @body(%arg0: i32, %arg1: memref<1000x128xf32, #tpu.memory_space<vmem>>, %arg2: memref<2x128xf32, #tpu.memory_space<vmem>>, %arg3: memref<1000x128xf32, #tpu.memory_space<vmem>>, %arg4: memref<1x128xf32, #tpu.memory_space<vmem>>, %arg5: memref<1x128xf32, #tpu.memory_space<vmem>>, %arg6: memref<1x128xf32, #tpu.memory_space<vmem>>, %arg7: memref<128x256xf32, #tpu.memory_space<vmem>>, %arg8: memref<1x256xf32, #tpu.memory_space<vmem>>, %arg9: memref<1x256xf32, #tpu.memory_space<vmem>>, %arg10: memref<1x256xf32, #tpu.memory_space<vmem>>, %arg11: memref<1000x256xf32, #tpu.memory_space<vmem>>) attributes {dimension_semantics = [#tpu.dimension_semantics<arbitrary>], iteration_bounds = array<i64: 10>, scalar_prefetch = 0 : i64, scratch_operands = 0 : i64, tpu.core_type = #tpu.core_type<tc>, window_params = [{transform_indices = @transform_0, window_bounds = array<i64: 1000, 128>}, {pipeline_mode = #tpu.pipeline_mode<synchronous>, transform_indices = @transform_1, window_bounds = array<i64: 2, 128>}, {transform_indices = @transform_2, window_bounds = array<i64: 1000, 128>}, {pipeline_mode = #tpu.pipeline_mode<synchronous>, transform_indices = @transform_3, window_bounds = array<i64: 1, 128>}, {pipeline_mode = #tpu.pipeline_mode<synchronous>, transform_indices = @transform_4, window_bounds = array<i64: 1, 128>}, {pipeline_mode = #tpu.pipeline_mode<synchronous>, transform_indices = @transform_5, window_bounds = array<i64: 1, 128>}, {pipeline_mode = #tpu.pipeline_mode<synchronous>, transform_indices = @transform_6, window_bounds = array<i64: 128, 256>}, {pipeline_mode = #tpu.pipeline_mode<synchronous>, transform_indices = @transform_7, window_bounds = array<i64: 1, 256>}, {pipeline_mode = #tpu.pipeline_mode<synchronous>, transform_indices = @transform_8, window_bounds = array<i64: 1, 256>}, {pipeline_mode = #tpu.pipeline_mode<synchronous>, transform_indices = @transform_9, window_bounds = array<i64: 1, 256>}, {transform_indices = @transform_10, window_bounds = array<i64: 1000, 256>}]} {
    %get3A = arith.constant 0 : index
    %get3A_0 = arith.constant 0 : index
    %get3A_1 = vector.load %arg2[%get3A, %get3A_0] : memref<2x128xf32, #tpu.memory_space<vmem>>, vector<2x128xf32>
    %slice3A = vector.extract_strided_slice %get3A_1 {offsets = [0, 0], sizes = [1, 128], strides = [1, 1]} : vector<2x128xf32> to vector<1x128xf32>
    %div3A = arith.constant 1.000000e+04 : f32
    %div3A_2 = vector.broadcast %div3A : f32 to vector<1x128xf32>
    %div3A_3 = arith.divf %slice3A, %div3A_2 : vector<1x128xf32>
    %get3A_4 = arith.constant 0 : index
    %get3A_5 = arith.constant 0 : index
    %get3A_6 = vector.load %arg6[%get3A_4, %get3A_5] : memref<1x128xf32, #tpu.memory_space<vmem>>, vector<1x128xf32>
    %mul3A = arith.mulf %get3A_6, %div3A_3 : vector<1x128xf32>
    %slice3A_7 = vector.extract_strided_slice %get3A_1 {offsets = [1, 0], sizes = [1, 128], strides = [1, 1]} : vector<2x128xf32> to vector<1x128xf32>
    %div3A_8 = arith.constant 1.000000e+04 : f32
    %div3A_9 = vector.broadcast %div3A_8 : f32 to vector<1x128xf32>
    %div3A_10 = arith.divf %slice3A_7, %div3A_9 : vector<1x128xf32>
    %mul3A_11 = arith.constant 2.000000e+00 : f32
    %mul3A_12 = vector.broadcast %mul3A_11 : f32 to vector<1x128xf32>
    %mul3A_13 = arith.mulf %mul3A_12, %mul3A : vector<1x128xf32>
    %mul3A_14 = arith.mulf %mul3A_13, %div3A_3 : vector<1x128xf32>
    %sub3A = arith.subf %div3A_10, %mul3A_14 : vector<1x128xf32>
    %mul3A_15 = arith.mulf %mul3A, %mul3A : vector<1x128xf32>
    %add3A = arith.addf %sub3A, %mul3A_15 : vector<1x128xf32>
    %get3A_16 = arith.constant 0 : index
    %get3A_17 = arith.constant 0 : index
    %get3A_18 = vector.load %arg1[%get3A_16, %get3A_17] : memref<1000x128xf32, #tpu.memory_space<vmem>>, vector<1000x128xf32>
    %sub3A_19 = vector.broadcast %mul3A : vector<1x128xf32> to vector<1000x128xf32>
    %sub3A_20 = arith.subf %get3A_18, %sub3A_19 : vector<1000x128xf32>
    %add3A_21 = arith.constant 9.99999974E-6 : f32
    %add3A_22 = vector.broadcast %add3A_21 : f32 to vector<1x128xf32>
    %add3A_23 = arith.addf %add3A, %add3A_22 : vector<1x128xf32>
    %rsqrt3A = math.rsqrt %add3A_23 : vector<1x128xf32>
    %mul3A_24 = vector.broadcast %rsqrt3A : vector<1x128xf32> to vector<1000x128xf32>
    %mul3A_25 = arith.mulf %sub3A_20, %mul3A_24 : vector<1000x128xf32>
    %get3A_26 = arith.constant 0 : index
    %get3A_27 = arith.constant 0 : index
    %get3A_28 = vector.load %arg4[%get3A_26, %get3A_27] : memref<1x128xf32, #tpu.memory_space<vmem>>, vector<1x128xf32>
    %mul3A_29 = vector.broadcast %get3A_28 : vector<1x128xf32> to vector<1000x128xf32>
    %mul3A_30 = arith.mulf %mul3A_25, %mul3A_29 : vector<1000x128xf32>
    %get3A_31 = arith.constant 0 : index
    %get3A_32 = arith.constant 0 : index
    %get3A_33 = vector.load %arg5[%get3A_31, %get3A_32] : memref<1x128xf32, #tpu.memory_space<vmem>>, vector<1x128xf32>
    %add3A_34 = vector.broadcast %get3A_33 : vector<1x128xf32> to vector<1000x128xf32>
    %add3A_35 = arith.addf %mul3A_30, %add3A_34 : vector<1000x128xf32>
    %max3A = arith.constant 0.000000e+00 : f32
    %max3A_36 = vector.broadcast %max3A : f32 to vector<1000x128xf32>
    %max3A_37 = arith.maximumf %add3A_35, %max3A_36 : vector<1000x128xf32>
    %get3A_38 = arith.constant 0 : index
    %get3A_39 = arith.constant 0 : index
    %get3A_40 = vector.load %arg3[%get3A_38, %get3A_39] : memref<1000x128xf32, #tpu.memory_space<vmem>>, vector<1000x128xf32>
    %add3A_41 = arith.addf %max3A_37, %get3A_40 : vector<1000x128xf32>
    %get3A_42 = arith.constant 0 : index
    %get3A_43 = arith.constant 0 : index
    %get3A_44 = vector.load %arg7[%get3A_42, %get3A_43] : memref<128x256xf32, #tpu.memory_space<vmem>>, vector<128x256xf32>
    %dot_general3A = arith.constant dense<0.000000e+00> : vector<1000x256xf32>
    %dot_general3A_45 = tpu.matmul %add3A_41, %get3A_44, %dot_general3A {dimension_numbers = #tpu.dot_dimension_numbers<[1], [0], [0], [1], [0, 0, 1, 1], [], []>, transpose_lhs_hint = false} : vector<1000x128xf32>, vector<128x256xf32>, vector<1000x256xf32> -> vector<1000x256xf32>
    %get3A_46 = arith.constant 0 : index
    %get3A_47 = arith.constant 0 : index
    %get3A_48 = vector.load %arg8[%get3A_46, %get3A_47] : memref<1x256xf32, #tpu.memory_space<vmem>>, vector<1x256xf32>
    %add3A_49 = vector.broadcast %get3A_48 : vector<1x256xf32> to vector<1000x256xf32>
    %add3A_50 = arith.addf %dot_general3A_45, %add3A_49 : vector<1000x256xf32>
    %reduce_sum3A = arith.constant dense<0.000000e+00> : vector<1000xf32>
    %reduce_sum3A_51 = vector.multi_reduction <add>, %add3A_50, %reduce_sum3A [1] : vector<1000x256xf32> to vector<1000xf32>
    %broadcast_in_dim3A = vector.shape_cast %reduce_sum3A_51 : vector<1000xf32> to vector<1000x1xf32>
    %div3A_52 = arith.constant 2.560000e+02 : f32
    %div3A_53 = vector.broadcast %div3A_52 : f32 to vector<1000x1xf32>
    %div3A_54 = arith.divf %broadcast_in_dim3A, %div3A_53 : vector<1000x1xf32>
    %sub3A_55 = vector.broadcast %div3A_54 : vector<1000x1xf32> to vector<1000x256xf32>
    %sub3A_56 = arith.subf %add3A_50, %sub3A_55 : vector<1000x256xf32>
    %integer_pow3A = arith.mulf %sub3A_56, %sub3A_56 : vector<1000x256xf32>
    %reduce_sum3A_57 = arith.constant dense<0.000000e+00> : vector<1000xf32>
    %reduce_sum3A_58 = vector.multi_reduction <add>, %integer_pow3A, %reduce_sum3A_57 [1] : vector<1000x256xf32> to vector<1000xf32>
    %broadcast_in_dim3A_59 = vector.shape_cast %reduce_sum3A_58 : vector<1000xf32> to vector<1000x1xf32>
    %div3A_60 = arith.constant 2.560000e+02 : f32
    %div3A_61 = vector.broadcast %div3A_60 : f32 to vector<1000x1xf32>
    %div3A_62 = arith.divf %broadcast_in_dim3A_59, %div3A_61 : vector<1000x1xf32>
    %sub3A_63 = vector.broadcast %div3A_54 : vector<1000x1xf32> to vector<1000x256xf32>
    %sub3A_64 = arith.subf %add3A_50, %sub3A_63 : vector<1000x256xf32>
    %add3A_65 = arith.constant 9.99999974E-6 : f32
    %add3A_66 = vector.broadcast %add3A_65 : f32 to vector<1000x1xf32>
    %add3A_67 = arith.addf %div3A_62, %add3A_66 : vector<1000x1xf32>
    %rsqrt3A_68 = math.rsqrt %add3A_67 : vector<1000x1xf32>
    %mul3A_69 = vector.broadcast %rsqrt3A_68 : vector<1000x1xf32> to vector<1000x256xf32>
    %mul3A_70 = arith.mulf %sub3A_64, %mul3A_69 : vector<1000x256xf32>
    %get3A_71 = arith.constant 0 : index
    %get3A_72 = arith.constant 0 : index
    %get3A_73 = vector.load %arg9[%get3A_71, %get3A_72] : memref<1x256xf32, #tpu.memory_space<vmem>>, vector<1x256xf32>
    %mul3A_74 = vector.broadcast %get3A_73 : vector<1x256xf32> to vector<1000x256xf32>
    %mul3A_75 = arith.mulf %mul3A_70, %mul3A_74 : vector<1000x256xf32>
    %get3A_76 = arith.constant 0 : index
    %get3A_77 = arith.constant 0 : index
    %get3A_78 = vector.load %arg10[%get3A_76, %get3A_77] : memref<1x256xf32, #tpu.memory_space<vmem>>, vector<1x256xf32>
    %add3A_79 = vector.broadcast %get3A_78 : vector<1x256xf32> to vector<1000x256xf32>
    %add3A_80 = arith.addf %mul3A_75, %add3A_79 : vector<1000x256xf32>
    %mul3A_81 = arith.mulf %add3A_80, %add3A_80 : vector<1000x256xf32>
    %reduce_sum3A_82 = arith.constant dense<0.000000e+00> : vector<1000xf32>
    %reduce_sum3A_83 = vector.multi_reduction <add>, %mul3A_81, %reduce_sum3A_82 [1] : vector<1000x256xf32> to vector<1000xf32>
    %broadcast_in_dim3A_84 = vector.shape_cast %reduce_sum3A_83 : vector<1000xf32> to vector<1000x1xf32>
    %sqrt3A = math.sqrt %broadcast_in_dim3A_84 : vector<1000x1xf32>
    %max3A_85 = arith.constant 9.99999996E-13 : f32
    %max3A_86 = vector.broadcast %max3A_85 : f32 to vector<1000x1xf32>
    %max3A_87 = arith.maximumf %sqrt3A, %max3A_86 : vector<1000x1xf32>
    %div3A_88 = vector.broadcast %max3A_87 : vector<1000x1xf32> to vector<1000x256xf32>
    %div3A_89 = arith.divf %add3A_80, %div3A_88 : vector<1000x256xf32>
    %swap3A = arith.constant 0 : index
    %swap3A_90 = arith.constant 0 : index
    %swap3A_91 = vector.load %arg11[%swap3A, %swap3A_90] : memref<1000x256xf32, #tpu.memory_space<vmem>>, vector<1000x256xf32>
    tpu.vector_store %arg11[%swap3A, %swap3A_90], %div3A_89 {strides = array<i32>} : memref<1000x256xf32, #tpu.memory_space<vmem>>, vector<1000x256xf32>,
    return
  }
  func.func @transform_0(%arg0: i32) -> (i32, i32) {
    %c0_i32 = arith.constant 0 : i32
    %c0_i32_0 = arith.constant 0 : i32
    return %arg0, %c0_i32 : i32, i32
  }
  func.func @transform_1(%arg0: i32) -> (i32, i32) {
    %c0_i32 = arith.constant 0 : i32
    %c0_i32_0 = arith.constant 0 : i32
    %c0_i32_1 = arith.constant 0 : i32
    return %c0_i32, %c0_i32_0 : i32, i32
  }
  func.func @transform_2(%arg0: i32) -> (i32, i32) {
    %c0_i32 = arith.constant 0 : i32
    %c0_i32_0 = arith.constant 0 : i32
    return %arg0, %c0_i32 : i32, i32
  }
  func.func @transform_3(%arg0: i32) -> (i32, i32) {
    %c0_i32 = arith.constant 0 : i32
    %c0_i32_0 = arith.constant 0 : i32
    %c0_i32_1 = arith.constant 0 : i32
    return %c0_i32, %c0_i32_0 : i32, i32
  }
  func.func @transform_4(%arg0: i32) -> (i32, i32) {
    %c0_i32 = arith.constant 0 : i32
    %c0_i32_0 = arith.constant 0 : i32
    %c0_i32_1 = arith.constant 0 : i32
    return %c0_i32, %c0_i32_0 : i32, i32
  }
  func.func @transform_5(%arg0: i32) -> (i32, i32) {
    %c0_i32 = arith.constant 0 : i32
    %c0_i32_0 = arith.constant 0 : i32
    %c0_i32_1 = arith.constant 0 : i32
    return %c0_i32, %c0_i32_0 : i32, i32
  }
  func.func @transform_6(%arg0: i32) -> (i32, i32) {
    %c0_i32 = arith.constant 0 : i32
    %c0_i32_0 = arith.constant 0 : i32
    %c0_i32_1 = arith.constant 0 : i32
    return %c0_i32, %c0_i32_0 : i32, i32
  }
  func.func @transform_7(%arg0: i32) -> (i32, i32) {
    %c0_i32 = arith.constant 0 : i32
    %c0_i32_0 = arith.constant 0 : i32
    %c0_i32_1 = arith.constant 0 : i32
    return %c0_i32, %c0_i32_0 : i32, i32
  }
  func.func @transform_8(%arg0: i32) -> (i32, i32) {
    %c0_i32 = arith.constant 0 : i32
    %c0_i32_0 = arith.constant 0 : i32
    %c0_i32_1 = arith.constant 0 : i32
    return %c0_i32, %c0_i32_0 : i32, i32
  }
  func.func @transform_9(%arg0: i32) -> (i32, i32) {
    %c0_i32 = arith.constant 0 : i32
    %c0_i32_0 = arith.constant 0 : i32
    %c0_i32_1 = arith.constant 0 : i32
    return %c0_i32, %c0_i32_0 : i32, i32
  }
  func.func @transform_10(%arg0: i32) -> (i32, i32) {
    %c0_i32 = arith.constant 0 : i32
    %c0_i32_0 = arith.constant 0 : i32
    return %arg0, %c0_i32 : i32, i32
  }
}

</mosaic_0001>

<sc_bundles>
// kernel: kernel.11.cloned.1.call-start
scs
__scs_entry_jumppad:
0x0: {  	(pc) =	sbr.rel $0x88, $3  }
0x1: {  	(tag) =	ssettag $0x0;
	lr =	simm.s32 $0x1  }
0x2: {  	[smem:$0x3F92] =	sst lr;
	_ =	strace $0xD0000000  }
0x3: {  	_ = 	snop  }
0x4: {  	_ = 	snop  }
0x5: {  	_ = 	snop  }
0x6: {  	_ = 	snop  }
0x7: {  	_ = 	snop  }
__scs_overlays_trampoline_lowered:
0x8: {  	[smem:$0x3FA1] =	sst s0  }
0x9: {  	[smem:$0x3FA2] =	sst s1  }
0xa: {  	[smem:$0x3FA3] =	sst s2  }
0xb: {  	[smem:$0x3FA4] =	sst s3  }
0xc: {  	[smem:$0x3FA5] =	sst s4  }
0xd: {  	[smem:$0x3FA6] =	sst s5  }
0xe: {  	[smem:$0x3FA7] =	sst s6  }
0xf: {  	[smem:$0x3FA8] =	sst s7  }
0x10: {  	[smem:$0x3FA9] =	sst s8  }
0x11: {  	[smem:$0x3FAA] =	sst s9;
	s0 =	simm.s32 @!p0 $0x0  }
0x12: {  	s1 =	sld [smem:$0x3F90];
	s0 =	simm.s32 @p0 $0x1  }
0x13: {  	[smem:$0x3FAB] =	sst s0;
	s0 =	simm.s32 @!p1 $0x0  }
0x14: {  	s2 =	sld [smem:$0x3F8F];
	s0 =	simm.s32 @p1 $0x1  }
0x15: {  	[smem:$0x3FAC] =	sst s0;
	s0 =	simm.s32 @!p2 $0x0  }
0x16: {  	s3 =	sld [smem:$0x3FDB];
	s0 =	simm.s32 @p2 $0x1  }
0x17: {  	s4 =	simm.s32 $0x1BF5;
	[smem:$0x3FAE] =	sst s0  }
0x18: {  	s0 =	sld [smem:$0x3F91];
	_ =	swait.ge [sflag:s4], $0x0  }
0x19: {  	s7 =	sld [smem:$0x3F92]  }
0x1a: {  	s8 =	sadd.s32 $0xFFFFE003, lr  }
0x1b: {  	s9 =	sadd.s32 $0xFFFFFEF7, lr;
	s5 =	simm.s32 $0xFFFFFFFF;
	p2 =	slt.u32 s8, $0xFFFFF086  }
0x1c: {  	p1 =	slt.u32 s9, $0xF7A;
	s5 =	simm.s32 @!p2 $0x0  }
0x1d: {  	s5 =	simm.s32 @p1 $0x1;
	p0 =	seq.s32 s7, s2  }
0x1e: {  	s7 =	smul.u32 @!p0 $0xF7A, s2;
	p2 =	seq.s32 @!p0 s5, $0x0  }
0x1f: {  	s9 =	smul.u32 $0xF7A, s1;
	s8 =	simm.s32 @!p0 $0x1BF5;
	p2 =	por !p2, p0  }
0x20: {  	[sflag:s8] =	ssyncset.s32 @!p0 $0xFFFFF086;
	s6 =	sadd.s32 @!p0 s3, s7;
	s7 =	simm.s32 @!p0 $0x108  }
0x21: {  	s3 =	sadd.s32 s3, s9;
	s6 =	sadd.s32 @!p0 $0x88, s6;
	s7 =	simm.s32 @p2 $0x1082  }
0x22: {  	[simem:s7], [sflag:s8] =	dma.local @!p0 [hbm:s6], $0xF7A  }
0x23: {  	s9 =	sor.u32 $0xD0000000, s2;
	s6 =	simm.s32 $0x108;
	_ =	swait.ge @!p0 [sflag:s8], $0x0  }
0x24: {  	s3 =	sadd.s32 $0x88, s3;
	s6 =	simm.s32 @!p1 $0x1082;
	[sflag:s4] =	ssyncset.s32 $0xFFFFF086  }
0x25: {  	[simem:s6], [sflag:s4] =	dma.local [hbm:s3], $0xF7A  }
0x26: {  	[smem:$0x3F92] =	sst s1;
	(tag) =	ssettag s2;
	_ =	strace s9  }
0x27: {  	s1 =	sld [smem:$0x3FA2]  }
0x28: {  	s2 =	sld [smem:$0x3FA3]  }
0x29: {  	s4 =	sld [smem:$0x3FA5]  }
0x2a: {  	p0 =	seq.s32 s5, $0x0;
	s5 =	sld [smem:$0x3FA6]  }
0x2b: {  	s6 =	sld [smem:$0x3FA7]  }
0x2c: {  	s7 =	sld [smem:$0x3FA8]  }
0x2d: {  	s3 =	simm.s32 $0x108;
	s8 =	sld [smem:$0x3FA9]  }
0x2e: {  	s3 =	simm.s32 @!p0 $0x1082;
	s9 =	sld [smem:$0x3FAA]  }
0x2f: {  	lr =	sadd.s32 s0, s3;
	s0 =	sld [smem:$0x3FA1]  }
0x30: {  	s3 =	sld [smem:$0x3FA4]  }
0x31: {  	[smem:$0x3FAD] =	sst s10  }
0x32: {  	s10 =	sld [smem:$0x3FAB];
	_ =	sdelay $0x3  }
0x33: {  	p0 =	seq.s32 s10, $0x1;
	s10 =	sld [smem:$0x3FAD];
	_ =	sdelay $0x3  }
0x34: {  	[smem:$0x3FAD] =	sst s10  }
0x35: {  	s10 =	sld [smem:$0x3FAC];
	_ =	sdelay $0x3  }
0x36: {  	p1 =	seq.s32 s10, $0x1;
	s10 =	sld [smem:$0x3FAD];
	_ =	sdelay $0x3  }
0x37: {  	[smem:$0x3FAD] =	sst s10  }
0x38: {  	s10 =	sld [smem:$0x3FAE]  }
0x39: {  	_ = 	snop;
	(pc) =	sbr.ind lr, $3  }
0x3a: {  	_ = 	snop  }
0x3b: {  	_ = 	snop  }
0x3c: {  	p2 =	seq.s32 s10, $0x1;
	s10 =	sld [smem:$0x3FAD]  }
0x3d: {  	_ =	shalt  }
0x3e: {  	_ =	shalt  }
0x3f: {  	_ =	shalt  }
0x40: {  	_ =	shalt  }
0x41: {  	_ =	shalt  }
0x42: {  	_ =	shalt  }
0x43: {  	_ =	shalt  }
0x44: {  	_ =	shalt  }
0x45: {  	_ =	shalt  }
0x46: {  	_ =	shalt  }
0x47: {  	_ =	shalt  }
0x48: {  	_ =	shalt  }
0x49: {  	_ =	shalt  }
0x4a: {  	_ =	shalt  }
0x4b: {  	_ =	shalt  }
0x4c: {  	_ =	shalt  }
0x4d: {  	_ =	shalt  }
0x4e: {  	_ =	shalt  }
0x4f: {  	_ =	shalt  }
0x50: {  	_ =	shalt  }
0x51: {  	_ =	shalt  }
0x52: {  	_ =	shalt  }
0x53: {  	_ =	shalt  }
0x54: {  	_ =	shalt  }
0x55: {  	_ =	shalt  }
0x56: {  	_ =	shalt  }
0x57: {  	_ =	shalt  }
0x58: {  	_ =	shalt  }
0x59: {  	_ =	shalt  }
0x5a: {  	_ =	shalt  }
0x5b: {  	_ =	shalt  }
0x5c: {  	_ =	shalt  }
0x5d: {  	_ =	shalt  }
0x5e: {  	_ =	shalt  }
0x5f: {  	_ =	shalt  }
0x60: {  	_ =	shalt  }
0x61: {  	_ =	shalt  }
0x62: {  	_ =	shalt  }
0x63: {  	_ =	shalt  }
0x64: {  	_ =	shalt  }
0x65: {  	_ =	shalt  }
0x66: {  	_ =	shalt  }
0x67: {  	_ =	shalt  }
0x68: {  	_ =	shalt  }
0x69: {  	_ =	shalt  }
0x6a: {  	_ =	shalt  }
0x6b: {  	_ =	shalt  }
0x6c: {  	_ =	shalt  }
0x6d: {  	_ =	shalt  }
0x6e: {  	_ =	shalt  }
0x6f: {  	_ =	shalt  }
0x70: {  	_ =	shalt  }
0x71: {  	_ =	shalt  }
0x72: {  	_ =	shalt  }
0x73: {  	_ =	shalt  }
0x74: {  	_ =	shalt  }
0x75: {  	_ =	shalt  }
0x76: {  	_ =	shalt  }
0x77: {  	_ =	shalt  }
0x78: {  	_ =	shalt  }
0x79: {  	_ =	shalt  }
0x7a: {  	_ =	shalt  }
0x7b: {  	_ =	shalt  }
0x7c: {  	_ =	shalt  }
0x7d: {  	_ =	shalt  }
0x7e: {  	_ =	shalt  }
0x7f: {  	_ =	shalt  }
0x80: {  	_ =	shalt  }
0x81: {  	_ =	shalt  }
0x82: {  	_ =	shalt  }
0x83: {  	_ =	shalt  }
0x84: {  	_ =	shalt  }
0x85: {  	_ =	shalt  }
0x86: {  	_ =	shalt  }
0x87: {  	_ =	shalt  }
.Lfunc_end0:
.L_simem_size_0:
called_computation.1_lowered:
.L_overlay_start_0:
0x88: {  	s2 =	sld [smem:$0x3FD9]  }
0x89: {  	s3 =	sld [smem:$0x3FFE];
	_ =	sdelay $0x1  }
0x8a: {  	s1 =	srdreg.scid  }
0x8b: {  	s0 =	sand.u32 $0x1, s1  }
0x8c: {  	s17 =	sshll.u32 s0, $0xA;
	s2 =	sadd.s32 s3, s2  }
0x8d: {  	s2 =	sadd.s32 s2, s17  }
0x8e: {  	[smem:$0x3FB9] =	sst s2  }
0x8f: {  	_ = 	snop  }
0x90: {  	s2 =	sld [smem:$0x3FD0];
	(tm) =	ssettm $0x1  }
0x91: {  	s18 =	sld [smem:$0x3FFB];
	_ =	sdelay $0x3  }
0x92: {  	_ =	strace s18  }
0x93: {  	s3 =	sld [smem:$0x3FFC];
	_ =	sdelay $0x3  }
0x94: {  	_ =	strace s3  }
0x95: {  	s3 =	sld [smem:$0x3FFD];
	_ =	sdelay $0x3  }
0x96: {  	_ =	strace s3  }
0x97: {  	_ =	strace $0x8FFFFFFF  }
0x98: {  	s19 =	sld [smem:$0x3FDB];
	_ =	sdelay $0x1  }
0x99: {  	s4 =	simm.s32 $_scs_section_size  }
0x9a: {  	s5 =	simm.s32 $_size__tile_overlayer_lowered;
	s6 =	simm.s32 $_tile_overlayer_lowered  }
0x9b: {  	s22 =	simm.s32 $0x1BFF;
	s21 =	sshll.u32 s6, $0x1;
	s3 =	sadd.s32 s4, s19  }
0x9c: {  	s7 =	simm.s32 $0x0;
	s20 =	sshll.u32 s5, $0x1;
	s5 =	sadd.s32 s21, s3  }
0x9d: {  	[timem:s7], [sflag:s22] =	dma.local [hbm:s5], s20  }
0x9e: {  	_ =	swait.ge [sflag:s22], s20  }
0x9f: {  	s4 =	ssub.s32 $0x0, s20;
	[sflag:s22] =	ssyncset.done $0x0  }
0xa0: {  	[sflag:s22] =	ssyncadd.s32 s4;
	_ =	sdelay $0x1  }
0xa1: {  	s23 =	simm.s32 $0x1B8B  }
0xa2: {  	_ =	swait.ge [sflag:s23], $0x1  }
0xa3: {  	[sflag:s23] =	ssyncset.done $0x0  }
0xa4: {  	s25 =	simm.s32 $0x1B8E;
	s24 =	sld [smem:$0x3FFE];
	[sflag:s23] =	ssyncadd.s32 $0xFFFFFFFF  }
0xa5: {  	s26 =	simm.s32 $execute0_lowered;
	[smem:$0x3FD2] =	sst s25  }
0xa6: {  	s5 =	sshll.u32 s26, $0x1;
	_ =	strace $0x80000049;
	[dreg:$0x1] =	wrdreg $0xFFFFFFFF  }
0xa7: {  	s28 =	simm.s32 $_size_execute0_lowered;
	s3 =	sadd.s32 s3, s5;
	[dreg:$0x0] =	wrdreg $0x0  }
0xa8: {  	s5 =	sshll.u32 s28, $0x1;
	[dreg:$0x2] =	wrdreg s3  }
0xa9: {  	[dreg:$0x3] =	wrdreg s5  }
0xaa: {  	[dreg:$0x4] =	wrdreg $0xC0  }
0xab: {  	_ =	task [dreg:s7], $0x5FFFF  }
0xac: {  	[dreg:$0x1] =	wrdreg $0xFFFFFFFF  }
0xad: {  	[dreg:$0x0] =	wrdreg $0x60  }
0xae: {  	[dreg:$0x2] =	wrdreg s2  }
0xaf: {  	[dreg:$0x3] =	wrdreg s24  }
0xb0: {  	[dreg:$0x4] =	wrdreg $0x84000  }
0xb1: {  	[dreg:$0x5] =	wrdreg $0x124000  }
0xb2: {  	[dreg:$0x6] =	wrdreg $0x9  }
0xb3: {  	_ =	task.clear_ibuf [dreg:s7], $0x7FFFF;
	_ =	strace $0x90000049  }
0xb4: {  	s29 =	simm.s32 $0x9;
	_ =	strace $0x8000004B  }
0xb5: {  	_ =	swait.ge [sflag:s29], $0x1  }
0xb6: {  	[sflag:s29] =	ssyncadd.s32 $0xFFFFFFFF  }
0xb7: {  	_ =	strace $0x9000004B  }
0xb8: {  	_ =	sfence  }
0xb9: {  	s30 =	sld [smem:$0x0];
	_ =	sdelay $0x2  }
0xba: {  	s31 =	sshll.u32 s1, $0xD;
	s1 =	sshrl.u32 s1, $0x2  }
0xbb: {  	s3 =	sand.u32 $0x4000, s31;
	s1 =	sadd.s32 s1, s30  }
0xbc: {  	s0 =	sor.u32 s3, s0;
	s1 =	sshll.u32 s1, $0x11  }
0xbd: {  	s0 =	sor.u32 s1, s0  }
0xbe: {  	s0 =	sadd.s32 $0x8F2B, s0  }
0xbf: {  	[sflag:s0] =	ssyncadd.remote.s32 $0x1  }
0xc0: {  	_ =	sfence.sel $0xFFFF  }
0xc1: {  	[dreg:$0x0] =	wrdreg $0xFFFFFFFF;
	(pc) =	sbr.abs _section_cstart, $3  }
0xc2: {  	[dreg:$0x1] =	wrdreg $0xFFFFFFFF  }
0xc3: {  	_ =	task.clear_ibuf [dreg:s7], $0x2FFFF;
	_ =	strace $0x9FFFFFFF  }
0xc4: {  	(tm) =	ssettm $0x7FFFFFFF  }
0xc5: {  	_ =	shalt  }
tec
execute0_lowered:
.L_overlay_start_1:
0x0: {  	(tag) =	ssettag $0x1  }
0x1: {  	s0 =	rddreg [dreg:$0x0]  }
0x2: {  	s1 =	rddreg [dreg:$0x1]  }
0x3: {  	s2 =	rddreg [dreg:$0x2]  }
0x4: {  	s3 =	rddreg [dreg:$0x3];
	s4 =	simm.s32 $0x0;
	s9 =	stileid.u32  }
0x5: {  	s5 =	srdreg.scid;
	s28 =	simm.s32 $0x100;
	s29 =	simm.s32 $0x200  }
0x6: {  	s30 =	simm.s32 $0x300;
	s31 =	simm.s32 $0x4;
	s6 =	smul.u32 $0x1400, s9  }
0x7: {  	[smem:$0x7FF] =	sst s4;
	s5 =	sand.u32 $0x1, s5;
	s9 =	smul.u32 $0xA000, s9  }
0x8: {  	_ =	strace $0x8000004A;
	s7 =	smul.u32 $0x14000, s5;
	s5 =	ssub.s32 $0x2, s5  }
0x9: {  	s6 =	sadd.s32 s6, s1;
	s15 =	sadd.s32 s9, s2;
	s13 =	sshrl.u32 s9, $0x3  }
0xa: {  	s14 =	sadd.s32 $0x2000, s9;
	s16 =	sadd.s32 $0x4000, s9;
	s21 =	sadd.s32 $0x6000, s9  }
0xb: {  	s11 =	sadd.s32 $0x8000, s9;
	s9 =	sadd.s32 s9, s3;
	[dreg:$0x5] =	wrdreg s13  }
0xc: {  	s8 =	sshrl.u32 s5, $0x1;
	s17 =	sadd.s32 s14, s2;
	[dreg:$0xe] =	wrdreg s9  }
0xd: {  	s1 =	sadd.s32 s7, s1;
	s18 =	sshrl.u32 s14, $0x3;
	[dreg:$0x6] =	wrdreg s17  }
0xe: {  	s10 =	ssub.s32 s5, s8;
	s19 =	sadd.s32 s16, s2;
	[dreg:$0x7] =	wrdreg s18  }
0xf: {  	s5 =	sadd.s32 s0, s7;
	s20 =	sshrl.u32 s16, $0x3;
	[dreg:$0x8] =	wrdreg s19  }
0x10: {  	s6 =	sadd.s32 $0x35400, s6;
	s12 =	sadd.s32 s21, s2;
	[dreg:$0x9] =	wrdreg s20  }
0x11: {  	s22 =	sshrl.u32 s21, $0x3;
	s23 =	sadd.s32 s11, s2;
	[dreg:$0xa] =	wrdreg s12  }
0x12: {  	s0 =	sadd.s32 s14, s3;
	s24 =	sadd.s32 s16, s3;
	[dreg:$0xb] =	wrdreg s22  }
0x13: {  	s25 =	sadd.s32 s21, s3;
	s26 =	sadd.s32 s11, s3;
	[dreg:$0xc] =	wrdreg s23  }
0x14: {  	s21 =	simm.s32 $0x4400;
	s7 =	simm.s32 $0x6400;
	[dreg:$0xf] =	wrdreg s0  }
0x15: {  	s9 =	simm.s32 $0x280;
	s8 =	sadd.s32 $0x49400, s1;
	[dreg:$0x10] =	wrdreg s24  }
0x16: {  	s17 =	sshrl.u32 s11, $0x3;
	s10 =	smax.u32 s10, $0x1;
	[dreg:$0x11] =	wrdreg s25  }
.Ltmp0:
0x17: {  	[dreg:$0x12] =	wrdreg s26;
	s24 =	simm.s32 $0x400;
	(pc) =	sbr.rel .LBB2_1-.Ltmp0, $4  }
0x18: {  	s25 =	simm.s32 $0x9;
	s26 =	simm.s32 $0x2400;
	s0 =	simm.s32 $0x80  }
0x19: {  	s1 =	simm.s32 $0x5;
	s18 =	simm.s32 $0x2;
	s19 =	simm.s32 $0x6  }
0x1a: {  	s20 =	simm.s32 $0x3;
	s22 =	simm.s32 $0x180;
	s23 =	simm.s32 $0x7  }
0x1b: {  	v0 =	vimm.f32 $0.0e+00;
	s11 =	simm.s32 $0x0;
	[dreg:$0xd] =	wrdreg s10;
	s10 =	simm.s32 $0x380  }
.LBB2_6:
0x1c: {  	[bflag:$0x0] =	sbarrier.arrive $0xFFFF  }
0x1d: {  	[tilespmem:s24], [sflag:$0x9] =	stream.linear.gather [spmem:s16], $0x2000, $0x38;
	[tilespmem:$0x1C400] =	vst v63  }
0x1e: {  	_ =	swait.ge [sflag:s25], $0x2000  }
0x1f: {  	[sflag:s25] =	ssyncset.done $0x0;
	s12 =	rddreg [dreg:$0x5]  }
0x20: {  	[sflag:s25] =	ssyncadd.s32 $0xFFFFE000;
	s12 =	sadd.s32 s12, s8  }
0x21: {  	[hbm4b:s12+s4] =	stream.linear.scatter [tilespmem:s24], [sflag:$0x9], $0x2000, $0x38;
	[tilespmem:$0x1C400] =	vst v63  }
0x22: {  	_ =	swait.ge [sflag:s25], $0x2000  }
0x23: {  	[sflag:s25] =	ssyncset.done $0x0  }
0x24: {  	s13 =	rddreg [dreg:$0x6];
	[sflag:s25] =	ssyncadd.s32 $0xFFFFE000  }
0x25: {  	[tilespmem:s24], [sflag:$0x9] =	stream.linear.gather [spmem:s13], $0x2000, $0x38;
	[tilespmem:$0x1C400] =	vst v63  }
0x26: {  	_ =	swait.ge [sflag:s25], $0x2000  }
0x27: {  	[sflag:s25] =	ssyncset.done $0x0;
	s14 =	rddreg [dreg:$0x7]  }
0x28: {  	[sflag:s25] =	ssyncadd.s32 $0xFFFFE000;
	s12 =	sadd.s32 s14, s8  }
0x29: {  	[hbm4b:s12+s4] =	stream.linear.scatter [tilespmem:s24], [sflag:$0x9], $0x2000, $0x38;
	[tilespmem:$0x1C400] =	vst v63  }
0x2a: {  	_ =	swait.ge [sflag:s25], $0x2000  }
0x2b: {  	[sflag:s25] =	ssyncset.done $0x0  }
0x2c: {  	s15 =	smov.u32 s16;
	s16 =	rddreg [dreg:$0x8];
	[sflag:s25] =	ssyncadd.s32 $0xFFFFE000  }
0x2d: {  	[tilespmem:s24], [sflag:$0x9] =	stream.linear.gather [spmem:s16], $0x2000, $0x38;
	[tilespmem:$0x1C400] =	vst v63  }
0x2e: {  	_ =	swait.ge [sflag:s25], $0x2000  }
0x2f: {  	[sflag:s25] =	ssyncset.done $0x0;
	s13 =	rddreg [dreg:$0x9]  }
0x30: {  	[sflag:s25] =	ssyncadd.s32 $0xFFFFE000;
	s12 =	sadd.s32 s13, s8  }
0x31: {  	[hbm4b:s12+s4] =	stream.linear.scatter [tilespmem:s24], [sflag:$0x9], $0x2000, $0x38;
	[tilespmem:$0x1C400] =	vst v63  }
0x32: {  	_ =	swait.ge [sflag:s25], $0x2000  }
0x33: {  	[sflag:s25] =	ssyncset.done $0x0  }
0x34: {  	s14 =	rddreg [dreg:$0xa];
	[sflag:s25] =	ssyncadd.s32 $0xFFFFE000  }
0x35: {  	[tilespmem:s24], [sflag:$0x9] =	stream.linear.gather [spmem:s14], $0x2000, $0x38;
	[tilespmem:$0x1C400] =	vst v63  }
0x36: {  	_ =	swait.ge [sflag:s25], $0x2000  }
0x37: {  	[sflag:s25] =	ssyncset.done $0x0;
	s16 =	rddreg [dreg:$0xb]  }
0x38: {  	[sflag:s25] =	ssyncadd.s32 $0xFFFFE000;
	s12 =	sadd.s32 s16, s8  }
0x39: {  	[hbm4b:s12+s4] =	stream.linear.scatter [tilespmem:s24], [sflag:$0x9], $0x2000, $0x38;
	[tilespmem:$0x1C400] =	vst v63  }
0x3a: {  	_ =	swait.ge [sflag:s25], $0x2000  }
0x3b: {  	[sflag:s25] =	ssyncset.done $0x0  }
0x3c: {  	s13 =	rddreg [dreg:$0xc];
	[sflag:s25] =	ssyncadd.s32 $0xFFFFE000  }
0x3d: {  	[tilespmem:s24], [sflag:$0x9] =	stream.linear.gather [spmem:s13], $0x2000, $0x38;
	[tilespmem:$0x1C400] =	vst v63  }
0x3e: {  	_ =	swait.ge [sflag:s25], $0x2000  }
0x3f: {  	[sflag:s25] =	ssyncset.done $0x0  }
0x40: {  	s14 =	sadd.s32 s17, s8;
	[sflag:s25] =	ssyncadd.s32 $0xFFFFE000  }
0x41: {  	[hbm4b:s14+s4] =	stream.linear.scatter [tilespmem:s24], [sflag:$0x9], $0x2000, $0x38;
	[tilespmem:$0x1C400] =	vst v63  }
0x42: {  	_ =	swait.ge [sflag:s25], $0x2000  }
0x43: {  	s11 =	sadd.s32 $0x1, s11;
	s16 =	rddreg [dreg:$0xd]  }
0x44: {  	p0 =	sne.s32 s11, s16  }
.Ltmp1:
0x45: {  	_ = 	snop;
	(pc) =	sbr.rel @!p0 .LBB2_7-.Ltmp1, $3  }
0x46: {  	_ =	sdelay $0x1  }
0x47: {  	[sflag:s25] =	ssyncset.done $0x0  }
0x48: {  	[sflag:s25] =	ssyncadd.s32 $0xFFFFE000  }
.LBB2_1:
0x49: {  	s13 =	simm.s32 $0x100;
	s12 =	simm.s32 $0x0  }
.LBB2_2:
0x4a: {  	p0 =	sne.s32 s13, $0x7F00;
	[tilespmem:s12+$0x430] =	vst v0;
	s14 =	smov.u32 s13;
	s13 =	sadd.s32 $0x100, s13  }
.Ltmp2:
0x4b: {  	[tilespmem:s12+$0x420] =	vst v0;
	(pc) =	sbr.rel @p0 .LBB2_2-.Ltmp2, $3  }
0x4c: {  	[tilespmem:s12+$0x400] =	vst v0  }
0x4d: {  	[tilespmem:s12+$0x410] =	vst v0;
	_ =	sdelay $0x1  }
0x4e: {  	s12 =	sshra.s32 s14, $0x2  }
0x4f: {  	[tilespmem:s12+$0x430] =	vst v0  }
0x50: {  	[tilespmem:s12+$0x420] =	vst v0  }
0x51: {  	[tilespmem:s12+$0x400] =	vst v0  }
0x52: {  	[tilespmem:s12+$0x410] =	vst v0  }
0x53: {  	[spmem:s15] =	stream.linear.scatter [tilespmem:s24], [sflag:$0x9], $0x2000, $0x38;
	[tilespmem:$0x1C400] =	vst v63  }
0x54: {  	_ =	swait.ge [sflag:s25], $0x2000  }
0x55: {  	[sflag:s25] =	ssyncset.done $0x0;
	s13 =	rddreg [dreg:$0x5]  }
0x56: {  	[sflag:s25] =	ssyncadd.s32 $0xFFFFE000;
	s12 =	sadd.s32 s13, s5  }
0x57: {  	[tilespmem:s26], [sflag:$0x9] =	stream.linear.gather [hbm4b:s12+s4], $0x2000, $0x38;
	[tilespmem:$0x1C400] =	vst v63  }
0x58: {  	_ =	swait.ge [sflag:s25], $0x2000  }
0x59: {  	[sflag:s25] =	ssyncset.done $0x0  }
0x5a: {  	s14 =	rddreg [dreg:$0xe];
	[sflag:s25] =	ssyncadd.s32 $0xFFFFE000  }
0x5b: {  	[spmem:s14] =	stream.linear.scatter [tilespmem:s26], [sflag:$0x9], $0x2000, $0x38;
	[tilespmem:$0x1C400] =	vst v63  }
0x5c: {  	_ =	swait.ge [sflag:s25], $0x2000  }
0x5d: {  	[sflag:s25] =	ssyncset.done $0x0  }
0x5e: {  	s16 =	smov.u32 s15;
	s15 =	rddreg [dreg:$0x6];
	[sflag:s25] =	ssyncadd.s32 $0xFFFFE000  }
0x5f: {  	[spmem:s15] =	stream.linear.scatter [tilespmem:s24], [sflag:$0x9], $0x2000, $0x38;
	[tilespmem:$0x1C400] =	vst v63  }
0x60: {  	_ =	swait.ge [sflag:s25], $0x2000  }
0x61: {  	[sflag:s25] =	ssyncset.done $0x0;
	s13 =	rddreg [dreg:$0x7]  }
0x62: {  	[sflag:s25] =	ssyncadd.s32 $0xFFFFE000;
	s12 =	sadd.s32 s13, s5  }
0x63: {  	[tilespmem:s26], [sflag:$0x9] =	stream.linear.gather [hbm4b:s12+s4], $0x2000, $0x38;
	[tilespmem:$0x1C400] =	vst v63  }
0x64: {  	_ =	swait.ge [sflag:s25], $0x2000  }
0x65: {  	[sflag:s25] =	ssyncset.done $0x0  }
0x66: {  	s14 =	rddreg [dreg:$0xf];
	[sflag:s25] =	ssyncadd.s32 $0xFFFFE000  }
0x67: {  	[spmem:s14] =	stream.linear.scatter [tilespmem:s26], [sflag:$0x9], $0x2000, $0x38;
	[tilespmem:$0x1C400] =	vst v63  }
0x68: {  	_ =	swait.ge [sflag:s25], $0x2000  }
0x69: {  	[sflag:s25] =	ssyncset.done $0x0  }
0x6a: {  	s15 =	rddreg [dreg:$0x8];
	[sflag:s25] =	ssyncadd.s32 $0xFFFFE000  }
0x6b: {  	[spmem:s15] =	stream.linear.scatter [tilespmem:s24], [sflag:$0x9], $0x2000, $0x38;
	[tilespmem:$0x1C400] =	vst v63  }
0x6c: {  	_ =	swait.ge [sflag:s25], $0x2000  }
0x6d: {  	[sflag:s25] =	ssyncset.done $0x0;
	s13 =	rddreg [dreg:$0x9]  }
0x6e: {  	[sflag:s25] =	ssyncadd.s32 $0xFFFFE000;
	s12 =	sadd.s32 s13, s5  }
0x6f: {  	[tilespmem:s26], [sflag:$0x9] =	stream.linear.gather [hbm4b:s12+s4], $0x2000, $0x38;
	[tilespmem:$0x1C400] =	vst v63  }
0x70: {  	_ =	swait.ge [sflag:s25], $0x2000  }
0x71: {  	[sflag:s25] =	ssyncset.done $0x0  }
0x72: {  	s14 =	rddreg [dreg:$0x10];
	[sflag:s25] =	ssyncadd.s32 $0xFFFFE000  }
0x73: {  	[spmem:s14] =	stream.linear.scatter [tilespmem:s26], [sflag:$0x9], $0x2000, $0x38;
	[tilespmem:$0x1C400] =	vst v63  }
0x74: {  	_ =	swait.ge [sflag:s25], $0x2000  }
0x75: {  	[sflag:s25] =	ssyncset.done $0x0  }
0x76: {  	s15 =	rddreg [dreg:$0xa];
	[sflag:s25] =	ssyncadd.s32 $0xFFFFE000  }
0x77: {  	[spmem:s15] =	stream.linear.scatter [tilespmem:s24], [sflag:$0x9], $0x2000, $0x38;
	[tilespmem:$0x1C400] =	vst v63  }
0x78: {  	_ =	swait.ge [sflag:s25], $0x2000  }
0x79: {  	[sflag:s25] =	ssyncset.done $0x0;
	s13 =	rddreg [dreg:$0xb]  }
0x7a: {  	[sflag:s25] =	ssyncadd.s32 $0xFFFFE000;
	s12 =	sadd.s32 s13, s5  }
0x7b: {  	[tilespmem:s26], [sflag:$0x9] =	stream.linear.gather [hbm4b:s12+s4], $0x2000, $0x38;
	[tilespmem:$0x1C400] =	vst v63  }
0x7c: {  	_ =	swait.ge [sflag:s25], $0x2000  }
0x7d: {  	[sflag:s25] =	ssyncset.done $0x0  }
0x7e: {  	s14 =	rddreg [dreg:$0x11];
	[sflag:s25] =	ssyncadd.s32 $0xFFFFE000  }
0x7f: {  	[spmem:s14] =	stream.linear.scatter [tilespmem:s26], [sflag:$0x9], $0x2000, $0x38;
	[tilespmem:$0x1C400] =	vst v63  }
0x80: {  	_ =	swait.ge [sflag:s25], $0x2000  }
0x81: {  	[sflag:s25] =	ssyncset.done $0x0  }
0x82: {  	s15 =	rddreg [dreg:$0xc];
	[sflag:s25] =	ssyncadd.s32 $0xFFFFE000  }
0x83: {  	[spmem:s15] =	stream.linear.scatter [tilespmem:s24], [sflag:$0x9], $0x2000, $0x38;
	[tilespmem:$0x1C400] =	vst v63  }
0x84: {  	_ =	swait.ge [sflag:s25], $0x2000  }
0x85: {  	[sflag:s25] =	ssyncset.done $0x0  }
0x86: {  	s13 =	sadd.s32 s17, s5;
	[sflag:s25] =	ssyncadd.s32 $0xFFFFE000  }
0x87: {  	[tilespmem:s26], [sflag:$0x9] =	stream.linear.gather [hbm4b:s13+s4], $0x2000, $0x38;
	[tilespmem:$0x1C400] =	vst v63  }
0x88: {  	_ =	swait.ge [sflag:s25], $0x2000  }
0x89: {  	[sflag:s25] =	ssyncset.done $0x0  }
0x8a: {  	s14 =	rddreg [dreg:$0x12];
	[sflag:s25] =	ssyncadd.s32 $0xFFFFE000  }
0x8b: {  	[spmem:s14] =	stream.linear.scatter [tilespmem:s26], [sflag:$0x9], $0x2000, $0x38;
	[tilespmem:$0x1C400] =	vst v63  }
0x8c: {  	_ =	swait.ge [sflag:s25], $0x2000  }
0x8d: {  	[sflag:s25] =	ssyncset.done $0x0  }
0x8e: {  	[sflag:s25] =	ssyncadd.s32 $0xFFFFE000  }
0x8f: {  	[bflag:$0x0] =	sbarrier.arrive $0xFFFF  }
0x90: {  	[tilespmem:s4], [sflag:$0x1] =	stream.linear.gather [hbm4b:s6+s4], $0x100, $0x38;
	[tilespmem:$0x1C400] =	vst v63  }
0x91: {  	s15 =	sadd.s32 $0x20, s6  }
0x92: {  	[tilespmem:s28], [sflag:$0x2] =	stream.linear.gather [hbm4b:s15+s4], $0x100, $0x38;
	[tilespmem:$0x1C400] =	vst v63  }
0x93: {  	s13 =	sadd.s32 $0x40, s6  }
0x94: {  	[tilespmem:s29], [sflag:$0x3] =	stream.linear.gather [hbm4b:s13+s4], $0x100, $0x38;
	[tilespmem:$0x1C400] =	vst v63  }
0x95: {  	s14 =	sadd.s32 $0x60, s6;
	s15 =	simm.s32 $0x1  }
0x96: {  	[tilespmem:s30], [sflag:$0x4] =	stream.linear.gather [hbm4b:s14+s4], $0x100, $0x38;
	[tilespmem:$0x1C400] =	vst v63  }
0x97: {  	_ =	swait.ge [sflag:s15], $0x100  }
0x98: {  	[sflag:s15] =	ssyncset.done $0x0  }
0x99: {  	s12 =	simm.s32 $0xFFFFEC80;
	[sflag:s15] =	ssyncadd.s32 $0xFFFFFF00  }
0x9a: {  	[tilespmem:s24], [sflag:$0x5] =	stream.indirect.gather [spmem:s3], $0x40, s4, s0, $0xb8;
	[tilespmem:$0x1C400] =	vst v63  }
.LBB2_4:
0x9b: {  	_ =	swait.ge [sflag:s1], $0x2000  }
0x9c: {  	[sflag:s1] =	ssyncset.done $0x0  }
0x9d: {  	[sflag:s1] =	ssyncadd.s32 $0xFFFFE000  }
0x9e: {  	_ =	swait.ge [sflag:s18], $0x100  }
0x9f: {  	[sflag:s18] =	ssyncset.done $0x0  }
0xa0: {  	[sflag:s18] =	ssyncadd.s32 $0xFFFFFF00  }
0xa1: {  	[tilespmem:s26], [sflag:$0x6] =	stream.indirect.gather [spmem:s3], $0x40, s28, s0, $0xb8;
	[tilespmem:$0x1C400] =	vst v63  }
0xa2: {  	_ = 	snop  }
0xa3: {  	[spmem:s2] =	stream.indirect.scatter.add.f32 [tilespmem:s24], [sflag:$0x9], $0x40, s0, s0, $0xb8;
	[tilespmem:$0x1C400] =	vst v63  }
0xa4: {  	p0 =	seq.s32 s12, $0x0;
	_ =	swait.ge [sflag:s25], $0x2000  }
0xa5: {  	s13 =	sadd.s32 @!p0 s12, s6;
	[sflag:s25] =	ssyncset.done $0x0  }
0xa6: {  	s15 =	simm.s32 @!p0 $0x0;
	s14 =	sadd.s32 @!p0 $0x1400, s13;
	[sflag:s25] =	ssyncadd.s32 $0xFFFFE000  }
0xa7: {  	[tilespmem:s15], [sflag:$0x1] =	stream.linear.gather @!p0 [hbm4b:s14+s15], $0x100, $0x38;
	[tilespmem:$0x1C400] =	vst v63  }
0xa8: {  	_ =	swait.ge [sflag:s19], $0x2000  }
0xa9: {  	[sflag:s19] =	ssyncset.done $0x0  }
0xaa: {  	[sflag:s19] =	ssyncadd.s32 $0xFFFFE000  }
0xab: {  	_ =	swait.ge [sflag:s20], $0x100  }
0xac: {  	[sflag:s20] =	ssyncset.done $0x0  }
0xad: {  	[sflag:s20] =	ssyncadd.s32 $0xFFFFFF00  }
0xae: {  	[tilespmem:s21], [sflag:$0x7] =	stream.indirect.gather [spmem:s3], $0x40, s29, s0, $0xb8;
	[tilespmem:$0x1C400] =	vst v63  }
0xaf: {  	_ = 	snop  }
0xb0: {  	[spmem:s2] =	stream.indirect.scatter.add.f32 [tilespmem:s26], [sflag:$0x9], $0x40, s22, s0, $0xb8;
	[tilespmem:$0x1C400] =	vst v63  }
0xb1: {  	_ =	swait.ge [sflag:s25], $0x2000  }
0xb2: {  	[sflag:s25] =	ssyncset.done $0x0  }
0xb3: {  	s13 =	sadd.s32 @!p0 $0x1420, s13;
	s14 =	simm.s32 @!p0 $0x100;
	[sflag:s25] =	ssyncadd.s32 $0xFFFFE000  }
0xb4: {  	[tilespmem:s14], [sflag:$0x2] =	stream.linear.gather @!p0 [hbm4b:s13+s15], $0x100, $0x38;
	[tilespmem:$0x1C400] =	vst v63  }
0xb5: {  	_ =	swait.ge [sflag:s23], $0x2000  }
0xb6: {  	[sflag:s23] =	ssyncset.done $0x0  }
0xb7: {  	[sflag:s23] =	ssyncadd.s32 $0xFFFFE000  }
0xb8: {  	_ =	swait.ge [sflag:s31], $0x100  }
0xb9: {  	[sflag:s31] =	ssyncset.done $0x0  }
0xba: {  	[sflag:s31] =	ssyncadd.s32 $0xFFFFFF00  }
0xbb: {  	[tilespmem:s7], [sflag:$0x8] =	stream.indirect.gather [spmem:s3], $0x40, s30, s0, $0xb8;
	[tilespmem:$0x1C400] =	vst v63  }
0xbc: {  	_ = 	snop  }
0xbd: {  	[spmem:s2] =	stream.indirect.scatter.add.f32 [tilespmem:s21], [sflag:$0x9], $0x40, s9, s0, $0xb8;
	[tilespmem:$0x1C400] =	vst v63  }
0xbe: {  	p1 =	sne.s32 s12, $0x0;
	_ =	swait.ge [sflag:s25], $0x2000  }
0xbf: {  	s13 =	sadd.s32 @p1 s12, s6;
	s14 =	simm.s32 @p1 $0x0;
	[sflag:s25] =	ssyncset.done $0x0  }
0xc0: {  	s15 =	simm.s32 @p1 $0x200;
	s13 =	sadd.s32 @p1 $0x1440, s13;
	[sflag:s25] =	ssyncadd.s32 $0xFFFFE000  }
0xc1: {  	[tilespmem:s15], [sflag:$0x3] =	stream.linear.gather @p1 [hbm4b:s13+s14], $0x100, $0x38;
	[tilespmem:$0x1C400] =	vst v63  }
0xc2: {  	s13 =	simm.s32 @p1 $0x8  }
0xc3: {  	_ =	swait.ge @p1 [sflag:s13], $0x2000  }
0xc4: {  	[sflag:s13] =	ssyncset.done @p1 $0x0  }
0xc5: {  	[sflag:s13] =	ssyncadd.s32 @p1 $0xFFFFE000;
	s13 =	simm.s32 @p1 $0x1  }
0xc6: {  	_ =	swait.ge @p1 [sflag:s13], $0x100  }
0xc7: {  	[sflag:s13] =	ssyncset.done @p1 $0x0  }
0xc8: {  	s15 =	simm.s32 @p1 $0x400;
	[sflag:s13] =	ssyncadd.s32 @p1 $0xFFFFFF00;
	s13 =	simm.s32 @p1 $0x80  }
0xc9: {  	[tilespmem:s15], [sflag:$0x5] =	stream.indirect.gather @p1 [spmem:s3], $0x40, s14, s13, $0xb8;
	[tilespmem:$0x1C400] =	vst v63  }
0xca: {  	s13 =	simm.s32 @!p1 $0x8  }
0xcb: {  	_ =	swait.ge @!p1 [sflag:s13], $0x2000  }
0xcc: {  	[sflag:s13] =	ssyncset.done @!p1 $0x0  }
.Ltmp3:
0xcd: {  	[sflag:s13] =	ssyncadd.s32 @!p1 $0xFFFFE000;
	(pc) =	sbr.rel @p0 .LBB2_6-.Ltmp3, $4  }
0xce: {  	[spmem:s2] =	stream.indirect.scatter.add.f32 [tilespmem:s7], [sflag:$0x9], $0x40, s10, s0, $0xb8;
	[tilespmem:$0x1C400] =	vst v63  }
0xcf: {  	_ =	swait.ge [sflag:s25], $0x2000  }
0xd0: {  	[sflag:s25] =	ssyncset.done $0x0  }
0xd1: {  	[sflag:s25] =	ssyncadd.s32 $0xFFFFE000  }
.Ltmp4:
0xd2: {  	(pc) =	sbr.rel .LBB2_4-.Ltmp4, $4  }
0xd3: {  	_ = 	snop  }
0xd4: {  	s13 =	sadd.s32 s12, s6  }
0xd5: {  	s12 =	sadd.s32 $0x80, s12;
	s13 =	sadd.s32 $0x1460, s13  }
0xd6: {  	[tilespmem:s30], [sflag:$0x4] =	stream.linear.gather [hbm4b:s13+s4], $0x100, $0x38;
	[tilespmem:$0x1C400] =	vst v63  }
.LBB2_7:
0xd7: {  	_ =	sfence.sel $0x180000  }
0xd8: {  	[bflag:$0x0] =	sbarrier.arrive $0xFFFF  }
0xd9: {  	_ =	strace $0x9000004A  }
0xda: {  	s0 =	stileid.u32;
	[bflag:$0x2] =	sbarrier.arrive $0xFFFF  }
0xdb: {  	p0 =	sne.s32 s0, $0x0;
	s0 =	rddreg [dreg:$0x4]  }
0xdc: {  	s0 =	sadd.s32 @!p0 $0x100000, s0  }
0xdd: {  	[sflag:s0] =	ssyncadd.tile.s32 @!p0 $0x1;
	_ =	shalt  }
.Lfunc_end2:
_tile_overlayer_lowered:
.L_overlay_start_2:
0xde: {  	(tag) =	ssettag $0x2  }
0xdf: {  	s0 =	rddreg [dreg:$0x0];
	s2 =	stileid.u32  }
0xe0: {  	s1 =	rddreg [dreg:$0x1];
	p0 =	sne.s32 s2, $0x0  }
0xe1: {  	s3 =	rddreg [dreg:$0x2];
	[bflag:$0x3] =	sbarrier.arrive $0xFFFF;
	s2 =	simm.s32 @!p0 $0x1C09  }
0xe2: {  	[timem:s3], [sflag:s2] =	dma.local @!p0 [hbm:s0], s1  }
0xe3: {  	s0 =	simm.s32 @!p0 $0x9  }
0xe4: {  	_ =	swait.ge @!p0 [sflag:s0], s1  }
0xe5: {  	s1 =	ssub.s32 @!p0 $0x0, s1;
	[sflag:s0] =	ssyncset.done @!p0 $0x0  }
0xe6: {  	[sflag:s0] =	ssyncadd.s32 @!p0 s1  }
0xe7: {  	[bflag:$0x3] =	sbarrier.arrive $0xFFFF  }
0xe8: {  	_ =	shalt  }

// kernel: kernel.8.cloned.1.call-start
scs
__scs_entry_jumppad:
0x0: {  	(pc) =	sbr.rel $0x88, $3  }
0x1: {  	(tag) =	ssettag $0x0;
	lr =	simm.s32 $0x1  }
0x2: {  	[smem:$0x3F92] =	sst lr;
	_ =	strace $0xD0000000  }
0x3: {  	_ = 	snop  }
0x4: {  	_ = 	snop  }
0x5: {  	_ = 	snop  }
0x6: {  	_ = 	snop  }
0x7: {  	_ = 	snop  }
__scs_overlays_trampoline_lowered:
0x8: {  	[smem:$0x3FA1] =	sst s0  }
0x9: {  	[smem:$0x3FA2] =	sst s1  }
0xa: {  	[smem:$0x3FA3] =	sst s2  }
0xb: {  	[smem:$0x3FA4] =	sst s3  }
0xc: {  	[smem:$0x3FA5] =	sst s4  }
0xd: {  	[smem:$0x3FA6] =	sst s5  }
0xe: {  	[smem:$0x3FA7] =	sst s6  }
0xf: {  	[smem:$0x3FA8] =	sst s7  }
0x10: {  	[smem:$0x3FA9] =	sst s8  }
0x11: {  	[smem:$0x3FAA] =	sst s9;
	s0 =	simm.s32 @!p0 $0x0  }
0x12: {  	s1 =	sld [smem:$0x3F90];
	s0 =	simm.s32 @p0 $0x1  }
0x13: {  	[smem:$0x3FAB] =	sst s0;
	s0 =	simm.s32 @!p1 $0x0  }
0x14: {  	s2 =	sld [smem:$0x3F8F];
	s0 =	simm.s32 @p1 $0x1  }
0x15: {  	[smem:$0x3FAC] =	sst s0;
	s0 =	simm.s32 @!p2 $0x0  }
0x16: {  	s3 =	sld [smem:$0x3FDB];
	s0 =	simm.s32 @p2 $0x1  }
0x17: {  	s4 =	simm.s32 $0x1BF5;
	[smem:$0x3FAE] =	sst s0  }
0x18: {  	s0 =	sld [smem:$0x3F91];
	_ =	swait.ge [sflag:s4], $0x0  }
0x19: {  	s7 =	sld [smem:$0x3F92]  }
0x1a: {  	s8 =	sadd.s32 $0xFFFFE003, lr  }
0x1b: {  	s9 =	sadd.s32 $0xFFFFFEF7, lr;
	s5 =	simm.s32 $0xFFFFFFFF;
	p2 =	slt.u32 s8, $0xFFFFF086  }
0x1c: {  	p1 =	slt.u32 s9, $0xF7A;
	s5 =	simm.s32 @!p2 $0x0  }
0x1d: {  	s5 =	simm.s32 @p1 $0x1;
	p0 =	seq.s32 s7, s2  }
0x1e: {  	s7 =	smul.u32 @!p0 $0xF7A, s2;
	p2 =	seq.s32 @!p0 s5, $0x0  }
0x1f: {  	s9 =	smul.u32 $0xF7A, s1;
	s8 =	simm.s32 @!p0 $0x1BF5;
	p2 =	por !p2, p0  }
0x20: {  	[sflag:s8] =	ssyncset.s32 @!p0 $0xFFFFF086;
	s6 =	sadd.s32 @!p0 s3, s7;
	s7 =	simm.s32 @!p0 $0x108  }
0x21: {  	s3 =	sadd.s32 s3, s9;
	s6 =	sadd.s32 @!p0 $0x88, s6;
	s7 =	simm.s32 @p2 $0x1082  }
0x22: {  	[simem:s7], [sflag:s8] =	dma.local @!p0 [hbm:s6], $0xF7A  }
0x23: {  	s9 =	sor.u32 $0xD0000000, s2;
	s6 =	simm.s32 $0x108;
	_ =	swait.ge @!p0 [sflag:s8], $0x0  }
0x24: {  	s3 =	sadd.s32 $0x88, s3;
	s6 =	simm.s32 @!p1 $0x1082;
	[sflag:s4] =	ssyncset.s32 $0xFFFFF086  }
0x25: {  	[simem:s6], [sflag:s4] =	dma.local [hbm:s3], $0xF7A  }
0x26: {  	[smem:$0x3F92] =	sst s1;
	(tag) =	ssettag s2;
	_ =	strace s9  }
0x27: {  	s1 =	sld [smem:$0x3FA2]  }
0x28: {  	s2 =	sld [smem:$0x3FA3]  }
0x29: {  	s4 =	sld [smem:$0x3FA5]  }
0x2a: {  	p0 =	seq.s32 s5, $0x0;
	s5 =	sld [smem:$0x3FA6]  }
0x2b: {  	s6 =	sld [smem:$0x3FA7]  }
0x2c: {  	s7 =	sld [smem:$0x3FA8]  }
0x2d: {  	s3 =	simm.s32 $0x108;
	s8 =	sld [smem:$0x3FA9]  }
0x2e: {  	s3 =	simm.s32 @!p0 $0x1082;
	s9 =	sld [smem:$0x3FAA]  }
0x2f: {  	lr =	sadd.s32 s0, s3;
	s0 =	sld [smem:$0x3FA1]  }
0x30: {  	s3 =	sld [smem:$0x3FA4]  }
0x31: {  	[smem:$0x3FAD] =	sst s10  }
0x32: {  	s10 =	sld [smem:$0x3FAB];
	_ =	sdelay $0x3  }
0x33: {  	p0 =	seq.s32 s10, $0x1;
	s10 =	sld [smem:$0x3FAD];
	_ =	sdelay $0x3  }
0x34: {  	[smem:$0x3FAD] =	sst s10  }
0x35: {  	s10 =	sld [smem:$0x3FAC];
	_ =	sdelay $0x3  }
0x36: {  	p1 =	seq.s32 s10, $0x1;
	s10 =	sld [smem:$0x3FAD];
	_ =	sdelay $0x3  }
0x37: {  	[smem:$0x3FAD] =	sst s10  }
0x38: {  	s10 =	sld [smem:$0x3FAE]  }
0x39: {  	_ = 	snop;
	(pc) =	sbr.ind lr, $3  }
0x3a: {  	_ = 	snop  }
0x3b: {  	_ = 	snop  }
0x3c: {  	p2 =	seq.s32 s10, $0x1;
	s10 =	sld [smem:$0x3FAD]  }
0x3d: {  	_ =	shalt  }
0x3e: {  	_ =	shalt  }
0x3f: {  	_ =	shalt  }
0x40: {  	_ =	shalt  }
0x41: {  	_ =	shalt  }
0x42: {  	_ =	shalt  }
0x43: {  	_ =	shalt  }
0x44: {  	_ =	shalt  }
0x45: {  	_ =	shalt  }
0x46: {  	_ =	shalt  }
0x47: {  	_ =	shalt  }
0x48: {  	_ =	shalt  }
0x49: {  	_ =	shalt  }
0x4a: {  	_ =	shalt  }
0x4b: {  	_ =	shalt  }
0x4c: {  	_ =	shalt  }
0x4d: {  	_ =	shalt  }
0x4e: {  	_ =	shalt  }
0x4f: {  	_ =	shalt  }
0x50: {  	_ =	shalt  }
0x51: {  	_ =	shalt  }
0x52: {  	_ =	shalt  }
0x53: {  	_ =	shalt  }
0x54: {  	_ =	shalt  }
0x55: {  	_ =	shalt  }
0x56: {  	_ =	shalt  }
0x57: {  	_ =	shalt  }
0x58: {  	_ =	shalt  }
0x59: {  	_ =	shalt  }
0x5a: {  	_ =	shalt  }
0x5b: {  	_ =	shalt  }
0x5c: {  	_ =	shalt  }
0x5d: {  	_ =	shalt  }
0x5e: {  	_ =	shalt  }
0x5f: {  	_ =	shalt  }
0x60: {  	_ =	shalt  }
0x61: {  	_ =	shalt  }
0x62: {  	_ =	shalt  }
0x63: {  	_ =	shalt  }
0x64: {  	_ =	shalt  }
0x65: {  	_ =	shalt  }
0x66: {  	_ =	shalt  }
0x67: {  	_ =	shalt  }
0x68: {  	_ =	shalt  }
0x69: {  	_ =	shalt  }
0x6a: {  	_ =	shalt  }
0x6b: {  	_ =	shalt  }
0x6c: {  	_ =	shalt  }
0x6d: {  	_ =	shalt  }
0x6e: {  	_ =	shalt  }
0x6f: {  	_ =	shalt  }
0x70: {  	_ =	shalt  }
0x71: {  	_ =	shalt  }
0x72: {  	_ =	shalt  }
0x73: {  	_ =	shalt  }
0x74: {  	_ =	shalt  }
0x75: {  	_ =	shalt  }
0x76: {  	_ =	shalt  }
0x77: {  	_ =	shalt  }
0x78: {  	_ =	shalt  }
0x79: {  	_ =	shalt  }
0x7a: {  	_ =	shalt  }
0x7b: {  	_ =	shalt  }
0x7c: {  	_ =	shalt  }
0x7d: {  	_ =	shalt  }
0x7e: {  	_ =	shalt  }
0x7f: {  	_ =	shalt  }
0x80: {  	_ =	shalt  }
0x81: {  	_ =	shalt  }
0x82: {  	_ =	shalt  }
0x83: {  	_ =	shalt  }
0x84: {  	_ =	shalt  }
0x85: {  	_ =	shalt  }
0x86: {  	_ =	shalt  }
0x87: {  	_ =	shalt  }
.Lfunc_end0:
.L_simem_size_0:
called_computation_lowered:
.L_overlay_start_0:
0x88: {  	s2 =	sld [smem:$0x3FD9]  }
0x89: {  	s3 =	sld [smem:$0x3FFE];
	_ =	sdelay $0x1  }
0x8a: {  	s1 =	srdreg.scid  }
0x8b: {  	s0 =	sand.u32 $0x1, s1  }
0x8c: {  	s17 =	sshll.u32 s0, $0xA;
	s2 =	sadd.s32 s3, s2  }
0x8d: {  	s2 =	sadd.s32 s2, s17  }
0x8e: {  	[smem:$0x3FB9] =	sst s2  }
0x8f: {  	_ = 	snop  }
0x90: {  	s2 =	sld [smem:$0x3FD0];
	(tm) =	ssettm $0x1  }
0x91: {  	s18 =	sld [smem:$0x3FFB];
	_ =	sdelay $0x3  }
0x92: {  	_ =	strace s18  }
0x93: {  	s3 =	sld [smem:$0x3FFC];
	_ =	sdelay $0x3  }
0x94: {  	_ =	strace s3  }
0x95: {  	s3 =	sld [smem:$0x3FFD];
	_ =	sdelay $0x3  }
0x96: {  	_ =	strace s3  }
0x97: {  	_ =	strace $0x8FFFFFFF  }
0x98: {  	s19 =	sld [smem:$0x3FDB];
	_ =	sdelay $0x1  }
0x99: {  	s4 =	simm.s32 $_scs_section_size  }
0x9a: {  	s5 =	simm.s32 $_size__tile_overlayer_lowered;
	s6 =	simm.s32 $_tile_overlayer_lowered  }
0x9b: {  	s22 =	simm.s32 $0x1BFF;
	s21 =	sshll.u32 s6, $0x1;
	s3 =	sadd.s32 s4, s19  }
0x9c: {  	s7 =	simm.s32 $0x0;
	s20 =	sshll.u32 s5, $0x1;
	s5 =	sadd.s32 s21, s3  }
0x9d: {  	[timem:s7], [sflag:s22] =	dma.local [hbm:s5], s20  }
0x9e: {  	_ =	swait.ge [sflag:s22], s20  }
0x9f: {  	s4 =	ssub.s32 $0x0, s20;
	[sflag:s22] =	ssyncset.done $0x0  }
0xa0: {  	[sflag:s22] =	ssyncadd.s32 s4;
	_ =	sdelay $0x1  }
0xa1: {  	s23 =	simm.s32 $0x1B8B  }
0xa2: {  	_ =	swait.ge [sflag:s23], $0x1  }
0xa3: {  	[sflag:s23] =	ssyncset.done $0x0  }
0xa4: {  	s25 =	simm.s32 $0x1B8E;
	s24 =	sld [smem:$0x3FFE];
	[sflag:s23] =	ssyncadd.s32 $0xFFFFFFFF  }
0xa5: {  	s26 =	simm.s32 $execute0_lowered;
	[smem:$0x3FD2] =	sst s25  }
0xa6: {  	s5 =	sshll.u32 s26, $0x1;
	_ =	strace $0x80000046;
	[dreg:$0x1] =	wrdreg $0xFFFFFFFF  }
0xa7: {  	s28 =	simm.s32 $_size_execute0_lowered;
	s3 =	sadd.s32 s3, s5;
	[dreg:$0x0] =	wrdreg $0x0  }
0xa8: {  	s5 =	sshll.u32 s28, $0x1;
	[dreg:$0x2] =	wrdreg s3  }
0xa9: {  	[dreg:$0x3] =	wrdreg s5  }
0xaa: {  	[dreg:$0x4] =	wrdreg $0xC0  }
0xab: {  	_ =	task [dreg:s7], $0x5FFFF  }
0xac: {  	[dreg:$0x1] =	wrdreg $0xFFFFFFFF  }
0xad: {  	[dreg:$0x0] =	wrdreg $0x60  }
0xae: {  	[dreg:$0x2] =	wrdreg s2  }
0xaf: {  	[dreg:$0x3] =	wrdreg s24  }
0xb0: {  	[dreg:$0x4] =	wrdreg $0x58000  }
0xb1: {  	[dreg:$0x5] =	wrdreg $0x9  }
0xb2: {  	_ =	task.clear_ibuf [dreg:s7], $0x6FFFF;
	_ =	strace $0x90000046  }
0xb3: {  	s29 =	simm.s32 $0x9;
	_ =	strace $0x80000048  }
0xb4: {  	_ =	swait.ge [sflag:s29], $0x1  }
0xb5: {  	[sflag:s29] =	ssyncadd.s32 $0xFFFFFFFF  }
0xb6: {  	_ =	strace $0x90000048  }
0xb7: {  	_ =	sfence  }
0xb8: {  	s30 =	sld [smem:$0x0];
	_ =	sdelay $0x2  }
0xb9: {  	s31 =	sshll.u32 s1, $0xD;
	s1 =	sshrl.u32 s1, $0x2  }
0xba: {  	s3 =	sand.u32 $0x4000, s31;
	s1 =	sadd.s32 s1, s30  }
0xbb: {  	s0 =	sor.u32 s3, s0;
	s1 =	sshll.u32 s1, $0x11  }
0xbc: {  	s0 =	sor.u32 s1, s0  }
0xbd: {  	s0 =	sadd.s32 $0x8F2B, s0  }
0xbe: {  	[sflag:s0] =	ssyncadd.remote.s32 $0x1  }
0xbf: {  	_ =	sfence.sel $0xFFFF  }
0xc0: {  	[dreg:$0x0] =	wrdreg $0xFFFFFFFF;
	(pc) =	sbr.abs _section_cstart, $3  }
0xc1: {  	[dreg:$0x1] =	wrdreg $0xFFFFFFFF  }
0xc2: {  	_ =	task.clear_ibuf [dreg:s7], $0x2FFFF;
	_ =	strace $0x9FFFFFFF  }
0xc3: {  	(tm) =	ssettm $0x7FFFFFFF  }
tec
execute0_lowered:
.L_overlay_start_1:
0x0: {  	(tag) =	ssettag $0x1  }
0x1: {  	s4 =	rddreg [dreg:$0x0]  }
0x2: {  	s0 =	srdreg.scid;
	s6 =	rddreg [dreg:$0x1]  }
0x3: {  	s2 =	rddreg [dreg:$0x2];
	s3 =	simm.s32 $0x0;
	s10 =	simm.s32 $0x2800  }
0x4: {  	s5 =	sand.u32 $0x1, s0;
	s0 =	stileid.u32;
	[smem:$0x7FF] =	sst s3  }
0x5: {  	s1 =	sshll.u32 s5, $0x4;
	s7 =	smul.u32 $0x5000, s5;
	s5 =	ssub.s32 $0x2, s5  }
0x6: {  	s9 =	smul.u32 $0x2800, s0;
	s8 =	sor.u32 s0, s1;
	s1 =	rddreg [dreg:$0x3]  }
0x7: {  	_ =	strace $0x80000047;
	s31 =	sshrl.u32 s5, $0x1;
	s8 =	smul.u32 $0x500, s8  }
0x8: {  	s6 =	sadd.s32 s7, s6;
	s7 =	ssub.s32 s5, s31;
	s5 =	sadd.s32 s9, s2  }
0x9: {  	s12 =	sshrl.u32 s9, $0x3;
	s9 =	simm.s32 $0x80;
	s11 =	sadd.s32 $0x3400, s6  }
0xa: {  	s6 =	smax.u32 s7, $0x1;
	s7 =	simm.s32 $0x1;
	s4 =	sadd.s32 s4, s8  }
0xb: {  	v0 =	vimm.f32 $1.000000000e+00;
	v1 =	vimm.f32 $0.0e+00;
	s8 =	simm.s32 $0x3000;
	s11 =	sadd.s32 s12, s11;
	s12 =	simm.s32 $0x0  }
.LBB2_1:
0xc: {  	[tilespmem:s3], [sflag:$0x1] =	stream.linear.gather [hbm4b:s4+s3], $0x2800, $0x38;
	[tilespmem:$0x8000] =	vst v63  }
0xd: {  	_ =	swait.ge [sflag:s7], $0x2800  }
0xe: {  	[sflag:s7] =	ssyncset.done $0x0  }
0xf: {  	s13 =	simm.s32 $0x0;
	[sflag:s7] =	ssyncadd.s32 $0xFFFFD800  }
.LBB2_2:
0x10: {  	p0 =	sne.s32 s13, $0x1FC0  }
.Ltmp0:
0x11: {  	_ = 	snop;
	(pc) =	sbr.rel @p0 .LBB2_2-.Ltmp0, $3  }
0x12: {  	_ =	sdelay $0x1  }
0x13: {  	s14 =	sshra.s32 s13, $0x2  }
0x14: {  	s13 =	sadd.s32 $0x40, s13;
	[tilespmem:s14+$0x2800] =	vst v0  }
0x15: {  	s13 =	simm.s32 $0x40;
	s14 =	simm.s32 $0x0  }
.LBB2_4:
0x16: {  	p0 =	sne.s32 s13, $0x9FC0;
	[tilespmem:s14+$0x3000] =	vst v1;
	s14 =	smov.u32 s13;
	s13 =	sadd.s32 $0x40, s13  }
.Ltmp1:
0x17: {  	(pc) =	sbr.rel @p0 .LBB2_4-.Ltmp1, $2  }
0x18: {  	_ =	sdelay $0x2  }
0x19: {  	s14 =	sshra.s32 s14, $0x2  }
0x1a: {  	[tilespmem:s14+$0x3000] =	vst v1  }
0x1b: {  	[spmem:s5] =	stream.linear.scatter [tilespmem:s8], [sflag:$0x1], $0x2800, $0x38;
	[tilespmem:$0x8000] =	vst v63  }
0x1c: {  	_ =	swait.ge [sflag:s7], $0x2800  }
0x1d: {  	[sflag:s7] =	ssyncset.done $0x0  }
0x1e: {  	[sflag:s7] =	ssyncadd.s32 $0xFFFFD800  }
0x1f: {  	s13 =	simm.s32 $0x0;
	[bflag:$0x0] =	sbarrier.arrive $0xFFFF  }
0x20: {  	[spmem:s2] =	stream.indirect.scatter.add.f32 [tilespmem:s10], [sflag:$0x1], $0x10, s13, s9, $0xb8;
	[tilespmem:$0x8000] =	vst v63  }
0x21: {  	_ =	swait.ge [sflag:s7], $0x800  }
0x22: {  	s13 =	simm.s32 $0x200;
	[sflag:s7] =	ssyncset.done $0x0  }
.LBB2_6:
0x23: {  	s14 =	sshra.s32 s13, $0x2;
	[sflag:s7] =	ssyncadd.s32 $0xFFFFF800;
	p0 =	sne.s32 s13, $0x9E00  }
0x24: {  	[spmem:s2] =	stream.indirect.scatter.add.f32 [tilespmem:s10], [sflag:$0x1], $0x10, s14, s9, $0xb8;
	[tilespmem:$0x8000] =	vst v63  }
.Ltmp2:
0x25: {  	_ = 	snop;
	(pc) =	sbr.rel @p0 .LBB2_6-.Ltmp2, $4  }
0x26: {  	_ = 	snop  }
0x27: {  	s13 =	sadd.s32 $0x200, s13  }
0x28: {  	_ =	swait.ge [sflag:s7], $0x800  }
0x29: {  	[sflag:s7] =	ssyncset.done $0x0  }
0x2a: {  	[sflag:s7] =	ssyncadd.s32 $0xFFFFF800  }
0x2b: {  	[bflag:$0x0] =	sbarrier.arrive $0xFFFF  }
0x2c: {  	[tilespmem:s8], [sflag:$0x1] =	stream.linear.gather [spmem:s5], $0x2800, $0x38;
	[tilespmem:$0x8000] =	vst v63  }
0x2d: {  	s12 =	sadd.s32 $0x1, s12;
	_ =	swait.ge [sflag:s7], $0x2800  }
0x2e: {  	p0 =	sne.s32 s12, s6;
	[sflag:s7] =	ssyncset.done $0x0  }
.Ltmp3:
0x2f: {  	[sflag:s7] =	ssyncadd.s32 $0xFFFFD800;
	(pc) =	sbr.rel @p0 .LBB2_1-.Ltmp3, $4  }
0x30: {  	[hbm4b:s11+s3] =	stream.linear.scatter [tilespmem:s8], [sflag:$0x1], $0x2800, $0x38;
	[tilespmem:$0x8000] =	vst v63  }
0x31: {  	_ =	swait.ge [sflag:s7], $0x2800  }
0x32: {  	[sflag:s7] =	ssyncset.done $0x0  }
0x33: {  	[sflag:s7] =	ssyncadd.s32 $0xFFFFD800  }
0x34: {  	_ =	sfence.sel $0x180000  }
0x35: {  	[bflag:$0x0] =	sbarrier.arrive $0xFFFF  }
0x36: {  	p0 =	sne.s32 s0, $0x0;
	_ =	strace $0x90000047  }
0x37: {  	s0 =	sadd.s32 @!p0 $0x100000, s1;
	[bflag:$0x2] =	sbarrier.arrive $0xFFFF  }
0x38: {  	[sflag:s0] =	ssyncadd.tile.s32 @!p0 $0x1;
	_ =	shalt  }
.Lfunc_end2:
_tile_overlayer_lowered:
.L_overlay_start_2:
0x39: {  	(tag) =	ssettag $0x2  }
0x3a: {  	s0 =	rddreg [dreg:$0x0];
	s2 =	stileid.u32  }
0x3b: {  	s1 =	rddreg [dreg:$0x1];
	p0 =	sne.s32 s2, $0x0  }
0x3c: {  	s3 =	rddreg [dreg:$0x2];
	[bflag:$0x3] =	sbarrier.arrive $0xFFFF;
	s2 =	simm.s32 @!p0 $0x1C01  }
0x3d: {  	[timem:s3], [sflag:s2] =	dma.local @!p0 [hbm:s0], s1  }
0x3e: {  	s0 =	simm.s32 @!p0 $0x1  }
0x3f: {  	_ =	swait.ge @!p0 [sflag:s0], s1  }
0x40: {  	s1 =	ssub.s32 @!p0 $0x0, s1;
	[sflag:s0] =	ssyncset.done @!p0 $0x0  }
0x41: {  	[sflag:s0] =	ssyncadd.s32 @!p0 s1  }
0x42: {  	[bflag:$0x3] =	sbarrier.arrive $0xFFFF  }
0x43: {  	_ =	shalt  }

</sc_bundles>
